<compile_context>
chip_gen: v7x
topology: tpu7x:2x2x1
jax: 0.10.2.dev20260603
libtpu: 0.0.44.dev20260713+nightly
codegen_flags: <defaults>
</compile_context>

<pallas_src>
import functools

import jax
import jax.numpy as jnp
from jax import lax
from jax.experimental import pallas as pl
from jax.experimental.pallas import tpu as pltpu
from jax.experimental.pallas import tpu_sc as plsc

_NC = 2
_NS = 16
_K = 128


def _unpack_chunk(pk, c, half, idxbuf):
  for g in range(_K // 32):
    w = pk[c, pl.ds(half * (_K // 2) + 16 * g, 16)]
    idxbuf[0, pl.ds(32 * g, 16)] = w & 0xFFFF
    idxbuf[0, pl.ds(32 * g + 16, 16)] = lax.shift_right_logical(w, 16)


def _splits(n):
  wr = (n // _NS) & ~7
  return wr, n - _NS * wr


def _make_agg(N, D, CHUNKS):
  NPAD = N + 16
  ZROWS = NPAD // _NS
  WR, REM = _splits(N)
  mesh = plsc.VectorSubcoreMesh(core_axis_name="c", subcore_axis_name="s")

  @functools.partial(
      pl.kernel, mesh=mesh,
      out_type=[jax.ShapeDtypeStruct((_NC, N, D), jnp.float32)],
      scratch_types=[
          pltpu.VMEM((CHUNKS, _K), jnp.int32),
          pltpu.VMEM((CHUNKS // 2, _K), jnp.int32),
          pltpu.VMEM((1, _K), jnp.int32),
          pltpu.VMEM((_K, D), jnp.float32),
          pltpu.VMEM((_K, D), jnp.float32),
          pltpu.VMEM_SHARED((NPAD, D), jnp.float32),
          pltpu.SemaphoreType.DMA,
          pltpu.SemaphoreType.DMA,
      ])
  def agg(x_hbm, src_hbm, dstp_hbm, out_hbm,
          srcv, dstv, idxbuf, buf0, buf1, acc, sem0, sem1):
    c = lax.axis_index("c")
    s = lax.axis_index("s")
    w = c * _NS + s

    pltpu.sync_copy(src_hbm.at[w], srcv)
    pltpu.sync_copy(dstp_hbm.at[w], dstv)

    zero16 = jnp.zeros((16,), jnp.float32)

    def fill_zero(r, carry):
      for j in range(D // 16):
        buf0[r, pl.ds(j * 16, 16)] = zero16
      return carry

    lax.fori_loop(0, _K, fill_zero, 0)
    for off in range(0, ZROWS, _K):
      sz = min(_K, ZROWS - off)
      pltpu.sync_copy(buf0.at[pl.ds(0, sz)],
                      acc.at[pl.ds(s * ZROWS + off, sz)])
    plsc.subcore_barrier()

    pltpu.async_copy(x_hbm.at[srcv.at[0]], buf0, sem0)
    pltpu.async_copy(x_hbm.at[srcv.at[1]], buf1, sem1)

    def step(i, carry):
      c0 = 2 * i

      pltpu.make_async_copy(x_hbm.at[srcv.at[c0]], buf0, sem0).wait()
      _unpack_chunk(dstv, i, 0, idxbuf)
      pltpu.sync_copy(buf0, acc.at[idxbuf.at[0]], add=True)

      @pl.when(c0 + 2 < CHUNKS)
      def _():
        pltpu.async_copy(x_hbm.at[srcv.at[c0 + 2]], buf0, sem0)

      pltpu.make_async_copy(x_hbm.at[srcv.at[c0 + 1]], buf1, sem1).wait()
      _unpack_chunk(dstv, i, 1, idxbuf)
      pltpu.sync_copy(buf1, acc.at[idxbuf.at[0]], add=True)

      @pl.when(c0 + 3 < CHUNKS)
      def _():
        pltpu.async_copy(x_hbm.at[srcv.at[c0 + 3]], buf1, sem1)

      return carry

    lax.fori_loop(0, CHUNKS // 2, step, 0)
    plsc.subcore_barrier()

    pltpu.sync_copy(acc.at[pl.ds(s * WR, WR)],
                    out_hbm.at[c, pl.ds(s * WR, WR)])
    if REM:
      @pl.when(s == 0)
      def _():
        pltpu.sync_copy(acc.at[pl.ds(_NS * WR, REM)],
                        out_hbm.at[c, pl.ds(_NS * WR, REM)])

  return agg


def _make_deg(N, D, CHUNKS):
  NPAD = N + 16
  ZROWS = NPAD // _NS
  WR, REM = _splits(N)
  mesh = plsc.VectorSubcoreMesh(core_axis_name="c", subcore_axis_name="s")

  @functools.partial(
      pl.kernel, mesh=mesh,
      out_type=[jax.ShapeDtypeStruct((_NC, N, D), jnp.float32)],
      scratch_types=[
          pltpu.VMEM((CHUNKS // 2, _K), jnp.int32),
          pltpu.VMEM((1, _K), jnp.int32),
          pltpu.VMEM((_K, D), jnp.float32),
          pltpu.VMEM_SHARED((NPAD, D), jnp.float32),
      ])
  def deg(dstp_hbm, out_hbm, dstv, idxbuf, onesv, dacc):
    c = lax.axis_index("c")
    s = lax.axis_index("s")
    w = c * _NS + s

    pltpu.sync_copy(dstp_hbm.at[w], dstv)

    zero16 = jnp.zeros((16,), jnp.float32)

    def fill_zero(r, carry):
      for j in range(D // 16):
        onesv[r, pl.ds(j * 16, 16)] = zero16
      return carry

    lax.fori_loop(0, _K, fill_zero, 0)
    for off in range(0, ZROWS, _K):
      sz = min(_K, ZROWS - off)
      pltpu.sync_copy(onesv.at[pl.ds(0, sz)],
                      dacc.at[pl.ds(s * ZROWS + off, sz)])

    one16 = jnp.ones((16,), jnp.float32)

    def fill_one(r, carry):
      for j in range(D // 16):
        onesv[r, pl.ds(j * 16, 16)] = one16
      return carry

    lax.fori_loop(0, _K, fill_one, 0)
    plsc.subcore_barrier()

    def step(i, carry):
      _unpack_chunk(dstv, i, 0, idxbuf)
      pltpu.sync_copy(onesv, dacc.at[idxbuf.at[0]], add=True)
      _unpack_chunk(dstv, i, 1, idxbuf)
      pltpu.sync_copy(onesv, dacc.at[idxbuf.at[0]], add=True)
      return carry

    lax.fori_loop(0, CHUNKS // 2, step, 0)
    plsc.subcore_barrier()

    pltpu.sync_copy(dacc.at[pl.ds(s * WR, WR)],
                    out_hbm.at[c, pl.ds(s * WR, WR)])
    if REM:
      @pl.when(s == 0)
      def _():
        pltpu.sync_copy(dacc.at[pl.ds(_NS * WR, REM)],
                        out_hbm.at[c, pl.ds(_NS * WR, REM)])

  return deg


def _make_tc_layer(N, D, relu):
  BN = 2000
  grid = (N // BN,)

  def body(h_ref, p_ref, deg_ref, ws_ref, wn_ref, b_ref, o_ref):
    deg = jnp.maximum(deg_ref[0, :, 0:1] + deg_ref[1, :, 0:1], 1.0)
    hn = (p_ref[0] + p_ref[1]) / deg
    o = (jnp.dot(h_ref[...], ws_ref[...], preferred_element_type=jnp.float32)
         + jnp.dot(hn, wn_ref[...], preferred_element_type=jnp.float32)
         + b_ref[...])
    if relu:
      o = jnp.maximum(o, 0.0)
    o_ref[...] = o

  row_spec = pl.BlockSpec((BN, D), lambda i: (i, 0))
  pair_spec = pl.BlockSpec((2, BN, D), lambda i: (0, i, 0))
  full_spec = pl.BlockSpec((D, D), lambda i: (0, 0))
  bias_spec = pl.BlockSpec((1, D), lambda i: (0, 0))

  return pl.pallas_call(
      body,
      grid=grid,
      in_specs=[row_spec, pair_spec, pair_spec,
                full_spec, full_spec, bias_spec],
      out_specs=row_spec,
      out_shape=jax.ShapeDtypeStruct((N, D), jnp.float32),
  )


def kernel(x, edge_index, W_self0, W_neigh0, b0, W_self1, W_neigh1, b1):
  N, D = x.shape
  E = edge_index.shape[1]
  NW = _NC * _NS

  per_w = -(-E // NW)
  chunks = -(-per_w // _K)
  chunks += chunks % 2
  e_pad = NW * chunks * _K
  pad = e_pad - E
  src = edge_index[0]
  dst = edge_index[1]
  if pad:
    pad_src = (jnp.arange(pad, dtype=jnp.int32) * 97) % N
    pad_dst = N + (jnp.arange(pad, dtype=jnp.int32) % 16)
    src = jnp.concatenate([src, pad_src])
    dst = jnp.concatenate([dst, pad_dst])
  src = src.reshape(NW, chunks, _K)
  d = dst.reshape(NW, chunks, _K // 32, 2, 16)
  dstp = (d[:, :, :, 0, :] | (d[:, :, :, 1, :] << 16)).reshape(
      NW, chunks // 2, _K)

  agg = _make_agg(N, D, chunks)
  degk = _make_deg(N, D, chunks)
  layer0 = _make_tc_layer(N, D, relu=True)
  layer1 = _make_tc_layer(N, D, relu=False)

  (deg128,) = degk(dstp)
  (p,) = agg(x, src, dstp)
  h1 = layer0(x, p, deg128, W_self0, W_neigh0, b0.reshape(1, D))
  (q,) = agg(h1, src, dstp)
  out = layer1(h1, q, deg128, W_self1, W_neigh1, b1.reshape(1, D))
  return out

# --- scband reference (transcript-rebuilt; emitter-appended) ---
"""Pipeline reference for scband-sage-39556648796268 (READ-ONLY COPY).

The authoritative reference and input builder live on the scoring server;
editing this copy changes nothing except your own understanding.
"""

import jax, jax.numpy as jnp
import numpy as np

N = 10000
E = 320000
D = 128


def setup_inputs(seed: int = 0) -> dict:
    key = jax.random.key(seed)
    ks = jax.random.split(key, 9)
    x = jax.random.normal(ks[0], (N, D), dtype=jnp.float32)
    edge_index = jax.random.randint(ks[1], (2, E), 0, N, dtype=jnp.int32)
    scale = 1.0 / np.sqrt(D)
    W_self0 = jax.random.normal(ks[2], (D, D), dtype=jnp.float32) * scale
    W_neigh0 = jax.random.normal(ks[3], (D, D), dtype=jnp.float32) * scale
    b0 = jnp.zeros((D,), dtype=jnp.float32)
    W_self1 = jax.random.normal(ks[4], (D, D), dtype=jnp.float32) * scale
    W_neigh1 = jax.random.normal(ks[5], (D, D), dtype=jnp.float32) * scale
    b1 = jnp.zeros((D,), dtype=jnp.float32)
    return {"x": x, "edge_index": edge_index,
            "W_self0": W_self0, "W_neigh0": W_neigh0, "b0": b0,
            "W_self1": W_self1, "W_neigh1": W_neigh1, "b1": b1}


def _sage_conv(h, edge_index, W_self, W_neigh, b):
    # DGL SAGEConv with 'mean' aggregator:
    #   h_neigh = mean over in-neighbors of src features
    #   out = h @ W_self + h_neigh @ W_neigh + b
    src = edge_index[0]
    dst = edge_index[1]
    msg = jnp.take(h, src, axis=0)                      # gather [E, D]
    agg = jax.ops.segment_sum(msg, dst, num_segments=N)  # scatter-add [N, D]
    deg = jax.ops.segment_sum(jnp.ones((E,), dtype=h.dtype), dst, num_segments=N)
    h_neigh = agg / jnp.maximum(deg, 1.0)[:, None]
    return h @ W_self + h_neigh @ W_neigh + b


def reference(x, edge_index, W_self0, W_neigh0, b0, W_self1, W_neigh1, b1):
    # dropout p=0.0 -> identity
    h = _sage_conv(x, edge_index, W_self0, W_neigh0, b0)
    h = jax.nn.relu(h)
    h = _sage_conv(h, edge_index, W_self1, W_neigh1, b1)
    return h

if __name__ == "__main__":
    import jax
    _d = setup_inputs()
    print(jax.jit(kernel)(*tuple(_d.values())))

</pallas_src>

<mosaic_0001>
#map = affine_map<(d0, d1) -> (0, 0, 0)>
module attributes {stable_mosaic.version = 14 : i64} {
  func.func @deg(%arg0: i32, %arg1: i32, %arg2: memref<32x40x128xi32, #tpu.memory_space<hbm>>, %arg3: memref<2x10000x128xf32, #tpu.memory_space<hbm>>, %arg4: memref<40x128xi32, #tpu.memory_space<vmem>>, %arg5: memref<1x128xi32, #tpu.memory_space<vmem>>, %arg6: memref<128x128xf32, #tpu.memory_space<vmem>>, %arg7: memref<10016x128xf32, #tpu.memory_space<vmem_shared>>) attributes {dimension_semantics = [#tpu.dimension_semantics<core_parallel>, #tpu.dimension_semantics<subcore_parallel>], iteration_bounds = array<i64: 2, 16>, scalar_prefetch = 0 : i64, scratch_operands = 4 : i64, tpu.core_type = #tpu.core_type<sc_vector_subcore>, window_params = [{transform_indices = #map}, {transform_indices = #map}]} {
    %mul3A = arith.constant 16 : i32
    %mul3A_0 = arith.muli %arg0, %mul3A : i32
    %add3A = arith.addi %mul3A_0, %arg1 : i32
    "tpu.region"() ({
      %run_scoped3A = tpu.sem_alloc : memref<!tpu.dma_semaphore, #tpu.memory_space<semaphore_mem>>
      %dma_start3A = arith.constant 0 : i32
      %dma_start3A_48 = arith.constant 0 : i32
      %dma_start3A_49 = tpu.memref_slice %arg2[%add3A, %dma_start3A, %dma_start3A_48] : memref<32x40x128xi32, #tpu.memory_space<hbm>> -> memref<1x40x128xi32, #tpu.memory_space<hbm>>
      %dma_start3A_50 = tpu.memref_squeeze %dma_start3A_49 : memref<1x40x128xi32, #tpu.memory_space<hbm>> -> memref<40x128xi32, #tpu.memory_space<hbm>>
      %dma_start3A_51 = arith.constant 0 : i32
      %dma_start3A_52 = arith.constant 0 : i32
      %dma_start3A_53 = tpu.memref_slice %arg2[%add3A, %dma_start3A_51, %dma_start3A_52] : memref<32x40x128xi32, #tpu.memory_space<hbm>> -> memref<1x40x128xi32, #tpu.memory_space<hbm>>
      %dma_start3A_54 = tpu.memref_squeeze %dma_start3A_53 : memref<1x40x128xi32, #tpu.memory_space<hbm>> -> memref<40x128xi32, #tpu.memory_space<hbm>>
      tpu.enqueue_dma source(%dma_start3A_54 : memref<40x128xi32, #tpu.memory_space<hbm>>) target(%arg4 : memref<40x128xi32, #tpu.memory_space<vmem>>) target_semaphore(%run_scoped3A : memref<!tpu.dma_semaphore, #tpu.memory_space<semaphore_mem>>)
      %dma_wait3A = arith.constant 0 : i32
      %dma_wait3A_55 = arith.constant 0 : i32
      %dma_wait3A_56 = tpu.memref_slice %arg2[%add3A, %dma_wait3A, %dma_wait3A_55] : memref<32x40x128xi32, #tpu.memory_space<hbm>> -> memref<1x40x128xi32, #tpu.memory_space<hbm>>
      %dma_wait3A_57 = tpu.memref_squeeze %dma_wait3A_56 : memref<1x40x128xi32, #tpu.memory_space<hbm>> -> memref<40x128xi32, #tpu.memory_space<hbm>>
      %dma_wait3A_58 = arith.constant 0 : i32
      %dma_wait3A_59 = arith.constant 0 : i32
      %dma_wait3A_60 = tpu.memref_slice %arg2[%add3A, %dma_wait3A_58, %dma_wait3A_59] : memref<32x40x128xi32, #tpu.memory_space<hbm>> -> memref<1x40x128xi32, #tpu.memory_space<hbm>>
      %dma_wait3A_61 = tpu.memref_squeeze %dma_wait3A_60 : memref<1x40x128xi32, #tpu.memory_space<hbm>> -> memref<40x128xi32, #tpu.memory_space<hbm>>
      tpu.wait_dma2 semaphore(%run_scoped3A : memref<!tpu.dma_semaphore, #tpu.memory_space<semaphore_mem>>) src(%dma_wait3A_61 : memref<40x128xi32, #tpu.memory_space<hbm>>) dst(%arg4 : memref<40x128xi32, #tpu.memory_space<vmem>>)
      tpu.yield
    }) : () -> ()
    %broadcast_in_dim3A = arith.constant 0.000000e+00 : f32
    %broadcast_in_dim3A_1 = vector.broadcast %broadcast_in_dim3A : f32 to vector<16xf32>
    %scan3A = arith.constant 0 : i32
    %scan3A_2 = arith.constant 0 : i32
    %scan3A_3 = arith.constant 128 : i32
    %scan3A_4 = arith.addi %scan3A_2, %scan3A_3 : i32
    %scan3A_5 = arith.constant 1 : i32
    scf.for %scan3A_48 = %scan3A_2 to %scan3A_4 step %scan3A_5  : i32 {
      %swap3A = arith.index_cast %scan3A_48 : i32 to index
      %swap3A_49 = arith.constant 0 : index
      %swap3A_50 = tpu.vector_load %arg6[%swap3A, %swap3A_49] {strides = array<i32>} : memref<128x128xf32, #tpu.memory_space<vmem>>, vector<1x16xf32>,
      %swap3A_51 = vector.shape_cast %swap3A_50 : vector<1x16xf32> to vector<16xf32>
      %swap3A_52 = vector.shape_cast %broadcast_in_dim3A_1 : vector<16xf32> to vector<1x16xf32>
      tpu.vector_store %arg6[%swap3A, %swap3A_49], %swap3A_52 {strides = array<i32>} : memref<128x128xf32, #tpu.memory_space<vmem>>, vector<1x16xf32>,
      %swap3A_53 = arith.index_cast %scan3A_48 : i32 to index
      %swap3A_54 = arith.constant 16 : index
      %swap3A_55 = tpu.vector_load %arg6[%swap3A_53, %swap3A_54] {strides = array<i32>} : memref<128x128xf32, #tpu.memory_space<vmem>>, vector<1x16xf32>,
      %swap3A_56 = vector.shape_cast %swap3A_55 : vector<1x16xf32> to vector<16xf32>
      %swap3A_57 = vector.shape_cast %broadcast_in_dim3A_1 : vector<16xf32> to vector<1x16xf32>
      tpu.vector_store %arg6[%swap3A_53, %swap3A_54], %swap3A_57 {strides = array<i32>} : memref<128x128xf32, #tpu.memory_space<vmem>>, vector<1x16xf32>,
      %swap3A_58 = arith.index_cast %scan3A_48 : i32 to index
      %swap3A_59 = arith.constant 32 : index
      %swap3A_60 = tpu.vector_load %arg6[%swap3A_58, %swap3A_59] {strides = array<i32>} : memref<128x128xf32, #tpu.memory_space<vmem>>, vector<1x16xf32>,
      %swap3A_61 = vector.shape_cast %swap3A_60 : vector<1x16xf32> to vector<16xf32>
      %swap3A_62 = vector.shape_cast %broadcast_in_dim3A_1 : vector<16xf32> to vector<1x16xf32>
      tpu.vector_store %arg6[%swap3A_58, %swap3A_59], %swap3A_62 {strides = array<i32>} : memref<128x128xf32, #tpu.memory_space<vmem>>, vector<1x16xf32>,
      %swap3A_63 = arith.index_cast %scan3A_48 : i32 to index
      %swap3A_64 = arith.constant 48 : index
      %swap3A_65 = tpu.vector_load %arg6[%swap3A_63, %swap3A_64] {strides = array<i32>} : memref<128x128xf32, #tpu.memory_space<vmem>>, vector<1x16xf32>,
      %swap3A_66 = vector.shape_cast %swap3A_65 : vector<1x16xf32> to vector<16xf32>
      %swap3A_67 = vector.shape_cast %broadcast_in_dim3A_1 : vector<16xf32> to vector<1x16xf32>
      tpu.vector_store %arg6[%swap3A_63, %swap3A_64], %swap3A_67 {strides = array<i32>} : memref<128x128xf32, #tpu.memory_space<vmem>>, vector<1x16xf32>,
      %swap3A_68 = arith.index_cast %scan3A_48 : i32 to index
      %swap3A_69 = arith.constant 64 : index
      %swap3A_70 = tpu.vector_load %arg6[%swap3A_68, %swap3A_69] {strides = array<i32>} : memref<128x128xf32, #tpu.memory_space<vmem>>, vector<1x16xf32>,
      %swap3A_71 = vector.shape_cast %swap3A_70 : vector<1x16xf32> to vector<16xf32>
      %swap3A_72 = vector.shape_cast %broadcast_in_dim3A_1 : vector<16xf32> to vector<1x16xf32>
      tpu.vector_store %arg6[%swap3A_68, %swap3A_69], %swap3A_72 {strides = array<i32>} : memref<128x128xf32, #tpu.memory_space<vmem>>, vector<1x16xf32>,
      %swap3A_73 = arith.index_cast %scan3A_48 : i32 to index
      %swap3A_74 = arith.constant 80 : index
      %swap3A_75 = tpu.vector_load %arg6[%swap3A_73, %swap3A_74] {strides = array<i32>} : memref<128x128xf32, #tpu.memory_space<vmem>>, vector<1x16xf32>,
      %swap3A_76 = vector.shape_cast %swap3A_75 : vector<1x16xf32> to vector<16xf32>
      %swap3A_77 = vector.shape_cast %broadcast_in_dim3A_1 : vector<16xf32> to vector<1x16xf32>
      tpu.vector_store %arg6[%swap3A_73, %swap3A_74], %swap3A_77 {strides = array<i32>} : memref<128x128xf32, #tpu.memory_space<vmem>>, vector<1x16xf32>,
      %swap3A_78 = arith.index_cast %scan3A_48 : i32 to index
      %swap3A_79 = arith.constant 96 : index
      %swap3A_80 = tpu.vector_load %arg6[%swap3A_78, %swap3A_79] {strides = array<i32>} : memref<128x128xf32, #tpu.memory_space<vmem>>, vector<1x16xf32>,
      %swap3A_81 = vector.shape_cast %swap3A_80 : vector<1x16xf32> to vector<16xf32>
      %swap3A_82 = vector.shape_cast %broadcast_in_dim3A_1 : vector<16xf32> to vector<1x16xf32>
      tpu.vector_store %arg6[%swap3A_78, %swap3A_79], %swap3A_82 {strides = array<i32>} : memref<128x128xf32, #tpu.memory_space<vmem>>, vector<1x16xf32>,
      %swap3A_83 = arith.index_cast %scan3A_48 : i32 to index
      %swap3A_84 = arith.constant 112 : index
      %swap3A_85 = tpu.vector_load %arg6[%swap3A_83, %swap3A_84] {strides = array<i32>} : memref<128x128xf32, #tpu.memory_space<vmem>>, vector<1x16xf32>,
      %swap3A_86 = vector.shape_cast %swap3A_85 : vector<1x16xf32> to vector<16xf32>
      %swap3A_87 = vector.shape_cast %broadcast_in_dim3A_1 : vector<16xf32> to vector<1x16xf32>
      tpu.vector_store %arg6[%swap3A_83, %swap3A_84], %swap3A_87 {strides = array<i32>} : memref<128x128xf32, #tpu.memory_space<vmem>>, vector<1x16xf32>,
    }
    %scan3A_6 = arith.constant 128 : i32
    %mul3A_7 = arith.constant 626 : i32
    %mul3A_8 = arith.muli %arg1, %mul3A_7 : i32
    %add3A_9 = arith.constant 0 : i32
    %add3A_10 = arith.addi %mul3A_8, %add3A_9 : i32
    "tpu.region"() ({
      %run_scoped3A = tpu.sem_alloc : memref<!tpu.dma_semaphore, #tpu.memory_space<semaphore_mem>>
      %dma_start3A = arith.constant 0 : i32
      %dma_start3A_48 = arith.constant 0 : i32
      %dma_start3A_49 = tpu.memref_slice %arg6[%dma_start3A, %dma_start3A_48] : memref<128x128xf32, #tpu.memory_space<vmem>> -> memref<128x128xf32, #tpu.memory_space<vmem>>
      %dma_start3A_50 = arith.constant 0 : i32
      %dma_start3A_51 = tpu.memref_slice %arg7[%add3A_10, %dma_start3A_50] : memref<10016x128xf32, #tpu.memory_space<vmem_shared>> -> memref<128x128xf32, #tpu.memory_space<vmem_shared>>
      %dma_start3A_52 = arith.constant 0 : i32
      %dma_start3A_53 = tpu.memref_slice %arg7[%add3A_10, %dma_start3A_52] : memref<10016x128xf32, #tpu.memory_space<vmem_shared>> -> memref<128x128xf32, #tpu.memory_space<vmem_shared>>
      %dma_start3A_54 = arith.constant 0 : i32
      %dma_start3A_55 = arith.constant 0 : i32
      %dma_start3A_56 = tpu.memref_slice %arg6[%dma_start3A_54, %dma_start3A_55] : memref<128x128xf32, #tpu.memory_space<vmem>> -> memref<128x128xf32, #tpu.memory_space<vmem>>
      tpu.enqueue_dma source(%dma_start3A_56 : memref<128x128xf32, #tpu.memory_space<vmem>>) target(%dma_start3A_53 : memref<128x128xf32, #tpu.memory_space<vmem_shared>>) target_semaphore(%run_scoped3A : memref<!tpu.dma_semaphore, #tpu.memory_space<semaphore_mem>>)
      %dma_wait3A = arith.constant 0 : i32
      %dma_wait3A_57 = arith.constant 0 : i32
      %dma_wait3A_58 = tpu.memref_slice %arg6[%dma_wait3A, %dma_wait3A_57] : memref<128x128xf32, #tpu.memory_space<vmem>> -> memref<128x128xf32, #tpu.memory_space<vmem>>
      %dma_wait3A_59 = arith.constant 0 : i32
      %dma_wait3A_60 = tpu.memref_slice %arg7[%add3A_10, %dma_wait3A_59] : memref<10016x128xf32, #tpu.memory_space<vmem_shared>> -> memref<128x128xf32, #tpu.memory_space<vmem_shared>>
      %dma_wait3A_61 = arith.constant 0 : i32
      %dma_wait3A_62 = tpu.memref_slice %arg7[%add3A_10, %dma_wait3A_61] : memref<10016x128xf32, #tpu.memory_space<vmem_shared>> -> memref<128x128xf32, #tpu.memory_space<vmem_shared>>
      %dma_wait3A_63 = arith.constant 0 : i32
      %dma_wait3A_64 = arith.constant 0 : i32
      %dma_wait3A_65 = tpu.memref_slice %arg6[%dma_wait3A_63, %dma_wait3A_64] : memref<128x128xf32, #tpu.memory_space<vmem>> -> memref<128x128xf32, #tpu.memory_space<vmem>>
      tpu.wait_dma2 semaphore(%run_scoped3A : memref<!tpu.dma_semaphore, #tpu.memory_space<semaphore_mem>>) src(%dma_wait3A_65 : memref<128x128xf32, #tpu.memory_space<vmem>>) dst(%dma_wait3A_62 : memref<128x128xf32, #tpu.memory_space<vmem_shared>>)
      tpu.yield
    }) : () -> ()
    %mul3A_11 = arith.constant 626 : i32
    %mul3A_12 = arith.muli %arg1, %mul3A_11 : i32
    %add3A_13 = arith.constant 128 : i32
    %add3A_14 = arith.addi %mul3A_12, %add3A_13 : i32
    "tpu.region"() ({
      %run_scoped3A = tpu.sem_alloc : memref<!tpu.dma_semaphore, #tpu.memory_space<semaphore_mem>>
      %dma_start3A = arith.constant 0 : i32
      %dma_start3A_48 = arith.constant 0 : i32
      %dma_start3A_49 = tpu.memref_slice %arg6[%dma_start3A, %dma_start3A_48] : memref<128x128xf32, #tpu.memory_space<vmem>> -> memref<128x128xf32, #tpu.memory_space<vmem>>
      %dma_start3A_50 = arith.constant 0 : i32
      %dma_start3A_51 = tpu.memref_slice %arg7[%add3A_14, %dma_start3A_50] : memref<10016x128xf32, #tpu.memory_space<vmem_shared>> -> memref<128x128xf32, #tpu.memory_space<vmem_shared>>
      %dma_start3A_52 = arith.constant 0 : i32
      %dma_start3A_53 = tpu.memref_slice %arg7[%add3A_14, %dma_start3A_52] : memref<10016x128xf32, #tpu.memory_space<vmem_shared>> -> memref<128x128xf32, #tpu.memory_space<vmem_shared>>
      %dma_start3A_54 = arith.constant 0 : i32
      %dma_start3A_55 = arith.constant 0 : i32
      %dma_start3A_56 = tpu.memref_slice %arg6[%dma_start3A_54, %dma_start3A_55] : memref<128x128xf32, #tpu.memory_space<vmem>> -> memref<128x128xf32, #tpu.memory_space<vmem>>
      tpu.enqueue_dma source(%dma_start3A_56 : memref<128x128xf32, #tpu.memory_space<vmem>>) target(%dma_start3A_53 : memref<128x128xf32, #tpu.memory_space<vmem_shared>>) target_semaphore(%run_scoped3A : memref<!tpu.dma_semaphore, #tpu.memory_space<semaphore_mem>>)
      %dma_wait3A = arith.constant 0 : i32
      %dma_wait3A_57 = arith.constant 0 : i32
      %dma_wait3A_58 = tpu.memref_slice %arg6[%dma_wait3A, %dma_wait3A_57] : memref<128x128xf32, #tpu.memory_space<vmem>> -> memref<128x128xf32, #tpu.memory_space<vmem>>
      %dma_wait3A_59 = arith.constant 0 : i32
      %dma_wait3A_60 = tpu.memref_slice %arg7[%add3A_14, %dma_wait3A_59] : memref<10016x128xf32, #tpu.memory_space<vmem_shared>> -> memref<128x128xf32, #tpu.memory_space<vmem_shared>>
      %dma_wait3A_61 = arith.constant 0 : i32
      %dma_wait3A_62 = tpu.memref_slice %arg7[%add3A_14, %dma_wait3A_61] : memref<10016x128xf32, #tpu.memory_space<vmem_shared>> -> memref<128x128xf32, #tpu.memory_space<vmem_shared>>
      %dma_wait3A_63 = arith.constant 0 : i32
      %dma_wait3A_64 = arith.constant 0 : i32
      %dma_wait3A_65 = tpu.memref_slice %arg6[%dma_wait3A_63, %dma_wait3A_64] : memref<128x128xf32, #tpu.memory_space<vmem>> -> memref<128x128xf32, #tpu.memory_space<vmem>>
      tpu.wait_dma2 semaphore(%run_scoped3A : memref<!tpu.dma_semaphore, #tpu.memory_space<semaphore_mem>>) src(%dma_wait3A_65 : memref<128x128xf32, #tpu.memory_space<vmem>>) dst(%dma_wait3A_62 : memref<128x128xf32, #tpu.memory_space<vmem_shared>>)
      tpu.yield
    }) : () -> ()
    %mul3A_15 = arith.constant 626 : i32
    %mul3A_16 = arith.muli %arg1, %mul3A_15 : i32
    %add3A_17 = arith.constant 256 : i32
    %add3A_18 = arith.addi %mul3A_16, %add3A_17 : i32
    "tpu.region"() ({
      %run_scoped3A = tpu.sem_alloc : memref<!tpu.dma_semaphore, #tpu.memory_space<semaphore_mem>>
      %dma_start3A = arith.constant 0 : i32
      %dma_start3A_48 = arith.constant 0 : i32
      %dma_start3A_49 = tpu.memref_slice %arg6[%dma_start3A, %dma_start3A_48] : memref<128x128xf32, #tpu.memory_space<vmem>> -> memref<128x128xf32, #tpu.memory_space<vmem>>
      %dma_start3A_50 = arith.constant 0 : i32
      %dma_start3A_51 = tpu.memref_slice %arg7[%add3A_18, %dma_start3A_50] : memref<10016x128xf32, #tpu.memory_space<vmem_shared>> -> memref<128x128xf32, #tpu.memory_space<vmem_shared>>
      %dma_start3A_52 = arith.constant 0 : i32
      %dma_start3A_53 = tpu.memref_slice %arg7[%add3A_18, %dma_start3A_52] : memref<10016x128xf32, #tpu.memory_space<vmem_shared>> -> memref<128x128xf32, #tpu.memory_space<vmem_shared>>
      %dma_start3A_54 = arith.constant 0 : i32
      %dma_start3A_55 = arith.constant 0 : i32
      %dma_start3A_56 = tpu.memref_slice %arg6[%dma_start3A_54, %dma_start3A_55] : memref<128x128xf32, #tpu.memory_space<vmem>> -> memref<128x128xf32, #tpu.memory_space<vmem>>
      tpu.enqueue_dma source(%dma_start3A_56 : memref<128x128xf32, #tpu.memory_space<vmem>>) target(%dma_start3A_53 : memref<128x128xf32, #tpu.memory_space<vmem_shared>>) target_semaphore(%run_scoped3A : memref<!tpu.dma_semaphore, #tpu.memory_space<semaphore_mem>>)
      %dma_wait3A = arith.constant 0 : i32
      %dma_wait3A_57 = arith.constant 0 : i32
      %dma_wait3A_58 = tpu.memref_slice %arg6[%dma_wait3A, %dma_wait3A_57] : memref<128x128xf32, #tpu.memory_space<vmem>> -> memref<128x128xf32, #tpu.memory_space<vmem>>
      %dma_wait3A_59 = arith.constant 0 : i32
      %dma_wait3A_60 = tpu.memref_slice %arg7[%add3A_18, %dma_wait3A_59] : memref<10016x128xf32, #tpu.memory_space<vmem_shared>> -> memref<128x128xf32, #tpu.memory_space<vmem_shared>>
      %dma_wait3A_61 = arith.constant 0 : i32
      %dma_wait3A_62 = tpu.memref_slice %arg7[%add3A_18, %dma_wait3A_61] : memref<10016x128xf32, #tpu.memory_space<vmem_shared>> -> memref<128x128xf32, #tpu.memory_space<vmem_shared>>
      %dma_wait3A_63 = arith.constant 0 : i32
      %dma_wait3A_64 = arith.constant 0 : i32
      %dma_wait3A_65 = tpu.memref_slice %arg6[%dma_wait3A_63, %dma_wait3A_64] : memref<128x128xf32, #tpu.memory_space<vmem>> -> memref<128x128xf32, #tpu.memory_space<vmem>>
      tpu.wait_dma2 semaphore(%run_scoped3A : memref<!tpu.dma_semaphore, #tpu.memory_space<semaphore_mem>>) src(%dma_wait3A_65 : memref<128x128xf32, #tpu.memory_space<vmem>>) dst(%dma_wait3A_62 : memref<128x128xf32, #tpu.memory_space<vmem_shared>>)
      tpu.yield
    }) : () -> ()
    %mul3A_19 = arith.constant 626 : i32
    %mul3A_20 = arith.muli %arg1, %mul3A_19 : i32
    %add3A_21 = arith.constant 384 : i32
    %add3A_22 = arith.addi %mul3A_20, %add3A_21 : i32
    "tpu.region"() ({
      %run_scoped3A = tpu.sem_alloc : memref<!tpu.dma_semaphore, #tpu.memory_space<semaphore_mem>>
      %dma_start3A = arith.constant 0 : i32
      %dma_start3A_48 = arith.constant 0 : i32
      %dma_start3A_49 = tpu.memref_slice %arg6[%dma_start3A, %dma_start3A_48] : memref<128x128xf32, #tpu.memory_space<vmem>> -> memref<128x128xf32, #tpu.memory_space<vmem>>
      %dma_start3A_50 = arith.constant 0 : i32
      %dma_start3A_51 = tpu.memref_slice %arg7[%add3A_22, %dma_start3A_50] : memref<10016x128xf32, #tpu.memory_space<vmem_shared>> -> memref<128x128xf32, #tpu.memory_space<vmem_shared>>
      %dma_start3A_52 = arith.constant 0 : i32
      %dma_start3A_53 = tpu.memref_slice %arg7[%add3A_22, %dma_start3A_52] : memref<10016x128xf32, #tpu.memory_space<vmem_shared>> -> memref<128x128xf32, #tpu.memory_space<vmem_shared>>
      %dma_start3A_54 = arith.constant 0 : i32
      %dma_start3A_55 = arith.constant 0 : i32
      %dma_start3A_56 = tpu.memref_slice %arg6[%dma_start3A_54, %dma_start3A_55] : memref<128x128xf32, #tpu.memory_space<vmem>> -> memref<128x128xf32, #tpu.memory_space<vmem>>
      tpu.enqueue_dma source(%dma_start3A_56 : memref<128x128xf32, #tpu.memory_space<vmem>>) target(%dma_start3A_53 : memref<128x128xf32, #tpu.memory_space<vmem_shared>>) target_semaphore(%run_scoped3A : memref<!tpu.dma_semaphore, #tpu.memory_space<semaphore_mem>>)
      %dma_wait3A = arith.constant 0 : i32
      %dma_wait3A_57 = arith.constant 0 : i32
      %dma_wait3A_58 = tpu.memref_slice %arg6[%dma_wait3A, %dma_wait3A_57] : memref<128x128xf32, #tpu.memory_space<vmem>> -> memref<128x128xf32, #tpu.memory_space<vmem>>
      %dma_wait3A_59 = arith.constant 0 : i32
      %dma_wait3A_60 = tpu.memref_slice %arg7[%add3A_22, %dma_wait3A_59] : memref<10016x128xf32, #tpu.memory_space<vmem_shared>> -> memref<128x128xf32, #tpu.memory_space<vmem_shared>>
      %dma_wait3A_61 = arith.constant 0 : i32
      %dma_wait3A_62 = tpu.memref_slice %arg7[%add3A_22, %dma_wait3A_61] : memref<10016x128xf32, #tpu.memory_space<vmem_shared>> -> memref<128x128xf32, #tpu.memory_space<vmem_shared>>
      %dma_wait3A_63 = arith.constant 0 : i32
      %dma_wait3A_64 = arith.constant 0 : i32
      %dma_wait3A_65 = tpu.memref_slice %arg6[%dma_wait3A_63, %dma_wait3A_64] : memref<128x128xf32, #tpu.memory_space<vmem>> -> memref<128x128xf32, #tpu.memory_space<vmem>>
      tpu.wait_dma2 semaphore(%run_scoped3A : memref<!tpu.dma_semaphore, #tpu.memory_space<semaphore_mem>>) src(%dma_wait3A_65 : memref<128x128xf32, #tpu.memory_space<vmem>>) dst(%dma_wait3A_62 : memref<128x128xf32, #tpu.memory_space<vmem_shared>>)
      tpu.yield
    }) : () -> ()
    %mul3A_23 = arith.constant 626 : i32
    %mul3A_24 = arith.muli %arg1, %mul3A_23 : i32
    %add3A_25 = arith.constant 512 : i32
    %add3A_26 = arith.addi %mul3A_24, %add3A_25 : i32
    "tpu.region"() ({
      %run_scoped3A = tpu.sem_alloc : memref<!tpu.dma_semaphore, #tpu.memory_space<semaphore_mem>>
      %dma_start3A = arith.constant 0 : i32
      %dma_start3A_48 = arith.constant 0 : i32
      %dma_start3A_49 = tpu.memref_slice %arg6[%dma_start3A, %dma_start3A_48] : memref<128x128xf32, #tpu.memory_space<vmem>> -> memref<114x128xf32, #tpu.memory_space<vmem>>
      %dma_start3A_50 = arith.constant 0 : i32
      %dma_start3A_51 = tpu.memref_slice %arg7[%add3A_26, %dma_start3A_50] : memref<10016x128xf32, #tpu.memory_space<vmem_shared>> -> memref<114x128xf32, #tpu.memory_space<vmem_shared>>
      %dma_start3A_52 = arith.constant 0 : i32
      %dma_start3A_53 = tpu.memref_slice %arg7[%add3A_26, %dma_start3A_52] : memref<10016x128xf32, #tpu.memory_space<vmem_shared>> -> memref<114x128xf32, #tpu.memory_space<vmem_shared>>
      %dma_start3A_54 = arith.constant 0 : i32
      %dma_start3A_55 = arith.constant 0 : i32
      %dma_start3A_56 = tpu.memref_slice %arg6[%dma_start3A_54, %dma_start3A_55] : memref<128x128xf32, #tpu.memory_space<vmem>> -> memref<114x128xf32, #tpu.memory_space<vmem>>
      tpu.enqueue_dma source(%dma_start3A_56 : memref<114x128xf32, #tpu.memory_space<vmem>>) target(%dma_start3A_53 : memref<114x128xf32, #tpu.memory_space<vmem_shared>>) target_semaphore(%run_scoped3A : memref<!tpu.dma_semaphore, #tpu.memory_space<semaphore_mem>>)
      %dma_wait3A = arith.constant 0 : i32
      %dma_wait3A_57 = arith.constant 0 : i32
      %dma_wait3A_58 = tpu.memref_slice %arg6[%dma_wait3A, %dma_wait3A_57] : memref<128x128xf32, #tpu.memory_space<vmem>> -> memref<114x128xf32, #tpu.memory_space<vmem>>
      %dma_wait3A_59 = arith.constant 0 : i32
      %dma_wait3A_60 = tpu.memref_slice %arg7[%add3A_26, %dma_wait3A_59] : memref<10016x128xf32, #tpu.memory_space<vmem_shared>> -> memref<114x128xf32, #tpu.memory_space<vmem_shared>>
      %dma_wait3A_61 = arith.constant 0 : i32
      %dma_wait3A_62 = tpu.memref_slice %arg7[%add3A_26, %dma_wait3A_61] : memref<10016x128xf32, #tpu.memory_space<vmem_shared>> -> memref<114x128xf32, #tpu.memory_space<vmem_shared>>
      %dma_wait3A_63 = arith.constant 0 : i32
      %dma_wait3A_64 = arith.constant 0 : i32
      %dma_wait3A_65 = tpu.memref_slice %arg6[%dma_wait3A_63, %dma_wait3A_64] : memref<128x128xf32, #tpu.memory_space<vmem>> -> memref<114x128xf32, #tpu.memory_space<vmem>>
      tpu.wait_dma2 semaphore(%run_scoped3A : memref<!tpu.dma_semaphore, #tpu.memory_space<semaphore_mem>>) src(%dma_wait3A_65 : memref<114x128xf32, #tpu.memory_space<vmem>>) dst(%dma_wait3A_62 : memref<114x128xf32, #tpu.memory_space<vmem_shared>>)
      tpu.yield
    }) : () -> ()
    %broadcast_in_dim3A_27 = arith.constant 1.000000e+00 : f32
    %broadcast_in_dim3A_28 = vector.broadcast %broadcast_in_dim3A_27 : f32 to vector<16xf32>
    %scan3A_29 = arith.constant 0 : i32
    %scan3A_30 = arith.constant 0 : i32
    %scan3A_31 = arith.constant 128 : i32
    %scan3A_32 = arith.addi %scan3A_30, %scan3A_31 : i32
    %scan3A_33 = arith.constant 1 : i32
    scf.for %scan3A_48 = %scan3A_30 to %scan3A_32 step %scan3A_33  : i32 {
      %swap3A = arith.index_cast %scan3A_48 : i32 to index
      %swap3A_49 = arith.constant 0 : index
      %swap3A_50 = tpu.vector_load %arg6[%swap3A, %swap3A_49] {strides = array<i32>} : memref<128x128xf32, #tpu.memory_space<vmem>>, vector<1x16xf32>,
      %swap3A_51 = vector.shape_cast %swap3A_50 : vector<1x16xf32> to vector<16xf32>
      %swap3A_52 = vector.shape_cast %broadcast_in_dim3A_28 : vector<16xf32> to vector<1x16xf32>
      tpu.vector_store %arg6[%swap3A, %swap3A_49], %swap3A_52 {strides = array<i32>} : memref<128x128xf32, #tpu.memory_space<vmem>>, vector<1x16xf32>,
      %swap3A_53 = arith.index_cast %scan3A_48 : i32 to index
      %swap3A_54 = arith.constant 16 : index
      %swap3A_55 = tpu.vector_load %arg6[%swap3A_53, %swap3A_54] {strides = array<i32>} : memref<128x128xf32, #tpu.memory_space<vmem>>, vector<1x16xf32>,
      %swap3A_56 = vector.shape_cast %swap3A_55 : vector<1x16xf32> to vector<16xf32>
      %swap3A_57 = vector.shape_cast %broadcast_in_dim3A_28 : vector<16xf32> to vector<1x16xf32>
      tpu.vector_store %arg6[%swap3A_53, %swap3A_54], %swap3A_57 {strides = array<i32>} : memref<128x128xf32, #tpu.memory_space<vmem>>, vector<1x16xf32>,
      %swap3A_58 = arith.index_cast %scan3A_48 : i32 to index
      %swap3A_59 = arith.constant 32 : index
      %swap3A_60 = tpu.vector_load %arg6[%swap3A_58, %swap3A_59] {strides = array<i32>} : memref<128x128xf32, #tpu.memory_space<vmem>>, vector<1x16xf32>,
      %swap3A_61 = vector.shape_cast %swap3A_60 : vector<1x16xf32> to vector<16xf32>
      %swap3A_62 = vector.shape_cast %broadcast_in_dim3A_28 : vector<16xf32> to vector<1x16xf32>
      tpu.vector_store %arg6[%swap3A_58, %swap3A_59], %swap3A_62 {strides = array<i32>} : memref<128x128xf32, #tpu.memory_space<vmem>>, vector<1x16xf32>,
      %swap3A_63 = arith.index_cast %scan3A_48 : i32 to index
      %swap3A_64 = arith.constant 48 : index
      %swap3A_65 = tpu.vector_load %arg6[%swap3A_63, %swap3A_64] {strides = array<i32>} : memref<128x128xf32, #tpu.memory_space<vmem>>, vector<1x16xf32>,
      %swap3A_66 = vector.shape_cast %swap3A_65 : vector<1x16xf32> to vector<16xf32>
      %swap3A_67 = vector.shape_cast %broadcast_in_dim3A_28 : vector<16xf32> to vector<1x16xf32>
      tpu.vector_store %arg6[%swap3A_63, %swap3A_64], %swap3A_67 {strides = array<i32>} : memref<128x128xf32, #tpu.memory_space<vmem>>, vector<1x16xf32>,
      %swap3A_68 = arith.index_cast %scan3A_48 : i32 to index
      %swap3A_69 = arith.constant 64 : index
      %swap3A_70 = tpu.vector_load %arg6[%swap3A_68, %swap3A_69] {strides = array<i32>} : memref<128x128xf32, #tpu.memory_space<vmem>>, vector<1x16xf32>,
      %swap3A_71 = vector.shape_cast %swap3A_70 : vector<1x16xf32> to vector<16xf32>
      %swap3A_72 = vector.shape_cast %broadcast_in_dim3A_28 : vector<16xf32> to vector<1x16xf32>
      tpu.vector_store %arg6[%swap3A_68, %swap3A_69], %swap3A_72 {strides = array<i32>} : memref<128x128xf32, #tpu.memory_space<vmem>>, vector<1x16xf32>,
      %swap3A_73 = arith.index_cast %scan3A_48 : i32 to index
      %swap3A_74 = arith.constant 80 : index
      %swap3A_75 = tpu.vector_load %arg6[%swap3A_73, %swap3A_74] {strides = array<i32>} : memref<128x128xf32, #tpu.memory_space<vmem>>, vector<1x16xf32>,
      %swap3A_76 = vector.shape_cast %swap3A_75 : vector<1x16xf32> to vector<16xf32>
      %swap3A_77 = vector.shape_cast %broadcast_in_dim3A_28 : vector<16xf32> to vector<1x16xf32>
      tpu.vector_store %arg6[%swap3A_73, %swap3A_74], %swap3A_77 {strides = array<i32>} : memref<128x128xf32, #tpu.memory_space<vmem>>, vector<1x16xf32>,
      %swap3A_78 = arith.index_cast %scan3A_48 : i32 to index
      %swap3A_79 = arith.constant 96 : index
      %swap3A_80 = tpu.vector_load %arg6[%swap3A_78, %swap3A_79] {strides = array<i32>} : memref<128x128xf32, #tpu.memory_space<vmem>>, vector<1x16xf32>,
      %swap3A_81 = vector.shape_cast %swap3A_80 : vector<1x16xf32> to vector<16xf32>
      %swap3A_82 = vector.shape_cast %broadcast_in_dim3A_28 : vector<16xf32> to vector<1x16xf32>
      tpu.vector_store %arg6[%swap3A_78, %swap3A_79], %swap3A_82 {strides = array<i32>} : memref<128x128xf32, #tpu.memory_space<vmem>>, vector<1x16xf32>,
      %swap3A_83 = arith.index_cast %scan3A_48 : i32 to index
      %swap3A_84 = arith.constant 112 : index
      %swap3A_85 = tpu.vector_load %arg6[%swap3A_83, %swap3A_84] {strides = array<i32>} : memref<128x128xf32, #tpu.memory_space<vmem>>, vector<1x16xf32>,
      %swap3A_86 = vector.shape_cast %swap3A_85 : vector<1x16xf32> to vector<16xf32>
      %swap3A_87 = vector.shape_cast %broadcast_in_dim3A_28 : vector<16xf32> to vector<1x16xf32>
      tpu.vector_store %arg6[%swap3A_83, %swap3A_84], %swap3A_87 {strides = array<i32>} : memref<128x128xf32, #tpu.memory_space<vmem>>, vector<1x16xf32>,
    }
    %scan3A_34 = arith.constant 128 : i32
    %barrier3A = arith.constant 0 : index
    tpu.barrier barrier_id(%barrier3A)
    %scan3A_35 = arith.constant 0 : i32
    %scan3A_36 = arith.constant 0 : i32
    %scan3A_37 = arith.constant 40 : i32
    %scan3A_38 = arith.addi %scan3A_36, %scan3A_37 : i32
    %scan3A_39 = arith.constant 1 : i32
    scf.for %scan3A_48 = %scan3A_36 to %scan3A_38 step %scan3A_39  : i32 {
      %get3A = arith.index_cast %scan3A_48 : i32 to index
      %get3A_49 = arith.constant 0 : index
      %get3A_50 = tpu.vector_load %arg4[%get3A, %get3A_49] {strides = array<i32>} : memref<40x128xi32, #tpu.memory_space<vmem>>, vector<1x16xi32>,
      %get3A_51 = vector.shape_cast %get3A_50 : vector<1x16xi32> to vector<16xi32>
      %and3A = arith.constant 65535 : i32
      %and3A_52 = vector.broadcast %and3A : i32 to vector<16xi32>
      %and3A_53 = arith.andi %get3A_51, %and3A_52 : vector<16xi32>
      %swap3A = arith.constant 0 : i32
      %swap3A_54 = arith.index_cast %swap3A : i32 to index
      %swap3A_55 = arith.constant 0 : index
      %swap3A_56 = tpu.vector_load %arg5[%swap3A_54, %swap3A_55] {strides = array<i32>} : memref<1x128xi32, #tpu.memory_space<vmem>>, vector<1x16xi32>,
      %swap3A_57 = vector.shape_cast %swap3A_56 : vector<1x16xi32> to vector<16xi32>
      %swap3A_58 = vector.shape_cast %and3A_53 : vector<16xi32> to vector<1x16xi32>
      tpu.vector_store %arg5[%swap3A_54, %swap3A_55], %swap3A_58 {strides = array<i32>} : memref<1x128xi32, #tpu.memory_space<vmem>>, vector<1x16xi32>,
      %shift_right_logical3A = arith.constant 16 : i32
      %shift_right_logical3A_59 = vector.broadcast %shift_right_logical3A : i32 to vector<16xi32>
      %shift_right_logical3A_60 = arith.shrui %get3A_51, %shift_right_logical3A_59 : vector<16xi32>
      %swap3A_61 = arith.constant 0 : i32
      %swap3A_62 = arith.index_cast %swap3A_61 : i32 to index
      %swap3A_63 = arith.constant 16 : index
      %swap3A_64 = tpu.vector_load %arg5[%swap3A_62, %swap3A_63] {strides = array<i32>} : memref<1x128xi32, #tpu.memory_space<vmem>>, vector<1x16xi32>,
      %swap3A_65 = vector.shape_cast %swap3A_64 : vector<1x16xi32> to vector<16xi32>
      %swap3A_66 = vector.shape_cast %shift_right_logical3A_60 : vector<16xi32> to vector<1x16xi32>
      tpu.vector_store %arg5[%swap3A_62, %swap3A_63], %swap3A_66 {strides = array<i32>} : memref<1x128xi32, #tpu.memory_space<vmem>>, vector<1x16xi32>,
      %get3A_67 = arith.index_cast %scan3A_48 : i32 to index
      %get3A_68 = arith.constant 16 : index
      %get3A_69 = tpu.vector_load %arg4[%get3A_67, %get3A_68] {strides = array<i32>} : memref<40x128xi32, #tpu.memory_space<vmem>>, vector<1x16xi32>,
      %get3A_70 = vector.shape_cast %get3A_69 : vector<1x16xi32> to vector<16xi32>
      %and3A_71 = arith.constant 65535 : i32
      %and3A_72 = vector.broadcast %and3A_71 : i32 to vector<16xi32>
      %and3A_73 = arith.andi %get3A_70, %and3A_72 : vector<16xi32>
      %swap3A_74 = arith.constant 0 : i32
      %swap3A_75 = arith.index_cast %swap3A_74 : i32 to index
      %swap3A_76 = arith.constant 32 : index
      %swap3A_77 = tpu.vector_load %arg5[%swap3A_75, %swap3A_76] {strides = array<i32>} : memref<1x128xi32, #tpu.memory_space<vmem>>, vector<1x16xi32>,
      %swap3A_78 = vector.shape_cast %swap3A_77 : vector<1x16xi32> to vector<16xi32>
      %swap3A_79 = vector.shape_cast %and3A_73 : vector<16xi32> to vector<1x16xi32>
      tpu.vector_store %arg5[%swap3A_75, %swap3A_76], %swap3A_79 {strides = array<i32>} : memref<1x128xi32, #tpu.memory_space<vmem>>, vector<1x16xi32>,
      %shift_right_logical3A_80 = arith.constant 16 : i32
      %shift_right_logical3A_81 = vector.broadcast %shift_right_logical3A_80 : i32 to vector<16xi32>
      %shift_right_logical3A_82 = arith.shrui %get3A_70, %shift_right_logical3A_81 : vector<16xi32>
      %swap3A_83 = arith.constant 0 : i32
      %swap3A_84 = arith.index_cast %swap3A_83 : i32 to index
      %swap3A_85 = arith.constant 48 : index
      %swap3A_86 = tpu.vector_load %arg5[%swap3A_84, %swap3A_85] {strides = array<i32>} : memref<1x128xi32, #tpu.memory_space<vmem>>, vector<1x16xi32>,
      %swap3A_87 = vector.shape_cast %swap3A_86 : vector<1x16xi32> to vector<16xi32>
      %swap3A_88 = vector.shape_cast %shift_right_logical3A_82 : vector<16xi32> to vector<1x16xi32>
      tpu.vector_store %arg5[%swap3A_84, %swap3A_85], %swap3A_88 {strides = array<i32>} : memref<1x128xi32, #tpu.memory_space<vmem>>, vector<1x16xi32>,
      %get3A_89 = arith.index_cast %scan3A_48 : i32 to index
      %get3A_90 = arith.constant 32 : index
      %get3A_91 = tpu.vector_load %arg4[%get3A_89, %get3A_90] {strides = array<i32>} : memref<40x128xi32, #tpu.memory_space<vmem>>, vector<1x16xi32>,
      %get3A_92 = vector.shape_cast %get3A_91 : vector<1x16xi32> to vector<16xi32>
      %and3A_93 = arith.constant 65535 : i32
      %and3A_94 = vector.broadcast %and3A_93 : i32 to vector<16xi32>
      %and3A_95 = arith.andi %get3A_92, %and3A_94 : vector<16xi32>
      %swap3A_96 = arith.constant 0 : i32
      %swap3A_97 = arith.index_cast %swap3A_96 : i32 to index
      %swap3A_98 = arith.constant 64 : index
      %swap3A_99 = tpu.vector_load %arg5[%swap3A_97, %swap3A_98] {strides = array<i32>} : memref<1x128xi32, #tpu.memory_space<vmem>>, vector<1x16xi32>,
      %swap3A_100 = vector.shape_cast %swap3A_99 : vector<1x16xi32> to vector<16xi32>
      %swap3A_101 = vector.shape_cast %and3A_95 : vector<16xi32> to vector<1x16xi32>
      tpu.vector_store %arg5[%swap3A_97, %swap3A_98], %swap3A_101 {strides = array<i32>} : memref<1x128xi32, #tpu.memory_space<vmem>>, vector<1x16xi32>,
      %shift_right_logical3A_102 = arith.constant 16 : i32
      %shift_right_logical3A_103 = vector.broadcast %shift_right_logical3A_102 : i32 to vector<16xi32>
      %shift_right_logical3A_104 = arith.shrui %get3A_92, %shift_right_logical3A_103 : vector<16xi32>
      %swap3A_105 = arith.constant 0 : i32
      %swap3A_106 = arith.index_cast %swap3A_105 : i32 to index
      %swap3A_107 = arith.constant 80 : index
      %swap3A_108 = tpu.vector_load %arg5[%swap3A_106, %swap3A_107] {strides = array<i32>} : memref<1x128xi32, #tpu.memory_space<vmem>>, vector<1x16xi32>,
      %swap3A_109 = vector.shape_cast %swap3A_108 : vector<1x16xi32> to vector<16xi32>
      %swap3A_110 = vector.shape_cast %shift_right_logical3A_104 : vector<16xi32> to vector<1x16xi32>
      tpu.vector_store %arg5[%swap3A_106, %swap3A_107], %swap3A_110 {strides = array<i32>} : memref<1x128xi32, #tpu.memory_space<vmem>>, vector<1x16xi32>,
      %get3A_111 = arith.index_cast %scan3A_48 : i32 to index
      %get3A_112 = arith.constant 48 : index
      %get3A_113 = tpu.vector_load %arg4[%get3A_111, %get3A_112] {strides = array<i32>} : memref<40x128xi32, #tpu.memory_space<vmem>>, vector<1x16xi32>,
      %get3A_114 = vector.shape_cast %get3A_113 : vector<1x16xi32> to vector<16xi32>
      %and3A_115 = arith.constant 65535 : i32
      %and3A_116 = vector.broadcast %and3A_115 : i32 to vector<16xi32>
      %and3A_117 = arith.andi %get3A_114, %and3A_116 : vector<16xi32>
      %swap3A_118 = arith.constant 0 : i32
      %swap3A_119 = arith.index_cast %swap3A_118 : i32 to index
      %swap3A_120 = arith.constant 96 : index
      %swap3A_121 = tpu.vector_load %arg5[%swap3A_119, %swap3A_120] {strides = array<i32>} : memref<1x128xi32, #tpu.memory_space<vmem>>, vector<1x16xi32>,
      %swap3A_122 = vector.shape_cast %swap3A_121 : vector<1x16xi32> to vector<16xi32>
      %swap3A_123 = vector.shape_cast %and3A_117 : vector<16xi32> to vector<1x16xi32>
      tpu.vector_store %arg5[%swap3A_119, %swap3A_120], %swap3A_123 {strides = array<i32>} : memref<1x128xi32, #tpu.memory_space<vmem>>, vector<1x16xi32>,
      %shift_right_logical3A_124 = arith.constant 16 : i32
      %shift_right_logical3A_125 = vector.broadcast %shift_right_logical3A_124 : i32 to vector<16xi32>
      %shift_right_logical3A_126 = arith.shrui %get3A_114, %shift_right_logical3A_125 : vector<16xi32>
      %swap3A_127 = arith.constant 0 : i32
      %swap3A_128 = arith.index_cast %swap3A_127 : i32 to index
      %swap3A_129 = arith.constant 112 : index
      %swap3A_130 = tpu.vector_load %arg5[%swap3A_128, %swap3A_129] {strides = array<i32>} : memref<1x128xi32, #tpu.memory_space<vmem>>, vector<1x16xi32>,
      %swap3A_131 = vector.shape_cast %swap3A_130 : vector<1x16xi32> to vector<16xi32>
      %swap3A_132 = vector.shape_cast %shift_right_logical3A_126 : vector<16xi32> to vector<1x16xi32>
      tpu.vector_store %arg5[%swap3A_128, %swap3A_129], %swap3A_132 {strides = array<i32>} : memref<1x128xi32, #tpu.memory_space<vmem>>, vector<1x16xi32>,
      %run_scoped3A = arith.constant 0 : i32
      "tpu.region"() ({
        %run_scoped3A_222 = tpu.sem_alloc : memref<!tpu.dma_semaphore, #tpu.memory_space<semaphore_mem>>
        %dma_start3A = arith.constant 0 : i32
        %dma_start3A_223 = tpu.memref_slice %arg5[%run_scoped3A, %dma_start3A] : memref<1x128xi32, #tpu.memory_space<vmem>> -> memref<1x128xi32, #tpu.memory_space<vmem>>
        %dma_start3A_224 = tpu.memref_squeeze %dma_start3A_223 : memref<1x128xi32, #tpu.memory_space<vmem>> -> memref<128xi32, #tpu.memory_space<vmem>>
        %dma_start3A_225 = arith.constant 0 : i32
        %dma_start3A_226 = arith.constant 0 : i32
        %dma_start3A_227 = tpu.memref_slice %arg7[%dma_start3A_225, %dma_start3A_226] : memref<10016x128xf32, #tpu.memory_space<vmem_shared>> -> memref<10016x128xf32, #tpu.memory_space<vmem_shared>>
        tpu.enqueue_indirect_dma source(%arg6 : memref<128x128xf32, #tpu.memory_space<vmem>>) target(%dma_start3A_227 : memref<10016x128xf32, #tpu.memory_space<vmem_shared>>) offsets(%dma_start3A_224 : memref<128xi32, #tpu.memory_space<vmem>>) semaphore(%run_scoped3A_222 : memref<!tpu.dma_semaphore, #tpu.memory_space<semaphore_mem>>) {add = true}
        %dma_wait3A = arith.constant 0 : i32
        %dma_wait3A_228 = tpu.memref_slice %arg5[%run_scoped3A, %dma_wait3A] : memref<1x128xi32, #tpu.memory_space<vmem>> -> memref<1x128xi32, #tpu.memory_space<vmem>>
        %dma_wait3A_229 = tpu.memref_squeeze %dma_wait3A_228 : memref<1x128xi32, #tpu.memory_space<vmem>> -> memref<128xi32, #tpu.memory_space<vmem>>
        %dma_wait3A_230 = arith.constant 0 : i32
        %dma_wait3A_231 = arith.constant 0 : i32
        %dma_wait3A_232 = tpu.memref_slice %arg7[%dma_wait3A_230, %dma_wait3A_231] : memref<10016x128xf32, #tpu.memory_space<vmem_shared>> -> memref<10016x128xf32, #tpu.memory_space<vmem_shared>>
        tpu.wait_indirect_dma semaphore(%run_scoped3A_222 : memref<!tpu.dma_semaphore, #tpu.memory_space<semaphore_mem>>) src(%arg6 : memref<128x128xf32, #tpu.memory_space<vmem>>) dst(%dma_wait3A_232 : memref<10016x128xf32, #tpu.memory_space<vmem_shared>>)
        tpu.yield
      }) : () -> ()
      %get3A_133 = arith.index_cast %scan3A_48 : i32 to index
      %get3A_134 = arith.constant 64 : index
      %get3A_135 = tpu.vector_load %arg4[%get3A_133, %get3A_134] {strides = array<i32>} : memref<40x128xi32, #tpu.memory_space<vmem>>, vector<1x16xi32>,
      %get3A_136 = vector.shape_cast %get3A_135 : vector<1x16xi32> to vector<16xi32>
      %and3A_137 = arith.constant 65535 : i32
      %and3A_138 = vector.broadcast %and3A_137 : i32 to vector<16xi32>
      %and3A_139 = arith.andi %get3A_136, %and3A_138 : vector<16xi32>
      %swap3A_140 = arith.constant 0 : i32
      %swap3A_141 = arith.index_cast %swap3A_140 : i32 to index
      %swap3A_142 = arith.constant 0 : index
      %swap3A_143 = tpu.vector_load %arg5[%swap3A_141, %swap3A_142] {strides = array<i32>} : memref<1x128xi32, #tpu.memory_space<vmem>>, vector<1x16xi32>,
      %swap3A_144 = vector.shape_cast %swap3A_143 : vector<1x16xi32> to vector<16xi32>
      %swap3A_145 = vector.shape_cast %and3A_139 : vector<16xi32> to vector<1x16xi32>
      tpu.vector_store %arg5[%swap3A_141, %swap3A_142], %swap3A_145 {strides = array<i32>} : memref<1x128xi32, #tpu.memory_space<vmem>>, vector<1x16xi32>,
      %shift_right_logical3A_146 = arith.constant 16 : i32
      %shift_right_logical3A_147 = vector.broadcast %shift_right_logical3A_146 : i32 to vector<16xi32>
      %shift_right_logical3A_148 = arith.shrui %get3A_136, %shift_right_logical3A_147 : vector<16xi32>
      %swap3A_149 = arith.constant 0 : i32
      %swap3A_150 = arith.index_cast %swap3A_149 : i32 to index
      %swap3A_151 = arith.constant 16 : index
      %swap3A_152 = tpu.vector_load %arg5[%swap3A_150, %swap3A_151] {strides = array<i32>} : memref<1x128xi32, #tpu.memory_space<vmem>>, vector<1x16xi32>,
      %swap3A_153 = vector.shape_cast %swap3A_152 : vector<1x16xi32> to vector<16xi32>
      %swap3A_154 = vector.shape_cast %shift_right_logical3A_148 : vector<16xi32> to vector<1x16xi32>
      tpu.vector_store %arg5[%swap3A_150, %swap3A_151], %swap3A_154 {strides = array<i32>} : memref<1x128xi32, #tpu.memory_space<vmem>>, vector<1x16xi32>,
      %get3A_155 = arith.index_cast %scan3A_48 : i32 to index
      %get3A_156 = arith.constant 80 : index
      %get3A_157 = tpu.vector_load %arg4[%get3A_155, %get3A_156] {strides = array<i32>} : memref<40x128xi32, #tpu.memory_space<vmem>>, vector<1x16xi32>,
      %get3A_158 = vector.shape_cast %get3A_157 : vector<1x16xi32> to vector<16xi32>
      %and3A_159 = arith.constant 65535 : i32
      %and3A_160 = vector.broadcast %and3A_159 : i32 to vector<16xi32>
      %and3A_161 = arith.andi %get3A_158, %and3A_160 : vector<16xi32>
      %swap3A_162 = arith.constant 0 : i32
      %swap3A_163 = arith.index_cast %swap3A_162 : i32 to index
      %swap3A_164 = arith.constant 32 : index
      %swap3A_165 = tpu.vector_load %arg5[%swap3A_163, %swap3A_164] {strides = array<i32>} : memref<1x128xi32, #tpu.memory_space<vmem>>, vector<1x16xi32>,
      %swap3A_166 = vector.shape_cast %swap3A_165 : vector<1x16xi32> to vector<16xi32>
      %swap3A_167 = vector.shape_cast %and3A_161 : vector<16xi32> to vector<1x16xi32>
      tpu.vector_store %arg5[%swap3A_163, %swap3A_164], %swap3A_167 {strides = array<i32>} : memref<1x128xi32, #tpu.memory_space<vmem>>, vector<1x16xi32>,
      %shift_right_logical3A_168 = arith.constant 16 : i32
      %shift_right_logical3A_169 = vector.broadcast %shift_right_logical3A_168 : i32 to vector<16xi32>
      %shift_right_logical3A_170 = arith.shrui %get3A_158, %shift_right_logical3A_169 : vector<16xi32>
      %swap3A_171 = arith.constant 0 : i32
      %swap3A_172 = arith.index_cast %swap3A_171 : i32 to index
      %swap3A_173 = arith.constant 48 : index
      %swap3A_174 = tpu.vector_load %arg5[%swap3A_172, %swap3A_173] {strides = array<i32>} : memref<1x128xi32, #tpu.memory_space<vmem>>, vector<1x16xi32>,
      %swap3A_175 = vector.shape_cast %swap3A_174 : vector<1x16xi32> to vector<16xi32>
      %swap3A_176 = vector.shape_cast %shift_right_logical3A_170 : vector<16xi32> to vector<1x16xi32>
      tpu.vector_store %arg5[%swap3A_172, %swap3A_173], %swap3A_176 {strides = array<i32>} : memref<1x128xi32, #tpu.memory_space<vmem>>, vector<1x16xi32>,
      %get3A_177 = arith.index_cast %scan3A_48 : i32 to index
      %get3A_178 = arith.constant 96 : index
      %get3A_179 = tpu.vector_load %arg4[%get3A_177, %get3A_178] {strides = array<i32>} : memref<40x128xi32, #tpu.memory_space<vmem>>, vector<1x16xi32>,
      %get3A_180 = vector.shape_cast %get3A_179 : vector<1x16xi32> to vector<16xi32>
      %and3A_181 = arith.constant 65535 : i32
      %and3A_182 = vector.broadcast %and3A_181 : i32 to vector<16xi32>
      %and3A_183 = arith.andi %get3A_180, %and3A_182 : vector<16xi32>
      %swap3A_184 = arith.constant 0 : i32
      %swap3A_185 = arith.index_cast %swap3A_184 : i32 to index
      %swap3A_186 = arith.constant 64 : index
      %swap3A_187 = tpu.vector_load %arg5[%swap3A_185, %swap3A_186] {strides = array<i32>} : memref<1x128xi32, #tpu.memory_space<vmem>>, vector<1x16xi32>,
      %swap3A_188 = vector.shape_cast %swap3A_187 : vector<1x16xi32> to vector<16xi32>
      %swap3A_189 = vector.shape_cast %and3A_183 : vector<16xi32> to vector<1x16xi32>
      tpu.vector_store %arg5[%swap3A_185, %swap3A_186], %swap3A_189 {strides = array<i32>} : memref<1x128xi32, #tpu.memory_space<vmem>>, vector<1x16xi32>,
      %shift_right_logical3A_190 = arith.constant 16 : i32
      %shift_right_logical3A_191 = vector.broadcast %shift_right_logical3A_190 : i32 to vector<16xi32>
      %shift_right_logical3A_192 = arith.shrui %get3A_180, %shift_right_logical3A_191 : vector<16xi32>
      %swap3A_193 = arith.constant 0 : i32
      %swap3A_194 = arith.index_cast %swap3A_193 : i32 to index
      %swap3A_195 = arith.constant 80 : index
      %swap3A_196 = tpu.vector_load %arg5[%swap3A_194, %swap3A_195] {strides = array<i32>} : memref<1x128xi32, #tpu.memory_space<vmem>>, vector<1x16xi32>,
      %swap3A_197 = vector.shape_cast %swap3A_196 : vector<1x16xi32> to vector<16xi32>
      %swap3A_198 = vector.shape_cast %shift_right_logical3A_192 : vector<16xi32> to vector<1x16xi32>
      tpu.vector_store %arg5[%swap3A_194, %swap3A_195], %swap3A_198 {strides = array<i32>} : memref<1x128xi32, #tpu.memory_space<vmem>>, vector<1x16xi32>,
      %get3A_199 = arith.index_cast %scan3A_48 : i32 to index
      %get3A_200 = arith.constant 112 : index
      %get3A_201 = tpu.vector_load %arg4[%get3A_199, %get3A_200] {strides = array<i32>} : memref<40x128xi32, #tpu.memory_space<vmem>>, vector<1x16xi32>,
      %get3A_202 = vector.shape_cast %get3A_201 : vector<1x16xi32> to vector<16xi32>
      %and3A_203 = arith.constant 65535 : i32
      %and3A_204 = vector.broadcast %and3A_203 : i32 to vector<16xi32>
      %and3A_205 = arith.andi %get3A_202, %and3A_204 : vector<16xi32>
      %swap3A_206 = arith.constant 0 : i32
      %swap3A_207 = arith.index_cast %swap3A_206 : i32 to index
      %swap3A_208 = arith.constant 96 : index
      %swap3A_209 = tpu.vector_load %arg5[%swap3A_207, %swap3A_208] {strides = array<i32>} : memref<1x128xi32, #tpu.memory_space<vmem>>, vector<1x16xi32>,
      %swap3A_210 = vector.shape_cast %swap3A_209 : vector<1x16xi32> to vector<16xi32>
      %swap3A_211 = vector.shape_cast %and3A_205 : vector<16xi32> to vector<1x16xi32>
      tpu.vector_store %arg5[%swap3A_207, %swap3A_208], %swap3A_211 {strides = array<i32>} : memref<1x128xi32, #tpu.memory_space<vmem>>, vector<1x16xi32>,
      %shift_right_logical3A_212 = arith.constant 16 : i32
      %shift_right_logical3A_213 = vector.broadcast %shift_right_logical3A_212 : i32 to vector<16xi32>
      %shift_right_logical3A_214 = arith.shrui %get3A_202, %shift_right_logical3A_213 : vector<16xi32>
      %swap3A_215 = arith.constant 0 : i32
      %swap3A_216 = arith.index_cast %swap3A_215 : i32 to index
      %swap3A_217 = arith.constant 112 : index
      %swap3A_218 = tpu.vector_load %arg5[%swap3A_216, %swap3A_217] {strides = array<i32>} : memref<1x128xi32, #tpu.memory_space<vmem>>, vector<1x16xi32>,
      %swap3A_219 = vector.shape_cast %swap3A_218 : vector<1x16xi32> to vector<16xi32>
      %swap3A_220 = vector.shape_cast %shift_right_logical3A_214 : vector<16xi32> to vector<1x16xi32>
      tpu.vector_store %arg5[%swap3A_216, %swap3A_217], %swap3A_220 {strides = array<i32>} : memref<1x128xi32, #tpu.memory_space<vmem>>, vector<1x16xi32>,
      %run_scoped3A_221 = arith.constant 0 : i32
      "tpu.region"() ({
        %run_scoped3A_222 = tpu.sem_alloc : memref<!tpu.dma_semaphore, #tpu.memory_space<semaphore_mem>>
        %dma_start3A = arith.constant 0 : i32
        %dma_start3A_223 = tpu.memref_slice %arg5[%run_scoped3A_221, %dma_start3A] : memref<1x128xi32, #tpu.memory_space<vmem>> -> memref<1x128xi32, #tpu.memory_space<vmem>>
        %dma_start3A_224 = tpu.memref_squeeze %dma_start3A_223 : memref<1x128xi32, #tpu.memory_space<vmem>> -> memref<128xi32, #tpu.memory_space<vmem>>
        %dma_start3A_225 = arith.constant 0 : i32
        %dma_start3A_226 = arith.constant 0 : i32
        %dma_start3A_227 = tpu.memref_slice %arg7[%dma_start3A_225, %dma_start3A_226] : memref<10016x128xf32, #tpu.memory_space<vmem_shared>> -> memref<10016x128xf32, #tpu.memory_space<vmem_shared>>
        tpu.enqueue_indirect_dma source(%arg6 : memref<128x128xf32, #tpu.memory_space<vmem>>) target(%dma_start3A_227 : memref<10016x128xf32, #tpu.memory_space<vmem_shared>>) offsets(%dma_start3A_224 : memref<128xi32, #tpu.memory_space<vmem>>) semaphore(%run_scoped3A_222 : memref<!tpu.dma_semaphore, #tpu.memory_space<semaphore_mem>>) {add = true}
        %dma_wait3A = arith.constant 0 : i32
        %dma_wait3A_228 = tpu.memref_slice %arg5[%run_scoped3A_221, %dma_wait3A] : memref<1x128xi32, #tpu.memory_space<vmem>> -> memref<1x128xi32, #tpu.memory_space<vmem>>
        %dma_wait3A_229 = tpu.memref_squeeze %dma_wait3A_228 : memref<1x128xi32, #tpu.memory_space<vmem>> -> memref<128xi32, #tpu.memory_space<vmem>>
        %dma_wait3A_230 = arith.constant 0 : i32
        %dma_wait3A_231 = arith.constant 0 : i32
        %dma_wait3A_232 = tpu.memref_slice %arg7[%dma_wait3A_230, %dma_wait3A_231] : memref<10016x128xf32, #tpu.memory_space<vmem_shared>> -> memref<10016x128xf32, #tpu.memory_space<vmem_shared>>
        tpu.wait_indirect_dma semaphore(%run_scoped3A_222 : memref<!tpu.dma_semaphore, #tpu.memory_space<semaphore_mem>>) src(%arg6 : memref<128x128xf32, #tpu.memory_space<vmem>>) dst(%dma_wait3A_232 : memref<10016x128xf32, #tpu.memory_space<vmem_shared>>)
        tpu.yield
      }) : () -> ()
    }
    %scan3A_40 = arith.constant 40 : i32
    %barrier3A_41 = arith.constant 0 : index
    tpu.barrier barrier_id(%barrier3A_41)
    %mul3A_42 = arith.constant 624 : i32
    %mul3A_43 = arith.muli %arg1, %mul3A_42 : i32
    %mul3A_44 = arith.constant 624 : i32
    %mul3A_45 = arith.muli %arg1, %mul3A_44 : i32
    "tpu.region"() ({
      %run_scoped3A = tpu.sem_alloc : memref<!tpu.dma_semaphore, #tpu.memory_space<semaphore_mem>>
      %dma_start3A = arith.constant 0 : i32
      %dma_start3A_48 = tpu.memref_slice %arg3[%arg0, %mul3A_45, %dma_start3A] : memref<2x10000x128xf32, #tpu.memory_space<hbm>> -> memref<1x624x128xf32, #tpu.memory_space<hbm>>
      %dma_start3A_49 = tpu.memref_squeeze %dma_start3A_48 : memref<1x624x128xf32, #tpu.memory_space<hbm>> -> memref<624x128xf32, #tpu.memory_space<hbm>>
      %dma_start3A_50 = arith.constant 0 : i32
      %dma_start3A_51 = tpu.memref_slice %arg7[%mul3A_43, %dma_start3A_50] : memref<10016x128xf32, #tpu.memory_space<vmem_shared>> -> memref<624x128xf32, #tpu.memory_space<vmem_shared>>
      tpu.enqueue_dma source(%dma_start3A_51 : memref<624x128xf32, #tpu.memory_space<vmem_shared>>) target(%dma_start3A_49 : memref<624x128xf32, #tpu.memory_space<hbm>>) target_semaphore(%run_scoped3A : memref<!tpu.dma_semaphore, #tpu.memory_space<semaphore_mem>>)
      %dma_wait3A = arith.constant 0 : i32
      %dma_wait3A_52 = tpu.memref_slice %arg3[%arg0, %mul3A_45, %dma_wait3A] : memref<2x10000x128xf32, #tpu.memory_space<hbm>> -> memref<1x624x128xf32, #tpu.memory_space<hbm>>
      %dma_wait3A_53 = tpu.memref_squeeze %dma_wait3A_52 : memref<1x624x128xf32, #tpu.memory_space<hbm>> -> memref<624x128xf32, #tpu.memory_space<hbm>>
      %dma_wait3A_54 = arith.constant 0 : i32
      %dma_wait3A_55 = tpu.memref_slice %arg7[%mul3A_43, %dma_wait3A_54] : memref<10016x128xf32, #tpu.memory_space<vmem_shared>> -> memref<624x128xf32, #tpu.memory_space<vmem_shared>>
      tpu.wait_dma2 semaphore(%run_scoped3A : memref<!tpu.dma_semaphore, #tpu.memory_space<semaphore_mem>>) src(%dma_wait3A_55 : memref<624x128xf32, #tpu.memory_space<vmem_shared>>) dst(%dma_wait3A_53 : memref<624x128xf32, #tpu.memory_space<hbm>>)
      tpu.yield
    }) : () -> ()
    %eq3A = arith.constant 0 : i32
    %eq3A_46 = arith.cmpi eq, %arg1, %eq3A : i32
    %convert_element_type3A = arith.extui %eq3A_46 : i1 to i32
    %cond3A = arith.constant 0 : i32
    %cond3A_47 = arith.cmpi ne, %convert_element_type3A, %cond3A : i32
    scf.if %cond3A_47 {
      "tpu.region"() ({
        %run_scoped3A = tpu.sem_alloc : memref<!tpu.dma_semaphore, #tpu.memory_space<semaphore_mem>>
        %dma_start3A = arith.constant 9984 : i32
        %dma_start3A_48 = arith.constant 0 : i32
        %dma_start3A_49 = tpu.memref_slice %arg3[%arg0, %dma_start3A, %dma_start3A_48] : memref<2x10000x128xf32, #tpu.memory_space<hbm>> -> memref<1x16x128xf32, #tpu.memory_space<hbm>>
        %dma_start3A_50 = tpu.memref_squeeze %dma_start3A_49 : memref<1x16x128xf32, #tpu.memory_space<hbm>> -> memref<16x128xf32, #tpu.memory_space<hbm>>
        %dma_start3A_51 = arith.constant 9984 : i32
        %dma_start3A_52 = arith.constant 0 : i32
        %dma_start3A_53 = tpu.memref_slice %arg7[%dma_start3A_51, %dma_start3A_52] : memref<10016x128xf32, #tpu.memory_space<vmem_shared>> -> memref<16x128xf32, #tpu.memory_space<vmem_shared>>
        tpu.enqueue_dma source(%dma_start3A_53 : memref<16x128xf32, #tpu.memory_space<vmem_shared>>) target(%dma_start3A_50 : memref<16x128xf32, #tpu.memory_space<hbm>>) target_semaphore(%run_scoped3A : memref<!tpu.dma_semaphore, #tpu.memory_space<semaphore_mem>>)
        %dma_wait3A = arith.constant 9984 : i32
        %dma_wait3A_54 = arith.constant 0 : i32
        %dma_wait3A_55 = tpu.memref_slice %arg3[%arg0, %dma_wait3A, %dma_wait3A_54] : memref<2x10000x128xf32, #tpu.memory_space<hbm>> -> memref<1x16x128xf32, #tpu.memory_space<hbm>>
        %dma_wait3A_56 = tpu.memref_squeeze %dma_wait3A_55 : memref<1x16x128xf32, #tpu.memory_space<hbm>> -> memref<16x128xf32, #tpu.memory_space<hbm>>
        %dma_wait3A_57 = arith.constant 9984 : i32
        %dma_wait3A_58 = arith.constant 0 : i32
        %dma_wait3A_59 = tpu.memref_slice %arg7[%dma_wait3A_57, %dma_wait3A_58] : memref<10016x128xf32, #tpu.memory_space<vmem_shared>> -> memref<16x128xf32, #tpu.memory_space<vmem_shared>>
        tpu.wait_dma2 semaphore(%run_scoped3A : memref<!tpu.dma_semaphore, #tpu.memory_space<semaphore_mem>>) src(%dma_wait3A_59 : memref<16x128xf32, #tpu.memory_space<vmem_shared>>) dst(%dma_wait3A_56 : memref<16x128xf32, #tpu.memory_space<hbm>>)
        tpu.yield
      }) : () -> ()
    } else {
    }
    return
  }
}

#map = affine_map<(d0, d1) -> (0, 0)>
#map1 = affine_map<(d0, d1) -> (0, 0, 0)>
module attributes {stable_mosaic.version = 14 : i64} {
  func.func @agg(%arg0: i32, %arg1: i32, %arg2: memref<10000x128xf32, #tpu.memory_space<hbm>>, %arg3: memref<32x80x128xi32, #tpu.memory_space<hbm>>, %arg4: memref<32x40x128xi32, #tpu.memory_space<hbm>>, %arg5: memref<2x10000x128xf32, #tpu.memory_space<hbm>>, %arg6: memref<80x128xi32, #tpu.memory_space<vmem>>, %arg7: memref<40x128xi32, #tpu.memory_space<vmem>>, %arg8: memref<1x128xi32, #tpu.memory_space<vmem>>, %arg9: memref<128x128xf32, #tpu.memory_space<vmem>>, %arg10: memref<128x128xf32, #tpu.memory_space<vmem>>, %arg11: memref<10016x128xf32, #tpu.memory_space<vmem_shared>>, %arg12: memref<!tpu.dma_semaphore, #tpu.memory_space<semaphore_mem>>, %arg13: memref<!tpu.dma_semaphore, #tpu.memory_space<semaphore_mem>>) attributes {dimension_semantics = [#tpu.dimension_semantics<core_parallel>, #tpu.dimension_semantics<subcore_parallel>], iteration_bounds = array<i64: 2, 16>, scalar_prefetch = 0 : i64, scratch_operands = 8 : i64, tpu.core_type = #tpu.core_type<sc_vector_subcore>, window_params = [{transform_indices = #map}, {transform_indices = #map1}, {transform_indices = #map1}, {transform_indices = #map1}]} {
    %mul3A = arith.constant 16 : i32
    %mul3A_0 = arith.muli %arg0, %mul3A : i32
    %add3A = arith.addi %mul3A_0, %arg1 : i32
    "tpu.region"() ({
      %run_scoped3A = tpu.sem_alloc : memref<!tpu.dma_semaphore, #tpu.memory_space<semaphore_mem>>
      %dma_start3A_53 = arith.constant 0 : i32
      %dma_start3A_54 = arith.constant 0 : i32
      %dma_start3A_55 = tpu.memref_slice %arg3[%add3A, %dma_start3A_53, %dma_start3A_54] : memref<32x80x128xi32, #tpu.memory_space<hbm>> -> memref<1x80x128xi32, #tpu.memory_space<hbm>>
      %dma_start3A_56 = tpu.memref_squeeze %dma_start3A_55 : memref<1x80x128xi32, #tpu.memory_space<hbm>> -> memref<80x128xi32, #tpu.memory_space<hbm>>
      %dma_start3A_57 = arith.constant 0 : i32
      %dma_start3A_58 = arith.constant 0 : i32
      %dma_start3A_59 = tpu.memref_slice %arg3[%add3A, %dma_start3A_57, %dma_start3A_58] : memref<32x80x128xi32, #tpu.memory_space<hbm>> -> memref<1x80x128xi32, #tpu.memory_space<hbm>>
      %dma_start3A_60 = tpu.memref_squeeze %dma_start3A_59 : memref<1x80x128xi32, #tpu.memory_space<hbm>> -> memref<80x128xi32, #tpu.memory_space<hbm>>
      tpu.enqueue_dma source(%dma_start3A_60 : memref<80x128xi32, #tpu.memory_space<hbm>>) target(%arg6 : memref<80x128xi32, #tpu.memory_space<vmem>>) target_semaphore(%run_scoped3A : memref<!tpu.dma_semaphore, #tpu.memory_space<semaphore_mem>>)
      %dma_wait3A = arith.constant 0 : i32
      %dma_wait3A_61 = arith.constant 0 : i32
      %dma_wait3A_62 = tpu.memref_slice %arg3[%add3A, %dma_wait3A, %dma_wait3A_61] : memref<32x80x128xi32, #tpu.memory_space<hbm>> -> memref<1x80x128xi32, #tpu.memory_space<hbm>>
      %dma_wait3A_63 = tpu.memref_squeeze %dma_wait3A_62 : memref<1x80x128xi32, #tpu.memory_space<hbm>> -> memref<80x128xi32, #tpu.memory_space<hbm>>
      %dma_wait3A_64 = arith.constant 0 : i32
      %dma_wait3A_65 = arith.constant 0 : i32
      %dma_wait3A_66 = tpu.memref_slice %arg3[%add3A, %dma_wait3A_64, %dma_wait3A_65] : memref<32x80x128xi32, #tpu.memory_space<hbm>> -> memref<1x80x128xi32, #tpu.memory_space<hbm>>
      %dma_wait3A_67 = tpu.memref_squeeze %dma_wait3A_66 : memref<1x80x128xi32, #tpu.memory_space<hbm>> -> memref<80x128xi32, #tpu.memory_space<hbm>>
      tpu.wait_dma2 semaphore(%run_scoped3A : memref<!tpu.dma_semaphore, #tpu.memory_space<semaphore_mem>>) src(%dma_wait3A_67 : memref<80x128xi32, #tpu.memory_space<hbm>>) dst(%arg6 : memref<80x128xi32, #tpu.memory_space<vmem>>)
      tpu.yield
    }) : () -> ()
    "tpu.region"() ({
      %run_scoped3A = tpu.sem_alloc : memref<!tpu.dma_semaphore, #tpu.memory_space<semaphore_mem>>
      %dma_start3A_53 = arith.constant 0 : i32
      %dma_start3A_54 = arith.constant 0 : i32
      %dma_start3A_55 = tpu.memref_slice %arg4[%add3A, %dma_start3A_53, %dma_start3A_54] : memref<32x40x128xi32, #tpu.memory_space<hbm>> -> memref<1x40x128xi32, #tpu.memory_space<hbm>>
      %dma_start3A_56 = tpu.memref_squeeze %dma_start3A_55 : memref<1x40x128xi32, #tpu.memory_space<hbm>> -> memref<40x128xi32, #tpu.memory_space<hbm>>
      %dma_start3A_57 = arith.constant 0 : i32
      %dma_start3A_58 = arith.constant 0 : i32
      %dma_start3A_59 = tpu.memref_slice %arg4[%add3A, %dma_start3A_57, %dma_start3A_58] : memref<32x40x128xi32, #tpu.memory_space<hbm>> -> memref<1x40x128xi32, #tpu.memory_space<hbm>>
      %dma_start3A_60 = tpu.memref_squeeze %dma_start3A_59 : memref<1x40x128xi32, #tpu.memory_space<hbm>> -> memref<40x128xi32, #tpu.memory_space<hbm>>
      tpu.enqueue_dma source(%dma_start3A_60 : memref<40x128xi32, #tpu.memory_space<hbm>>) target(%arg7 : memref<40x128xi32, #tpu.memory_space<vmem>>) target_semaphore(%run_scoped3A : memref<!tpu.dma_semaphore, #tpu.memory_space<semaphore_mem>>)
      %dma_wait3A = arith.constant 0 : i32
      %dma_wait3A_61 = arith.constant 0 : i32
      %dma_wait3A_62 = tpu.memref_slice %arg4[%add3A, %dma_wait3A, %dma_wait3A_61] : memref<32x40x128xi32, #tpu.memory_space<hbm>> -> memref<1x40x128xi32, #tpu.memory_space<hbm>>
      %dma_wait3A_63 = tpu.memref_squeeze %dma_wait3A_62 : memref<1x40x128xi32, #tpu.memory_space<hbm>> -> memref<40x128xi32, #tpu.memory_space<hbm>>
      %dma_wait3A_64 = arith.constant 0 : i32
      %dma_wait3A_65 = arith.constant 0 : i32
      %dma_wait3A_66 = tpu.memref_slice %arg4[%add3A, %dma_wait3A_64, %dma_wait3A_65] : memref<32x40x128xi32, #tpu.memory_space<hbm>> -> memref<1x40x128xi32, #tpu.memory_space<hbm>>
      %dma_wait3A_67 = tpu.memref_squeeze %dma_wait3A_66 : memref<1x40x128xi32, #tpu.memory_space<hbm>> -> memref<40x128xi32, #tpu.memory_space<hbm>>
      tpu.wait_dma2 semaphore(%run_scoped3A : memref<!tpu.dma_semaphore, #tpu.memory_space<semaphore_mem>>) src(%dma_wait3A_67 : memref<40x128xi32, #tpu.memory_space<hbm>>) dst(%arg7 : memref<40x128xi32, #tpu.memory_space<vmem>>)
      tpu.yield
    }) : () -> ()
    %broadcast_in_dim3A = arith.constant 0.000000e+00 : f32
    %broadcast_in_dim3A_1 = vector.broadcast %broadcast_in_dim3A : f32 to vector<16xf32>
    %scan3A = arith.constant 0 : i32
    %scan3A_2 = arith.constant 0 : i32
    %scan3A_3 = arith.constant 128 : i32
    %scan3A_4 = arith.addi %scan3A_2, %scan3A_3 : i32
    %scan3A_5 = arith.constant 1 : i32
    scf.for %scan3A_53 = %scan3A_2 to %scan3A_4 step %scan3A_5  : i32 {
      %swap3A = arith.index_cast %scan3A_53 : i32 to index
      %swap3A_54 = arith.constant 0 : index
      %swap3A_55 = tpu.vector_load %arg9[%swap3A, %swap3A_54] {strides = array<i32>} : memref<128x128xf32, #tpu.memory_space<vmem>>, vector<1x16xf32>,
      %swap3A_56 = vector.shape_cast %swap3A_55 : vector<1x16xf32> to vector<16xf32>
      %swap3A_57 = vector.shape_cast %broadcast_in_dim3A_1 : vector<16xf32> to vector<1x16xf32>
      tpu.vector_store %arg9[%swap3A, %swap3A_54], %swap3A_57 {strides = array<i32>} : memref<128x128xf32, #tpu.memory_space<vmem>>, vector<1x16xf32>,
      %swap3A_58 = arith.index_cast %scan3A_53 : i32 to index
      %swap3A_59 = arith.constant 16 : index
      %swap3A_60 = tpu.vector_load %arg9[%swap3A_58, %swap3A_59] {strides = array<i32>} : memref<128x128xf32, #tpu.memory_space<vmem>>, vector<1x16xf32>,
      %swap3A_61 = vector.shape_cast %swap3A_60 : vector<1x16xf32> to vector<16xf32>
      %swap3A_62 = vector.shape_cast %broadcast_in_dim3A_1 : vector<16xf32> to vector<1x16xf32>
      tpu.vector_store %arg9[%swap3A_58, %swap3A_59], %swap3A_62 {strides = array<i32>} : memref<128x128xf32, #tpu.memory_space<vmem>>, vector<1x16xf32>,
      %swap3A_63 = arith.index_cast %scan3A_53 : i32 to index
      %swap3A_64 = arith.constant 32 : index
      %swap3A_65 = tpu.vector_load %arg9[%swap3A_63, %swap3A_64] {strides = array<i32>} : memref<128x128xf32, #tpu.memory_space<vmem>>, vector<1x16xf32>,
      %swap3A_66 = vector.shape_cast %swap3A_65 : vector<1x16xf32> to vector<16xf32>
      %swap3A_67 = vector.shape_cast %broadcast_in_dim3A_1 : vector<16xf32> to vector<1x16xf32>
      tpu.vector_store %arg9[%swap3A_63, %swap3A_64], %swap3A_67 {strides = array<i32>} : memref<128x128xf32, #tpu.memory_space<vmem>>, vector<1x16xf32>,
      %swap3A_68 = arith.index_cast %scan3A_53 : i32 to index
      %swap3A_69 = arith.constant 48 : index
      %swap3A_70 = tpu.vector_load %arg9[%swap3A_68, %swap3A_69] {strides = array<i32>} : memref<128x128xf32, #tpu.memory_space<vmem>>, vector<1x16xf32>,
      %swap3A_71 = vector.shape_cast %swap3A_70 : vector<1x16xf32> to vector<16xf32>
      %swap3A_72 = vector.shape_cast %broadcast_in_dim3A_1 : vector<16xf32> to vector<1x16xf32>
      tpu.vector_store %arg9[%swap3A_68, %swap3A_69], %swap3A_72 {strides = array<i32>} : memref<128x128xf32, #tpu.memory_space<vmem>>, vector<1x16xf32>,
      %swap3A_73 = arith.index_cast %scan3A_53 : i32 to index
      %swap3A_74 = arith.constant 64 : index
      %swap3A_75 = tpu.vector_load %arg9[%swap3A_73, %swap3A_74] {strides = array<i32>} : memref<128x128xf32, #tpu.memory_space<vmem>>, vector<1x16xf32>,
      %swap3A_76 = vector.shape_cast %swap3A_75 : vector<1x16xf32> to vector<16xf32>
      %swap3A_77 = vector.shape_cast %broadcast_in_dim3A_1 : vector<16xf32> to vector<1x16xf32>
      tpu.vector_store %arg9[%swap3A_73, %swap3A_74], %swap3A_77 {strides = array<i32>} : memref<128x128xf32, #tpu.memory_space<vmem>>, vector<1x16xf32>,
      %swap3A_78 = arith.index_cast %scan3A_53 : i32 to index
      %swap3A_79 = arith.constant 80 : index
      %swap3A_80 = tpu.vector_load %arg9[%swap3A_78, %swap3A_79] {strides = array<i32>} : memref<128x128xf32, #tpu.memory_space<vmem>>, vector<1x16xf32>,
      %swap3A_81 = vector.shape_cast %swap3A_80 : vector<1x16xf32> to vector<16xf32>
      %swap3A_82 = vector.shape_cast %broadcast_in_dim3A_1 : vector<16xf32> to vector<1x16xf32>
      tpu.vector_store %arg9[%swap3A_78, %swap3A_79], %swap3A_82 {strides = array<i32>} : memref<128x128xf32, #tpu.memory_space<vmem>>, vector<1x16xf32>,
      %swap3A_83 = arith.index_cast %scan3A_53 : i32 to index
      %swap3A_84 = arith.constant 96 : index
      %swap3A_85 = tpu.vector_load %arg9[%swap3A_83, %swap3A_84] {strides = array<i32>} : memref<128x128xf32, #tpu.memory_space<vmem>>, vector<1x16xf32>,
      %swap3A_86 = vector.shape_cast %swap3A_85 : vector<1x16xf32> to vector<16xf32>
      %swap3A_87 = vector.shape_cast %broadcast_in_dim3A_1 : vector<16xf32> to vector<1x16xf32>
      tpu.vector_store %arg9[%swap3A_83, %swap3A_84], %swap3A_87 {strides = array<i32>} : memref<128x128xf32, #tpu.memory_space<vmem>>, vector<1x16xf32>,
      %swap3A_88 = arith.index_cast %scan3A_53 : i32 to index
      %swap3A_89 = arith.constant 112 : index
      %swap3A_90 = tpu.vector_load %arg9[%swap3A_88, %swap3A_89] {strides = array<i32>} : memref<128x128xf32, #tpu.memory_space<vmem>>, vector<1x16xf32>,
      %swap3A_91 = vector.shape_cast %swap3A_90 : vector<1x16xf32> to vector<16xf32>
      %swap3A_92 = vector.shape_cast %broadcast_in_dim3A_1 : vector<16xf32> to vector<1x16xf32>
      tpu.vector_store %arg9[%swap3A_88, %swap3A_89], %swap3A_92 {strides = array<i32>} : memref<128x128xf32, #tpu.memory_space<vmem>>, vector<1x16xf32>,
    }
    %scan3A_6 = arith.constant 128 : i32
    %mul3A_7 = arith.constant 626 : i32
    %mul3A_8 = arith.muli %arg1, %mul3A_7 : i32
    %add3A_9 = arith.constant 0 : i32
    %add3A_10 = arith.addi %mul3A_8, %add3A_9 : i32
    "tpu.region"() ({
      %run_scoped3A = tpu.sem_alloc : memref<!tpu.dma_semaphore, #tpu.memory_space<semaphore_mem>>
      %dma_start3A_53 = arith.constant 0 : i32
      %dma_start3A_54 = arith.constant 0 : i32
      %dma_start3A_55 = tpu.memref_slice %arg9[%dma_start3A_53, %dma_start3A_54] : memref<128x128xf32, #tpu.memory_space<vmem>> -> memref<128x128xf32, #tpu.memory_space<vmem>>
      %dma_start3A_56 = arith.constant 0 : i32
      %dma_start3A_57 = tpu.memref_slice %arg11[%add3A_10, %dma_start3A_56] : memref<10016x128xf32, #tpu.memory_space<vmem_shared>> -> memref<128x128xf32, #tpu.memory_space<vmem_shared>>
      %dma_start3A_58 = arith.constant 0 : i32
      %dma_start3A_59 = tpu.memref_slice %arg11[%add3A_10, %dma_start3A_58] : memref<10016x128xf32, #tpu.memory_space<vmem_shared>> -> memref<128x128xf32, #tpu.memory_space<vmem_shared>>
      %dma_start3A_60 = arith.constant 0 : i32
      %dma_start3A_61 = arith.constant 0 : i32
      %dma_start3A_62 = tpu.memref_slice %arg9[%dma_start3A_60, %dma_start3A_61] : memref<128x128xf32, #tpu.memory_space<vmem>> -> memref<128x128xf32, #tpu.memory_space<vmem>>
      tpu.enqueue_dma source(%dma_start3A_62 : memref<128x128xf32, #tpu.memory_space<vmem>>) target(%dma_start3A_59 : memref<128x128xf32, #tpu.memory_space<vmem_shared>>) target_semaphore(%run_scoped3A : memref<!tpu.dma_semaphore, #tpu.memory_space<semaphore_mem>>)
      %dma_wait3A = arith.constant 0 : i32
      %dma_wait3A_63 = arith.constant 0 : i32
      %dma_wait3A_64 = tpu.memref_slice %arg9[%dma_wait3A, %dma_wait3A_63] : memref<128x128xf32, #tpu.memory_space<vmem>> -> memref<128x128xf32, #tpu.memory_space<vmem>>
      %dma_wait3A_65 = arith.constant 0 : i32
      %dma_wait3A_66 = tpu.memref_slice %arg11[%add3A_10, %dma_wait3A_65] : memref<10016x128xf32, #tpu.memory_space<vmem_shared>> -> memref<128x128xf32, #tpu.memory_space<vmem_shared>>
      %dma_wait3A_67 = arith.constant 0 : i32
      %dma_wait3A_68 = tpu.memref_slice %arg11[%add3A_10, %dma_wait3A_67] : memref<10016x128xf32, #tpu.memory_space<vmem_shared>> -> memref<128x128xf32, #tpu.memory_space<vmem_shared>>
      %dma_wait3A_69 = arith.constant 0 : i32
      %dma_wait3A_70 = arith.constant 0 : i32
      %dma_wait3A_71 = tpu.memref_slice %arg9[%dma_wait3A_69, %dma_wait3A_70] : memref<128x128xf32, #tpu.memory_space<vmem>> -> memref<128x128xf32, #tpu.memory_space<vmem>>
      tpu.wait_dma2 semaphore(%run_scoped3A : memref<!tpu.dma_semaphore, #tpu.memory_space<semaphore_mem>>) src(%dma_wait3A_71 : memref<128x128xf32, #tpu.memory_space<vmem>>) dst(%dma_wait3A_68 : memref<128x128xf32, #tpu.memory_space<vmem_shared>>)
      tpu.yield
    }) : () -> ()
    %mul3A_11 = arith.constant 626 : i32
    %mul3A_12 = arith.muli %arg1, %mul3A_11 : i32
    %add3A_13 = arith.constant 128 : i32
    %add3A_14 = arith.addi %mul3A_12, %add3A_13 : i32
    "tpu.region"() ({
      %run_scoped3A = tpu.sem_alloc : memref<!tpu.dma_semaphore, #tpu.memory_space<semaphore_mem>>
      %dma_start3A_53 = arith.constant 0 : i32
      %dma_start3A_54 = arith.constant 0 : i32
      %dma_start3A_55 = tpu.memref_slice %arg9[%dma_start3A_53, %dma_start3A_54] : memref<128x128xf32, #tpu.memory_space<vmem>> -> memref<128x128xf32, #tpu.memory_space<vmem>>
      %dma_start3A_56 = arith.constant 0 : i32
      %dma_start3A_57 = tpu.memref_slice %arg11[%add3A_14, %dma_start3A_56] : memref<10016x128xf32, #tpu.memory_space<vmem_shared>> -> memref<128x128xf32, #tpu.memory_space<vmem_shared>>
      %dma_start3A_58 = arith.constant 0 : i32
      %dma_start3A_59 = tpu.memref_slice %arg11[%add3A_14, %dma_start3A_58] : memref<10016x128xf32, #tpu.memory_space<vmem_shared>> -> memref<128x128xf32, #tpu.memory_space<vmem_shared>>
      %dma_start3A_60 = arith.constant 0 : i32
      %dma_start3A_61 = arith.constant 0 : i32
      %dma_start3A_62 = tpu.memref_slice %arg9[%dma_start3A_60, %dma_start3A_61] : memref<128x128xf32, #tpu.memory_space<vmem>> -> memref<128x128xf32, #tpu.memory_space<vmem>>
      tpu.enqueue_dma source(%dma_start3A_62 : memref<128x128xf32, #tpu.memory_space<vmem>>) target(%dma_start3A_59 : memref<128x128xf32, #tpu.memory_space<vmem_shared>>) target_semaphore(%run_scoped3A : memref<!tpu.dma_semaphore, #tpu.memory_space<semaphore_mem>>)
      %dma_wait3A = arith.constant 0 : i32
      %dma_wait3A_63 = arith.constant 0 : i32
      %dma_wait3A_64 = tpu.memref_slice %arg9[%dma_wait3A, %dma_wait3A_63] : memref<128x128xf32, #tpu.memory_space<vmem>> -> memref<128x128xf32, #tpu.memory_space<vmem>>
      %dma_wait3A_65 = arith.constant 0 : i32
      %dma_wait3A_66 = tpu.memref_slice %arg11[%add3A_14, %dma_wait3A_65] : memref<10016x128xf32, #tpu.memory_space<vmem_shared>> -> memref<128x128xf32, #tpu.memory_space<vmem_shared>>
      %dma_wait3A_67 = arith.constant 0 : i32
      %dma_wait3A_68 = tpu.memref_slice %arg11[%add3A_14, %dma_wait3A_67] : memref<10016x128xf32, #tpu.memory_space<vmem_shared>> -> memref<128x128xf32, #tpu.memory_space<vmem_shared>>
      %dma_wait3A_69 = arith.constant 0 : i32
      %dma_wait3A_70 = arith.constant 0 : i32
      %dma_wait3A_71 = tpu.memref_slice %arg9[%dma_wait3A_69, %dma_wait3A_70] : memref<128x128xf32, #tpu.memory_space<vmem>> -> memref<128x128xf32, #tpu.memory_space<vmem>>
      tpu.wait_dma2 semaphore(%run_scoped3A : memref<!tpu.dma_semaphore, #tpu.memory_space<semaphore_mem>>) src(%dma_wait3A_71 : memref<128x128xf32, #tpu.memory_space<vmem>>) dst(%dma_wait3A_68 : memref<128x128xf32, #tpu.memory_space<vmem_shared>>)
      tpu.yield
    }) : () -> ()
    %mul3A_15 = arith.constant 626 : i32
    %mul3A_16 = arith.muli %arg1, %mul3A_15 : i32
    %add3A_17 = arith.constant 256 : i32
    %add3A_18 = arith.addi %mul3A_16, %add3A_17 : i32
    "tpu.region"() ({
      %run_scoped3A = tpu.sem_alloc : memref<!tpu.dma_semaphore, #tpu.memory_space<semaphore_mem>>
      %dma_start3A_53 = arith.constant 0 : i32
      %dma_start3A_54 = arith.constant 0 : i32
      %dma_start3A_55 = tpu.memref_slice %arg9[%dma_start3A_53, %dma_start3A_54] : memref<128x128xf32, #tpu.memory_space<vmem>> -> memref<128x128xf32, #tpu.memory_space<vmem>>
      %dma_start3A_56 = arith.constant 0 : i32
      %dma_start3A_57 = tpu.memref_slice %arg11[%add3A_18, %dma_start3A_56] : memref<10016x128xf32, #tpu.memory_space<vmem_shared>> -> memref<128x128xf32, #tpu.memory_space<vmem_shared>>
      %dma_start3A_58 = arith.constant 0 : i32
      %dma_start3A_59 = tpu.memref_slice %arg11[%add3A_18, %dma_start3A_58] : memref<10016x128xf32, #tpu.memory_space<vmem_shared>> -> memref<128x128xf32, #tpu.memory_space<vmem_shared>>
      %dma_start3A_60 = arith.constant 0 : i32
      %dma_start3A_61 = arith.constant 0 : i32
      %dma_start3A_62 = tpu.memref_slice %arg9[%dma_start3A_60, %dma_start3A_61] : memref<128x128xf32, #tpu.memory_space<vmem>> -> memref<128x128xf32, #tpu.memory_space<vmem>>
      tpu.enqueue_dma source(%dma_start3A_62 : memref<128x128xf32, #tpu.memory_space<vmem>>) target(%dma_start3A_59 : memref<128x128xf32, #tpu.memory_space<vmem_shared>>) target_semaphore(%run_scoped3A : memref<!tpu.dma_semaphore, #tpu.memory_space<semaphore_mem>>)
      %dma_wait3A = arith.constant 0 : i32
      %dma_wait3A_63 = arith.constant 0 : i32
      %dma_wait3A_64 = tpu.memref_slice %arg9[%dma_wait3A, %dma_wait3A_63] : memref<128x128xf32, #tpu.memory_space<vmem>> -> memref<128x128xf32, #tpu.memory_space<vmem>>
      %dma_wait3A_65 = arith.constant 0 : i32
      %dma_wait3A_66 = tpu.memref_slice %arg11[%add3A_18, %dma_wait3A_65] : memref<10016x128xf32, #tpu.memory_space<vmem_shared>> -> memref<128x128xf32, #tpu.memory_space<vmem_shared>>
      %dma_wait3A_67 = arith.constant 0 : i32
      %dma_wait3A_68 = tpu.memref_slice %arg11[%add3A_18, %dma_wait3A_67] : memref<10016x128xf32, #tpu.memory_space<vmem_shared>> -> memref<128x128xf32, #tpu.memory_space<vmem_shared>>
      %dma_wait3A_69 = arith.constant 0 : i32
      %dma_wait3A_70 = arith.constant 0 : i32
      %dma_wait3A_71 = tpu.memref_slice %arg9[%dma_wait3A_69, %dma_wait3A_70] : memref<128x128xf32, #tpu.memory_space<vmem>> -> memref<128x128xf32, #tpu.memory_space<vmem>>
      tpu.wait_dma2 semaphore(%run_scoped3A : memref<!tpu.dma_semaphore, #tpu.memory_space<semaphore_mem>>) src(%dma_wait3A_71 : memref<128x128xf32, #tpu.memory_space<vmem>>) dst(%dma_wait3A_68 : memref<128x128xf32, #tpu.memory_space<vmem_shared>>)
      tpu.yield
    }) : () -> ()
    %mul3A_19 = arith.constant 626 : i32
    %mul3A_20 = arith.muli %arg1, %mul3A_19 : i32
    %add3A_21 = arith.constant 384 : i32
    %add3A_22 = arith.addi %mul3A_20, %add3A_21 : i32
    "tpu.region"() ({
      %run_scoped3A = tpu.sem_alloc : memref<!tpu.dma_semaphore, #tpu.memory_space<semaphore_mem>>
      %dma_start3A_53 = arith.constant 0 : i32
      %dma_start3A_54 = arith.constant 0 : i32
      %dma_start3A_55 = tpu.memref_slice %arg9[%dma_start3A_53, %dma_start3A_54] : memref<128x128xf32, #tpu.memory_space<vmem>> -> memref<128x128xf32, #tpu.memory_space<vmem>>
      %dma_start3A_56 = arith.constant 0 : i32
      %dma_start3A_57 = tpu.memref_slice %arg11[%add3A_22, %dma_start3A_56] : memref<10016x128xf32, #tpu.memory_space<vmem_shared>> -> memref<128x128xf32, #tpu.memory_space<vmem_shared>>
      %dma_start3A_58 = arith.constant 0 : i32
      %dma_start3A_59 = tpu.memref_slice %arg11[%add3A_22, %dma_start3A_58] : memref<10016x128xf32, #tpu.memory_space<vmem_shared>> -> memref<128x128xf32, #tpu.memory_space<vmem_shared>>
      %dma_start3A_60 = arith.constant 0 : i32
      %dma_start3A_61 = arith.constant 0 : i32
      %dma_start3A_62 = tpu.memref_slice %arg9[%dma_start3A_60, %dma_start3A_61] : memref<128x128xf32, #tpu.memory_space<vmem>> -> memref<128x128xf32, #tpu.memory_space<vmem>>
      tpu.enqueue_dma source(%dma_start3A_62 : memref<128x128xf32, #tpu.memory_space<vmem>>) target(%dma_start3A_59 : memref<128x128xf32, #tpu.memory_space<vmem_shared>>) target_semaphore(%run_scoped3A : memref<!tpu.dma_semaphore, #tpu.memory_space<semaphore_mem>>)
      %dma_wait3A = arith.constant 0 : i32
      %dma_wait3A_63 = arith.constant 0 : i32
      %dma_wait3A_64 = tpu.memref_slice %arg9[%dma_wait3A, %dma_wait3A_63] : memref<128x128xf32, #tpu.memory_space<vmem>> -> memref<128x128xf32, #tpu.memory_space<vmem>>
      %dma_wait3A_65 = arith.constant 0 : i32
      %dma_wait3A_66 = tpu.memref_slice %arg11[%add3A_22, %dma_wait3A_65] : memref<10016x128xf32, #tpu.memory_space<vmem_shared>> -> memref<128x128xf32, #tpu.memory_space<vmem_shared>>
      %dma_wait3A_67 = arith.constant 0 : i32
      %dma_wait3A_68 = tpu.memref_slice %arg11[%add3A_22, %dma_wait3A_67] : memref<10016x128xf32, #tpu.memory_space<vmem_shared>> -> memref<128x128xf32, #tpu.memory_space<vmem_shared>>
      %dma_wait3A_69 = arith.constant 0 : i32
      %dma_wait3A_70 = arith.constant 0 : i32
      %dma_wait3A_71 = tpu.memref_slice %arg9[%dma_wait3A_69, %dma_wait3A_70] : memref<128x128xf32, #tpu.memory_space<vmem>> -> memref<128x128xf32, #tpu.memory_space<vmem>>
      tpu.wait_dma2 semaphore(%run_scoped3A : memref<!tpu.dma_semaphore, #tpu.memory_space<semaphore_mem>>) src(%dma_wait3A_71 : memref<128x128xf32, #tpu.memory_space<vmem>>) dst(%dma_wait3A_68 : memref<128x128xf32, #tpu.memory_space<vmem_shared>>)
      tpu.yield
    }) : () -> ()
    %mul3A_23 = arith.constant 626 : i32
    %mul3A_24 = arith.muli %arg1, %mul3A_23 : i32
    %add3A_25 = arith.constant 512 : i32
    %add3A_26 = arith.addi %mul3A_24, %add3A_25 : i32
    "tpu.region"() ({
      %run_scoped3A = tpu.sem_alloc : memref<!tpu.dma_semaphore, #tpu.memory_space<semaphore_mem>>
      %dma_start3A_53 = arith.constant 0 : i32
      %dma_start3A_54 = arith.constant 0 : i32
      %dma_start3A_55 = tpu.memref_slice %arg9[%dma_start3A_53, %dma_start3A_54] : memref<128x128xf32, #tpu.memory_space<vmem>> -> memref<114x128xf32, #tpu.memory_space<vmem>>
      %dma_start3A_56 = arith.constant 0 : i32
      %dma_start3A_57 = tpu.memref_slice %arg11[%add3A_26, %dma_start3A_56] : memref<10016x128xf32, #tpu.memory_space<vmem_shared>> -> memref<114x128xf32, #tpu.memory_space<vmem_shared>>
      %dma_start3A_58 = arith.constant 0 : i32
      %dma_start3A_59 = tpu.memref_slice %arg11[%add3A_26, %dma_start3A_58] : memref<10016x128xf32, #tpu.memory_space<vmem_shared>> -> memref<114x128xf32, #tpu.memory_space<vmem_shared>>
      %dma_start3A_60 = arith.constant 0 : i32
      %dma_start3A_61 = arith.constant 0 : i32
      %dma_start3A_62 = tpu.memref_slice %arg9[%dma_start3A_60, %dma_start3A_61] : memref<128x128xf32, #tpu.memory_space<vmem>> -> memref<114x128xf32, #tpu.memory_space<vmem>>
      tpu.enqueue_dma source(%dma_start3A_62 : memref<114x128xf32, #tpu.memory_space<vmem>>) target(%dma_start3A_59 : memref<114x128xf32, #tpu.memory_space<vmem_shared>>) target_semaphore(%run_scoped3A : memref<!tpu.dma_semaphore, #tpu.memory_space<semaphore_mem>>)
      %dma_wait3A = arith.constant 0 : i32
      %dma_wait3A_63 = arith.constant 0 : i32
      %dma_wait3A_64 = tpu.memref_slice %arg9[%dma_wait3A, %dma_wait3A_63] : memref<128x128xf32, #tpu.memory_space<vmem>> -> memref<114x128xf32, #tpu.memory_space<vmem>>
      %dma_wait3A_65 = arith.constant 0 : i32
      %dma_wait3A_66 = tpu.memref_slice %arg11[%add3A_26, %dma_wait3A_65] : memref<10016x128xf32, #tpu.memory_space<vmem_shared>> -> memref<114x128xf32, #tpu.memory_space<vmem_shared>>
      %dma_wait3A_67 = arith.constant 0 : i32
      %dma_wait3A_68 = tpu.memref_slice %arg11[%add3A_26, %dma_wait3A_67] : memref<10016x128xf32, #tpu.memory_space<vmem_shared>> -> memref<114x128xf32, #tpu.memory_space<vmem_shared>>
      %dma_wait3A_69 = arith.constant 0 : i32
      %dma_wait3A_70 = arith.constant 0 : i32
      %dma_wait3A_71 = tpu.memref_slice %arg9[%dma_wait3A_69, %dma_wait3A_70] : memref<128x128xf32, #tpu.memory_space<vmem>> -> memref<114x128xf32, #tpu.memory_space<vmem>>
      tpu.wait_dma2 semaphore(%run_scoped3A : memref<!tpu.dma_semaphore, #tpu.memory_space<semaphore_mem>>) src(%dma_wait3A_71 : memref<114x128xf32, #tpu.memory_space<vmem>>) dst(%dma_wait3A_68 : memref<114x128xf32, #tpu.memory_space<vmem_shared>>)
      tpu.yield
    }) : () -> ()
    %barrier3A = arith.constant 0 : index
    tpu.barrier barrier_id(%barrier3A)
    %dma_start3A = arith.constant 0 : i32
    %dma_start3A_27 = arith.constant 0 : i32
    %dma_start3A_28 = tpu.memref_slice %arg6[%dma_start3A, %dma_start3A_27] : memref<80x128xi32, #tpu.memory_space<vmem>> -> memref<1x128xi32, #tpu.memory_space<vmem>>
    %dma_start3A_29 = tpu.memref_squeeze %dma_start3A_28 : memref<1x128xi32, #tpu.memory_space<vmem>> -> memref<128xi32, #tpu.memory_space<vmem>>
    %dma_start3A_30 = arith.constant 0 : i32
    %dma_start3A_31 = arith.constant 0 : i32
    %dma_start3A_32 = tpu.memref_slice %arg2[%dma_start3A_30, %dma_start3A_31] : memref<10000x128xf32, #tpu.memory_space<hbm>> -> memref<10000x128xf32, #tpu.memory_space<hbm>>
    tpu.enqueue_indirect_dma source(%dma_start3A_32 : memref<10000x128xf32, #tpu.memory_space<hbm>>) target(%arg9 : memref<128x128xf32, #tpu.memory_space<vmem>>) offsets(%dma_start3A_29 : memref<128xi32, #tpu.memory_space<vmem>>) semaphore(%arg12 : memref<!tpu.dma_semaphore, #tpu.memory_space<semaphore_mem>>)
    %dma_start3A_33 = arith.constant 1 : i32
    %dma_start3A_34 = arith.constant 0 : i32
    %dma_start3A_35 = tpu.memref_slice %arg6[%dma_start3A_33, %dma_start3A_34] : memref<80x128xi32, #tpu.memory_space<vmem>> -> memref<1x128xi32, #tpu.memory_space<vmem>>
    %dma_start3A_36 = tpu.memref_squeeze %dma_start3A_35 : memref<1x128xi32, #tpu.memory_space<vmem>> -> memref<128xi32, #tpu.memory_space<vmem>>
    %dma_start3A_37 = arith.constant 0 : i32
    %dma_start3A_38 = arith.constant 0 : i32
    %dma_start3A_39 = tpu.memref_slice %arg2[%dma_start3A_37, %dma_start3A_38] : memref<10000x128xf32, #tpu.memory_space<hbm>> -> memref<10000x128xf32, #tpu.memory_space<hbm>>
    tpu.enqueue_indirect_dma source(%dma_start3A_39 : memref<10000x128xf32, #tpu.memory_space<hbm>>) target(%arg10 : memref<128x128xf32, #tpu.memory_space<vmem>>) offsets(%dma_start3A_36 : memref<128xi32, #tpu.memory_space<vmem>>) semaphore(%arg13 : memref<!tpu.dma_semaphore, #tpu.memory_space<semaphore_mem>>)
    %scan3A_40 = arith.constant 0 : i32
    %scan3A_41 = arith.constant 0 : i32
    %scan3A_42 = arith.constant 40 : i32
    %scan3A_43 = arith.addi %scan3A_41, %scan3A_42 : i32
    %scan3A_44 = arith.constant 1 : i32
    scf.for %scan3A_53 = %scan3A_41 to %scan3A_43 step %scan3A_44  : i32 {
      %mul3A_54 = arith.constant 2 : i32
      %mul3A_55 = arith.muli %mul3A_54, %scan3A_53 : i32
      %dma_wait3A = arith.constant 0 : i32
      %dma_wait3A_56 = tpu.memref_slice %arg6[%mul3A_55, %dma_wait3A] : memref<80x128xi32, #tpu.memory_space<vmem>> -> memref<1x128xi32, #tpu.memory_space<vmem>>
      %dma_wait3A_57 = tpu.memref_squeeze %dma_wait3A_56 : memref<1x128xi32, #tpu.memory_space<vmem>> -> memref<128xi32, #tpu.memory_space<vmem>>
      %dma_wait3A_58 = arith.constant 0 : i32
      %dma_wait3A_59 = arith.constant 0 : i32
      %dma_wait3A_60 = tpu.memref_slice %arg2[%dma_wait3A_58, %dma_wait3A_59] : memref<10000x128xf32, #tpu.memory_space<hbm>> -> memref<10000x128xf32, #tpu.memory_space<hbm>>
      tpu.wait_indirect_dma semaphore(%arg12 : memref<!tpu.dma_semaphore, #tpu.memory_space<semaphore_mem>>) src(%dma_wait3A_60 : memref<10000x128xf32, #tpu.memory_space<hbm>>) dst(%arg9 : memref<128x128xf32, #tpu.memory_space<vmem>>)
      %get3A = arith.index_cast %scan3A_53 : i32 to index
      %get3A_61 = arith.constant 0 : index
      %get3A_62 = tpu.vector_load %arg7[%get3A, %get3A_61] {strides = array<i32>} : memref<40x128xi32, #tpu.memory_space<vmem>>, vector<1x16xi32>,
      %get3A_63 = vector.shape_cast %get3A_62 : vector<1x16xi32> to vector<16xi32>
      %and3A = arith.constant 65535 : i32
      %and3A_64 = vector.broadcast %and3A : i32 to vector<16xi32>
      %and3A_65 = arith.andi %get3A_63, %and3A_64 : vector<16xi32>
      %swap3A = arith.constant 0 : i32
      %swap3A_66 = arith.index_cast %swap3A : i32 to index
      %swap3A_67 = arith.constant 0 : index
      %swap3A_68 = tpu.vector_load %arg8[%swap3A_66, %swap3A_67] {strides = array<i32>} : memref<1x128xi32, #tpu.memory_space<vmem>>, vector<1x16xi32>,
      %swap3A_69 = vector.shape_cast %swap3A_68 : vector<1x16xi32> to vector<16xi32>
      %swap3A_70 = vector.shape_cast %and3A_65 : vector<16xi32> to vector<1x16xi32>
      tpu.vector_store %arg8[%swap3A_66, %swap3A_67], %swap3A_70 {strides = array<i32>} : memref<1x128xi32, #tpu.memory_space<vmem>>, vector<1x16xi32>,
      %shift_right_logical3A = arith.constant 16 : i32
      %shift_right_logical3A_71 = vector.broadcast %shift_right_logical3A : i32 to vector<16xi32>
      %shift_right_logical3A_72 = arith.shrui %get3A_63, %shift_right_logical3A_71 : vector<16xi32>
      %swap3A_73 = arith.constant 0 : i32
      %swap3A_74 = arith.index_cast %swap3A_73 : i32 to index
      %swap3A_75 = arith.constant 16 : index
      %swap3A_76 = tpu.vector_load %arg8[%swap3A_74, %swap3A_75] {strides = array<i32>} : memref<1x128xi32, #tpu.memory_space<vmem>>, vector<1x16xi32>,
      %swap3A_77 = vector.shape_cast %swap3A_76 : vector<1x16xi32> to vector<16xi32>
      %swap3A_78 = vector.shape_cast %shift_right_logical3A_72 : vector<16xi32> to vector<1x16xi32>
      tpu.vector_store %arg8[%swap3A_74, %swap3A_75], %swap3A_78 {strides = array<i32>} : memref<1x128xi32, #tpu.memory_space<vmem>>, vector<1x16xi32>,
      %get3A_79 = arith.index_cast %scan3A_53 : i32 to index
      %get3A_80 = arith.constant 16 : index
      %get3A_81 = tpu.vector_load %arg7[%get3A_79, %get3A_80] {strides = array<i32>} : memref<40x128xi32, #tpu.memory_space<vmem>>, vector<1x16xi32>,
      %get3A_82 = vector.shape_cast %get3A_81 : vector<1x16xi32> to vector<16xi32>
      %and3A_83 = arith.constant 65535 : i32
      %and3A_84 = vector.broadcast %and3A_83 : i32 to vector<16xi32>
      %and3A_85 = arith.andi %get3A_82, %and3A_84 : vector<16xi32>
      %swap3A_86 = arith.constant 0 : i32
      %swap3A_87 = arith.index_cast %swap3A_86 : i32 to index
      %swap3A_88 = arith.constant 32 : index
      %swap3A_89 = tpu.vector_load %arg8[%swap3A_87, %swap3A_88] {strides = array<i32>} : memref<1x128xi32, #tpu.memory_space<vmem>>, vector<1x16xi32>,
      %swap3A_90 = vector.shape_cast %swap3A_89 : vector<1x16xi32> to vector<16xi32>
      %swap3A_91 = vector.shape_cast %and3A_85 : vector<16xi32> to vector<1x16xi32>
      tpu.vector_store %arg8[%swap3A_87, %swap3A_88], %swap3A_91 {strides = array<i32>} : memref<1x128xi32, #tpu.memory_space<vmem>>, vector<1x16xi32>,
      %shift_right_logical3A_92 = arith.constant 16 : i32
      %shift_right_logical3A_93 = vector.broadcast %shift_right_logical3A_92 : i32 to vector<16xi32>
      %shift_right_logical3A_94 = arith.shrui %get3A_82, %shift_right_logical3A_93 : vector<16xi32>
      %swap3A_95 = arith.constant 0 : i32
      %swap3A_96 = arith.index_cast %swap3A_95 : i32 to index
      %swap3A_97 = arith.constant 48 : index
      %swap3A_98 = tpu.vector_load %arg8[%swap3A_96, %swap3A_97] {strides = array<i32>} : memref<1x128xi32, #tpu.memory_space<vmem>>, vector<1x16xi32>,
      %swap3A_99 = vector.shape_cast %swap3A_98 : vector<1x16xi32> to vector<16xi32>
      %swap3A_100 = vector.shape_cast %shift_right_logical3A_94 : vector<16xi32> to vector<1x16xi32>
      tpu.vector_store %arg8[%swap3A_96, %swap3A_97], %swap3A_100 {strides = array<i32>} : memref<1x128xi32, #tpu.memory_space<vmem>>, vector<1x16xi32>,
      %get3A_101 = arith.index_cast %scan3A_53 : i32 to index
      %get3A_102 = arith.constant 32 : index
      %get3A_103 = tpu.vector_load %arg7[%get3A_101, %get3A_102] {strides = array<i32>} : memref<40x128xi32, #tpu.memory_space<vmem>>, vector<1x16xi32>,
      %get3A_104 = vector.shape_cast %get3A_103 : vector<1x16xi32> to vector<16xi32>
      %and3A_105 = arith.constant 65535 : i32
      %and3A_106 = vector.broadcast %and3A_105 : i32 to vector<16xi32>
      %and3A_107 = arith.andi %get3A_104, %and3A_106 : vector<16xi32>
      %swap3A_108 = arith.constant 0 : i32
      %swap3A_109 = arith.index_cast %swap3A_108 : i32 to index
      %swap3A_110 = arith.constant 64 : index
      %swap3A_111 = tpu.vector_load %arg8[%swap3A_109, %swap3A_110] {strides = array<i32>} : memref<1x128xi32, #tpu.memory_space<vmem>>, vector<1x16xi32>,
      %swap3A_112 = vector.shape_cast %swap3A_111 : vector<1x16xi32> to vector<16xi32>
      %swap3A_113 = vector.shape_cast %and3A_107 : vector<16xi32> to vector<1x16xi32>
      tpu.vector_store %arg8[%swap3A_109, %swap3A_110], %swap3A_113 {strides = array<i32>} : memref<1x128xi32, #tpu.memory_space<vmem>>, vector<1x16xi32>,
      %shift_right_logical3A_114 = arith.constant 16 : i32
      %shift_right_logical3A_115 = vector.broadcast %shift_right_logical3A_114 : i32 to vector<16xi32>
      %shift_right_logical3A_116 = arith.shrui %get3A_104, %shift_right_logical3A_115 : vector<16xi32>
      %swap3A_117 = arith.constant 0 : i32
      %swap3A_118 = arith.index_cast %swap3A_117 : i32 to index
      %swap3A_119 = arith.constant 80 : index
      %swap3A_120 = tpu.vector_load %arg8[%swap3A_118, %swap3A_119] {strides = array<i32>} : memref<1x128xi32, #tpu.memory_space<vmem>>, vector<1x16xi32>,
      %swap3A_121 = vector.shape_cast %swap3A_120 : vector<1x16xi32> to vector<16xi32>
      %swap3A_122 = vector.shape_cast %shift_right_logical3A_116 : vector<16xi32> to vector<1x16xi32>
      tpu.vector_store %arg8[%swap3A_118, %swap3A_119], %swap3A_122 {strides = array<i32>} : memref<1x128xi32, #tpu.memory_space<vmem>>, vector<1x16xi32>,
      %get3A_123 = arith.index_cast %scan3A_53 : i32 to index
      %get3A_124 = arith.constant 48 : index
      %get3A_125 = tpu.vector_load %arg7[%get3A_123, %get3A_124] {strides = array<i32>} : memref<40x128xi32, #tpu.memory_space<vmem>>, vector<1x16xi32>,
      %get3A_126 = vector.shape_cast %get3A_125 : vector<1x16xi32> to vector<16xi32>
      %and3A_127 = arith.constant 65535 : i32
      %and3A_128 = vector.broadcast %and3A_127 : i32 to vector<16xi32>
      %and3A_129 = arith.andi %get3A_126, %and3A_128 : vector<16xi32>
      %swap3A_130 = arith.constant 0 : i32
      %swap3A_131 = arith.index_cast %swap3A_130 : i32 to index
      %swap3A_132 = arith.constant 96 : index
      %swap3A_133 = tpu.vector_load %arg8[%swap3A_131, %swap3A_132] {strides = array<i32>} : memref<1x128xi32, #tpu.memory_space<vmem>>, vector<1x16xi32>,
      %swap3A_134 = vector.shape_cast %swap3A_133 : vector<1x16xi32> to vector<16xi32>
      %swap3A_135 = vector.shape_cast %and3A_129 : vector<16xi32> to vector<1x16xi32>
      tpu.vector_store %arg8[%swap3A_131, %swap3A_132], %swap3A_135 {strides = array<i32>} : memref<1x128xi32, #tpu.memory_space<vmem>>, vector<1x16xi32>,
      %shift_right_logical3A_136 = arith.constant 16 : i32
      %shift_right_logical3A_137 = vector.broadcast %shift_right_logical3A_136 : i32 to vector<16xi32>
      %shift_right_logical3A_138 = arith.shrui %get3A_126, %shift_right_logical3A_137 : vector<16xi32>
      %swap3A_139 = arith.constant 0 : i32
      %swap3A_140 = arith.index_cast %swap3A_139 : i32 to index
      %swap3A_141 = arith.constant 112 : index
      %swap3A_142 = tpu.vector_load %arg8[%swap3A_140, %swap3A_141] {strides = array<i32>} : memref<1x128xi32, #tpu.memory_space<vmem>>, vector<1x16xi32>,
      %swap3A_143 = vector.shape_cast %swap3A_142 : vector<1x16xi32> to vector<16xi32>
      %swap3A_144 = vector.shape_cast %shift_right_logical3A_138 : vector<16xi32> to vector<1x16xi32>
      tpu.vector_store %arg8[%swap3A_140, %swap3A_141], %swap3A_144 {strides = array<i32>} : memref<1x128xi32, #tpu.memory_space<vmem>>, vector<1x16xi32>,
      %run_scoped3A = arith.constant 0 : i32
      "tpu.region"() ({
        %run_scoped3A_255 = tpu.sem_alloc : memref<!tpu.dma_semaphore, #tpu.memory_space<semaphore_mem>>
        %dma_start3A_256 = arith.constant 0 : i32
        %dma_start3A_257 = tpu.memref_slice %arg8[%run_scoped3A, %dma_start3A_256] : memref<1x128xi32, #tpu.memory_space<vmem>> -> memref<1x128xi32, #tpu.memory_space<vmem>>
        %dma_start3A_258 = tpu.memref_squeeze %dma_start3A_257 : memref<1x128xi32, #tpu.memory_space<vmem>> -> memref<128xi32, #tpu.memory_space<vmem>>
        %dma_start3A_259 = arith.constant 0 : i32
        %dma_start3A_260 = arith.constant 0 : i32
        %dma_start3A_261 = tpu.memref_slice %arg11[%dma_start3A_259, %dma_start3A_260] : memref<10016x128xf32, #tpu.memory_space<vmem_shared>> -> memref<10016x128xf32, #tpu.memory_space<vmem_shared>>
        tpu.enqueue_indirect_dma source(%arg9 : memref<128x128xf32, #tpu.memory_space<vmem>>) target(%dma_start3A_261 : memref<10016x128xf32, #tpu.memory_space<vmem_shared>>) offsets(%dma_start3A_258 : memref<128xi32, #tpu.memory_space<vmem>>) semaphore(%run_scoped3A_255 : memref<!tpu.dma_semaphore, #tpu.memory_space<semaphore_mem>>) {add = true}
        %dma_wait3A_262 = arith.constant 0 : i32
        %dma_wait3A_263 = tpu.memref_slice %arg8[%run_scoped3A, %dma_wait3A_262] : memref<1x128xi32, #tpu.memory_space<vmem>> -> memref<1x128xi32, #tpu.memory_space<vmem>>
        %dma_wait3A_264 = tpu.memref_squeeze %dma_wait3A_263 : memref<1x128xi32, #tpu.memory_space<vmem>> -> memref<128xi32, #tpu.memory_space<vmem>>
        %dma_wait3A_265 = arith.constant 0 : i32
        %dma_wait3A_266 = arith.constant 0 : i32
        %dma_wait3A_267 = tpu.memref_slice %arg11[%dma_wait3A_265, %dma_wait3A_266] : memref<10016x128xf32, #tpu.memory_space<vmem_shared>> -> memref<10016x128xf32, #tpu.memory_space<vmem_shared>>
        tpu.wait_indirect_dma semaphore(%run_scoped3A_255 : memref<!tpu.dma_semaphore, #tpu.memory_space<semaphore_mem>>) src(%arg9 : memref<128x128xf32, #tpu.memory_space<vmem>>) dst(%dma_wait3A_267 : memref<10016x128xf32, #tpu.memory_space<vmem_shared>>)
        tpu.yield
      }) : () -> ()
      %add3A_145 = arith.constant 2 : i32
      %add3A_146 = arith.addi %mul3A_55, %add3A_145 : i32
      %lt3A = arith.constant 80 : i32
      %lt3A_147 = arith.cmpi slt, %add3A_146, %lt3A : i32
      %convert_element_type3A_148 = arith.extui %lt3A_147 : i1 to i32
      %cond3A_149 = arith.constant 0 : i32
      %cond3A_150 = arith.cmpi ne, %convert_element_type3A_148, %cond3A_149 : i32
      scf.if %cond3A_150 {
        %add3A_255 = arith.constant 2 : i32
        %add3A_256 = arith.addi %mul3A_55, %add3A_255 : i32
        %dma_start3A_257 = arith.constant 0 : i32
        %dma_start3A_258 = tpu.memref_slice %arg6[%add3A_256, %dma_start3A_257] : memref<80x128xi32, #tpu.memory_space<vmem>> -> memref<1x128xi32, #tpu.memory_space<vmem>>
        %dma_start3A_259 = tpu.memref_squeeze %dma_start3A_258 : memref<1x128xi32, #tpu.memory_space<vmem>> -> memref<128xi32, #tpu.memory_space<vmem>>
        %dma_start3A_260 = arith.constant 0 : i32
        %dma_start3A_261 = arith.constant 0 : i32
        %dma_start3A_262 = tpu.memref_slice %arg2[%dma_start3A_260, %dma_start3A_261] : memref<10000x128xf32, #tpu.memory_space<hbm>> -> memref<10000x128xf32, #tpu.memory_space<hbm>>
        tpu.enqueue_indirect_dma source(%dma_start3A_262 : memref<10000x128xf32, #tpu.memory_space<hbm>>) target(%arg9 : memref<128x128xf32, #tpu.memory_space<vmem>>) offsets(%dma_start3A_259 : memref<128xi32, #tpu.memory_space<vmem>>) semaphore(%arg12 : memref<!tpu.dma_semaphore, #tpu.memory_space<semaphore_mem>>)
      } else {
      }
      %add3A_151 = arith.constant 1 : i32
      %add3A_152 = arith.addi %mul3A_55, %add3A_151 : i32
      %dma_wait3A_153 = arith.constant 0 : i32
      %dma_wait3A_154 = tpu.memref_slice %arg6[%add3A_152, %dma_wait3A_153] : memref<80x128xi32, #tpu.memory_space<vmem>> -> memref<1x128xi32, #tpu.memory_space<vmem>>
      %dma_wait3A_155 = tpu.memref_squeeze %dma_wait3A_154 : memref<1x128xi32, #tpu.memory_space<vmem>> -> memref<128xi32, #tpu.memory_space<vmem>>
      %dma_wait3A_156 = arith.constant 0 : i32
      %dma_wait3A_157 = arith.constant 0 : i32
      %dma_wait3A_158 = tpu.memref_slice %arg2[%dma_wait3A_156, %dma_wait3A_157] : memref<10000x128xf32, #tpu.memory_space<hbm>> -> memref<10000x128xf32, #tpu.memory_space<hbm>>
      tpu.wait_indirect_dma semaphore(%arg13 : memref<!tpu.dma_semaphore, #tpu.memory_space<semaphore_mem>>) src(%dma_wait3A_158 : memref<10000x128xf32, #tpu.memory_space<hbm>>) dst(%arg10 : memref<128x128xf32, #tpu.memory_space<vmem>>)
      %get3A_159 = arith.index_cast %scan3A_53 : i32 to index
      %get3A_160 = arith.constant 64 : index
      %get3A_161 = tpu.vector_load %arg7[%get3A_159, %get3A_160] {strides = array<i32>} : memref<40x128xi32, #tpu.memory_space<vmem>>, vector<1x16xi32>,
      %get3A_162 = vector.shape_cast %get3A_161 : vector<1x16xi32> to vector<16xi32>
      %and3A_163 = arith.constant 65535 : i32
      %and3A_164 = vector.broadcast %and3A_163 : i32 to vector<16xi32>
      %and3A_165 = arith.andi %get3A_162, %and3A_164 : vector<16xi32>
      %swap3A_166 = arith.constant 0 : i32
      %swap3A_167 = arith.index_cast %swap3A_166 : i32 to index
      %swap3A_168 = arith.constant 0 : index
      %swap3A_169 = tpu.vector_load %arg8[%swap3A_167, %swap3A_168] {strides = array<i32>} : memref<1x128xi32, #tpu.memory_space<vmem>>, vector<1x16xi32>,
      %swap3A_170 = vector.shape_cast %swap3A_169 : vector<1x16xi32> to vector<16xi32>
      %swap3A_171 = vector.shape_cast %and3A_165 : vector<16xi32> to vector<1x16xi32>
      tpu.vector_store %arg8[%swap3A_167, %swap3A_168], %swap3A_171 {strides = array<i32>} : memref<1x128xi32, #tpu.memory_space<vmem>>, vector<1x16xi32>,
      %shift_right_logical3A_172 = arith.constant 16 : i32
      %shift_right_logical3A_173 = vector.broadcast %shift_right_logical3A_172 : i32 to vector<16xi32>
      %shift_right_logical3A_174 = arith.shrui %get3A_162, %shift_right_logical3A_173 : vector<16xi32>
      %swap3A_175 = arith.constant 0 : i32
      %swap3A_176 = arith.index_cast %swap3A_175 : i32 to index
      %swap3A_177 = arith.constant 16 : index
      %swap3A_178 = tpu.vector_load %arg8[%swap3A_176, %swap3A_177] {strides = array<i32>} : memref<1x128xi32, #tpu.memory_space<vmem>>, vector<1x16xi32>,
      %swap3A_179 = vector.shape_cast %swap3A_178 : vector<1x16xi32> to vector<16xi32>
      %swap3A_180 = vector.shape_cast %shift_right_logical3A_174 : vector<16xi32> to vector<1x16xi32>
      tpu.vector_store %arg8[%swap3A_176, %swap3A_177], %swap3A_180 {strides = array<i32>} : memref<1x128xi32, #tpu.memory_space<vmem>>, vector<1x16xi32>,
      %get3A_181 = arith.index_cast %scan3A_53 : i32 to index
      %get3A_182 = arith.constant 80 : index
      %get3A_183 = tpu.vector_load %arg7[%get3A_181, %get3A_182] {strides = array<i32>} : memref<40x128xi32, #tpu.memory_space<vmem>>, vector<1x16xi32>,
      %get3A_184 = vector.shape_cast %get3A_183 : vector<1x16xi32> to vector<16xi32>
      %and3A_185 = arith.constant 65535 : i32
      %and3A_186 = vector.broadcast %and3A_185 : i32 to vector<16xi32>
      %and3A_187 = arith.andi %get3A_184, %and3A_186 : vector<16xi32>
      %swap3A_188 = arith.constant 0 : i32
      %swap3A_189 = arith.index_cast %swap3A_188 : i32 to index
      %swap3A_190 = arith.constant 32 : index
      %swap3A_191 = tpu.vector_load %arg8[%swap3A_189, %swap3A_190] {strides = array<i32>} : memref<1x128xi32, #tpu.memory_space<vmem>>, vector<1x16xi32>,
      %swap3A_192 = vector.shape_cast %swap3A_191 : vector<1x16xi32> to vector<16xi32>
      %swap3A_193 = vector.shape_cast %and3A_187 : vector<16xi32> to vector<1x16xi32>
      tpu.vector_store %arg8[%swap3A_189, %swap3A_190], %swap3A_193 {strides = array<i32>} : memref<1x128xi32, #tpu.memory_space<vmem>>, vector<1x16xi32>,
      %shift_right_logical3A_194 = arith.constant 16 : i32
      %shift_right_logical3A_195 = vector.broadcast %shift_right_logical3A_194 : i32 to vector<16xi32>
      %shift_right_logical3A_196 = arith.shrui %get3A_184, %shift_right_logical3A_195 : vector<16xi32>
      %swap3A_197 = arith.constant 0 : i32
      %swap3A_198 = arith.index_cast %swap3A_197 : i32 to index
      %swap3A_199 = arith.constant 48 : index
      %swap3A_200 = tpu.vector_load %arg8[%swap3A_198, %swap3A_199] {strides = array<i32>} : memref<1x128xi32, #tpu.memory_space<vmem>>, vector<1x16xi32>,
      %swap3A_201 = vector.shape_cast %swap3A_200 : vector<1x16xi32> to vector<16xi32>
      %swap3A_202 = vector.shape_cast %shift_right_logical3A_196 : vector<16xi32> to vector<1x16xi32>
      tpu.vector_store %arg8[%swap3A_198, %swap3A_199], %swap3A_202 {strides = array<i32>} : memref<1x128xi32, #tpu.memory_space<vmem>>, vector<1x16xi32>,
      %get3A_203 = arith.index_cast %scan3A_53 : i32 to index
      %get3A_204 = arith.constant 96 : index
      %get3A_205 = tpu.vector_load %arg7[%get3A_203, %get3A_204] {strides = array<i32>} : memref<40x128xi32, #tpu.memory_space<vmem>>, vector<1x16xi32>,
      %get3A_206 = vector.shape_cast %get3A_205 : vector<1x16xi32> to vector<16xi32>
      %and3A_207 = arith.constant 65535 : i32
      %and3A_208 = vector.broadcast %and3A_207 : i32 to vector<16xi32>
      %and3A_209 = arith.andi %get3A_206, %and3A_208 : vector<16xi32>
      %swap3A_210 = arith.constant 0 : i32
      %swap3A_211 = arith.index_cast %swap3A_210 : i32 to index
      %swap3A_212 = arith.constant 64 : index
      %swap3A_213 = tpu.vector_load %arg8[%swap3A_211, %swap3A_212] {strides = array<i32>} : memref<1x128xi32, #tpu.memory_space<vmem>>, vector<1x16xi32>,
      %swap3A_214 = vector.shape_cast %swap3A_213 : vector<1x16xi32> to vector<16xi32>
      %swap3A_215 = vector.shape_cast %and3A_209 : vector<16xi32> to vector<1x16xi32>
      tpu.vector_store %arg8[%swap3A_211, %swap3A_212], %swap3A_215 {strides = array<i32>} : memref<1x128xi32, #tpu.memory_space<vmem>>, vector<1x16xi32>,
      %shift_right_logical3A_216 = arith.constant 16 : i32
      %shift_right_logical3A_217 = vector.broadcast %shift_right_logical3A_216 : i32 to vector<16xi32>
      %shift_right_logical3A_218 = arith.shrui %get3A_206, %shift_right_logical3A_217 : vector<16xi32>
      %swap3A_219 = arith.constant 0 : i32
      %swap3A_220 = arith.index_cast %swap3A_219 : i32 to index
      %swap3A_221 = arith.constant 80 : index
      %swap3A_222 = tpu.vector_load %arg8[%swap3A_220, %swap3A_221] {strides = array<i32>} : memref<1x128xi32, #tpu.memory_space<vmem>>, vector<1x16xi32>,
      %swap3A_223 = vector.shape_cast %swap3A_222 : vector<1x16xi32> to vector<16xi32>
      %swap3A_224 = vector.shape_cast %shift_right_logical3A_218 : vector<16xi32> to vector<1x16xi32>
      tpu.vector_store %arg8[%swap3A_220, %swap3A_221], %swap3A_224 {strides = array<i32>} : memref<1x128xi32, #tpu.memory_space<vmem>>, vector<1x16xi32>,
      %get3A_225 = arith.index_cast %scan3A_53 : i32 to index
      %get3A_226 = arith.constant 112 : index
      %get3A_227 = tpu.vector_load %arg7[%get3A_225, %get3A_226] {strides = array<i32>} : memref<40x128xi32, #tpu.memory_space<vmem>>, vector<1x16xi32>,
      %get3A_228 = vector.shape_cast %get3A_227 : vector<1x16xi32> to vector<16xi32>
      %and3A_229 = arith.constant 65535 : i32
      %and3A_230 = vector.broadcast %and3A_229 : i32 to vector<16xi32>
      %and3A_231 = arith.andi %get3A_228, %and3A_230 : vector<16xi32>
      %swap3A_232 = arith.constant 0 : i32
      %swap3A_233 = arith.index_cast %swap3A_232 : i32 to index
      %swap3A_234 = arith.constant 96 : index
      %swap3A_235 = tpu.vector_load %arg8[%swap3A_233, %swap3A_234] {strides = array<i32>} : memref<1x128xi32, #tpu.memory_space<vmem>>, vector<1x16xi32>,
      %swap3A_236 = vector.shape_cast %swap3A_235 : vector<1x16xi32> to vector<16xi32>
      %swap3A_237 = vector.shape_cast %and3A_231 : vector<16xi32> to vector<1x16xi32>
      tpu.vector_store %arg8[%swap3A_233, %swap3A_234], %swap3A_237 {strides = array<i32>} : memref<1x128xi32, #tpu.memory_space<vmem>>, vector<1x16xi32>,
      %shift_right_logical3A_238 = arith.constant 16 : i32
      %shift_right_logical3A_239 = vector.broadcast %shift_right_logical3A_238 : i32 to vector<16xi32>
      %shift_right_logical3A_240 = arith.shrui %get3A_228, %shift_right_logical3A_239 : vector<16xi32>
      %swap3A_241 = arith.constant 0 : i32
      %swap3A_242 = arith.index_cast %swap3A_241 : i32 to index
      %swap3A_243 = arith.constant 112 : index
      %swap3A_244 = tpu.vector_load %arg8[%swap3A_242, %swap3A_243] {strides = array<i32>} : memref<1x128xi32, #tpu.memory_space<vmem>>, vector<1x16xi32>,
      %swap3A_245 = vector.shape_cast %swap3A_244 : vector<1x16xi32> to vector<16xi32>
      %swap3A_246 = vector.shape_cast %shift_right_logical3A_240 : vector<16xi32> to vector<1x16xi32>
      tpu.vector_store %arg8[%swap3A_242, %swap3A_243], %swap3A_246 {strides = array<i32>} : memref<1x128xi32, #tpu.memory_space<vmem>>, vector<1x16xi32>,
      %run_scoped3A_247 = arith.constant 0 : i32
      "tpu.region"() ({
        %run_scoped3A_255 = tpu.sem_alloc : memref<!tpu.dma_semaphore, #tpu.memory_space<semaphore_mem>>
        %dma_start3A_256 = arith.constant 0 : i32
        %dma_start3A_257 = tpu.memref_slice %arg8[%run_scoped3A_247, %dma_start3A_256] : memref<1x128xi32, #tpu.memory_space<vmem>> -> memref<1x128xi32, #tpu.memory_space<vmem>>
        %dma_start3A_258 = tpu.memref_squeeze %dma_start3A_257 : memref<1x128xi32, #tpu.memory_space<vmem>> -> memref<128xi32, #tpu.memory_space<vmem>>
        %dma_start3A_259 = arith.constant 0 : i32
        %dma_start3A_260 = arith.constant 0 : i32
        %dma_start3A_261 = tpu.memref_slice %arg11[%dma_start3A_259, %dma_start3A_260] : memref<10016x128xf32, #tpu.memory_space<vmem_shared>> -> memref<10016x128xf32, #tpu.memory_space<vmem_shared>>
        tpu.enqueue_indirect_dma source(%arg10 : memref<128x128xf32, #tpu.memory_space<vmem>>) target(%dma_start3A_261 : memref<10016x128xf32, #tpu.memory_space<vmem_shared>>) offsets(%dma_start3A_258 : memref<128xi32, #tpu.memory_space<vmem>>) semaphore(%run_scoped3A_255 : memref<!tpu.dma_semaphore, #tpu.memory_space<semaphore_mem>>) {add = true}
        %dma_wait3A_262 = arith.constant 0 : i32
        %dma_wait3A_263 = tpu.memref_slice %arg8[%run_scoped3A_247, %dma_wait3A_262] : memref<1x128xi32, #tpu.memory_space<vmem>> -> memref<1x128xi32, #tpu.memory_space<vmem>>
        %dma_wait3A_264 = tpu.memref_squeeze %dma_wait3A_263 : memref<1x128xi32, #tpu.memory_space<vmem>> -> memref<128xi32, #tpu.memory_space<vmem>>
        %dma_wait3A_265 = arith.constant 0 : i32
        %dma_wait3A_266 = arith.constant 0 : i32
        %dma_wait3A_267 = tpu.memref_slice %arg11[%dma_wait3A_265, %dma_wait3A_266] : memref<10016x128xf32, #tpu.memory_space<vmem_shared>> -> memref<10016x128xf32, #tpu.memory_space<vmem_shared>>
        tpu.wait_indirect_dma semaphore(%run_scoped3A_255 : memref<!tpu.dma_semaphore, #tpu.memory_space<semaphore_mem>>) src(%arg10 : memref<128x128xf32, #tpu.memory_space<vmem>>) dst(%dma_wait3A_267 : memref<10016x128xf32, #tpu.memory_space<vmem_shared>>)
        tpu.yield
      }) : () -> ()
      %add3A_248 = arith.constant 3 : i32
      %add3A_249 = arith.addi %mul3A_55, %add3A_248 : i32
      %lt3A_250 = arith.constant 80 : i32
      %lt3A_251 = arith.cmpi slt, %add3A_249, %lt3A_250 : i32
      %convert_element_type3A_252 = arith.extui %lt3A_251 : i1 to i32
      %cond3A_253 = arith.constant 0 : i32
      %cond3A_254 = arith.cmpi ne, %convert_element_type3A_252, %cond3A_253 : i32
      scf.if %cond3A_254 {
        %add3A_255 = arith.constant 3 : i32
        %add3A_256 = arith.addi %mul3A_55, %add3A_255 : i32
        %dma_start3A_257 = arith.constant 0 : i32
        %dma_start3A_258 = tpu.memref_slice %arg6[%add3A_256, %dma_start3A_257] : memref<80x128xi32, #tpu.memory_space<vmem>> -> memref<1x128xi32, #tpu.memory_space<vmem>>
        %dma_start3A_259 = tpu.memref_squeeze %dma_start3A_258 : memref<1x128xi32, #tpu.memory_space<vmem>> -> memref<128xi32, #tpu.memory_space<vmem>>
        %dma_start3A_260 = arith.constant 0 : i32
        %dma_start3A_261 = arith.constant 0 : i32
        %dma_start3A_262 = tpu.memref_slice %arg2[%dma_start3A_260, %dma_start3A_261] : memref<10000x128xf32, #tpu.memory_space<hbm>> -> memref<10000x128xf32, #tpu.memory_space<hbm>>
        tpu.enqueue_indirect_dma source(%dma_start3A_262 : memref<10000x128xf32, #tpu.memory_space<hbm>>) target(%arg10 : memref<128x128xf32, #tpu.memory_space<vmem>>) offsets(%dma_start3A_259 : memref<128xi32, #tpu.memory_space<vmem>>) semaphore(%arg13 : memref<!tpu.dma_semaphore, #tpu.memory_space<semaphore_mem>>)
      } else {
      }
    }
    %scan3A_45 = arith.constant 40 : i32
    %barrier3A_46 = arith.constant 0 : index
    tpu.barrier barrier_id(%barrier3A_46)
    %mul3A_47 = arith.constant 624 : i32
    %mul3A_48 = arith.muli %arg1, %mul3A_47 : i32
    %mul3A_49 = arith.constant 624 : i32
    %mul3A_50 = arith.muli %arg1, %mul3A_49 : i32
    "tpu.region"() ({
      %run_scoped3A = tpu.sem_alloc : memref<!tpu.dma_semaphore, #tpu.memory_space<semaphore_mem>>
      %dma_start3A_53 = arith.constant 0 : i32
      %dma_start3A_54 = tpu.memref_slice %arg5[%arg0, %mul3A_50, %dma_start3A_53] : memref<2x10000x128xf32, #tpu.memory_space<hbm>> -> memref<1x624x128xf32, #tpu.memory_space<hbm>>
      %dma_start3A_55 = tpu.memref_squeeze %dma_start3A_54 : memref<1x624x128xf32, #tpu.memory_space<hbm>> -> memref<624x128xf32, #tpu.memory_space<hbm>>
      %dma_start3A_56 = arith.constant 0 : i32
      %dma_start3A_57 = tpu.memref_slice %arg11[%mul3A_48, %dma_start3A_56] : memref<10016x128xf32, #tpu.memory_space<vmem_shared>> -> memref<624x128xf32, #tpu.memory_space<vmem_shared>>
      tpu.enqueue_dma source(%dma_start3A_57 : memref<624x128xf32, #tpu.memory_space<vmem_shared>>) target(%dma_start3A_55 : memref<624x128xf32, #tpu.memory_space<hbm>>) target_semaphore(%run_scoped3A : memref<!tpu.dma_semaphore, #tpu.memory_space<semaphore_mem>>)
      %dma_wait3A = arith.constant 0 : i32
      %dma_wait3A_58 = tpu.memref_slice %arg5[%arg0, %mul3A_50, %dma_wait3A] : memref<2x10000x128xf32, #tpu.memory_space<hbm>> -> memref<1x624x128xf32, #tpu.memory_space<hbm>>
      %dma_wait3A_59 = tpu.memref_squeeze %dma_wait3A_58 : memref<1x624x128xf32, #tpu.memory_space<hbm>> -> memref<624x128xf32, #tpu.memory_space<hbm>>
      %dma_wait3A_60 = arith.constant 0 : i32
      %dma_wait3A_61 = tpu.memref_slice %arg11[%mul3A_48, %dma_wait3A_60] : memref<10016x128xf32, #tpu.memory_space<vmem_shared>> -> memref<624x128xf32, #tpu.memory_space<vmem_shared>>
      tpu.wait_dma2 semaphore(%run_scoped3A : memref<!tpu.dma_semaphore, #tpu.memory_space<semaphore_mem>>) src(%dma_wait3A_61 : memref<624x128xf32, #tpu.memory_space<vmem_shared>>) dst(%dma_wait3A_59 : memref<624x128xf32, #tpu.memory_space<hbm>>)
      tpu.yield
    }) : () -> ()
    %eq3A = arith.constant 0 : i32
    %eq3A_51 = arith.cmpi eq, %arg1, %eq3A : i32
    %convert_element_type3A = arith.extui %eq3A_51 : i1 to i32
    %cond3A = arith.constant 0 : i32
    %cond3A_52 = arith.cmpi ne, %convert_element_type3A, %cond3A : i32
    scf.if %cond3A_52 {
      "tpu.region"() ({
        %run_scoped3A = tpu.sem_alloc : memref<!tpu.dma_semaphore, #tpu.memory_space<semaphore_mem>>
        %dma_start3A_53 = arith.constant 9984 : i32
        %dma_start3A_54 = arith.constant 0 : i32
        %dma_start3A_55 = tpu.memref_slice %arg5[%arg0, %dma_start3A_53, %dma_start3A_54] : memref<2x10000x128xf32, #tpu.memory_space<hbm>> -> memref<1x16x128xf32, #tpu.memory_space<hbm>>
        %dma_start3A_56 = tpu.memref_squeeze %dma_start3A_55 : memref<1x16x128xf32, #tpu.memory_space<hbm>> -> memref<16x128xf32, #tpu.memory_space<hbm>>
        %dma_start3A_57 = arith.constant 9984 : i32
        %dma_start3A_58 = arith.constant 0 : i32
        %dma_start3A_59 = tpu.memref_slice %arg11[%dma_start3A_57, %dma_start3A_58] : memref<10016x128xf32, #tpu.memory_space<vmem_shared>> -> memref<16x128xf32, #tpu.memory_space<vmem_shared>>
        tpu.enqueue_dma source(%dma_start3A_59 : memref<16x128xf32, #tpu.memory_space<vmem_shared>>) target(%dma_start3A_56 : memref<16x128xf32, #tpu.memory_space<hbm>>) target_semaphore(%run_scoped3A : memref<!tpu.dma_semaphore, #tpu.memory_space<semaphore_mem>>)
        %dma_wait3A = arith.constant 9984 : i32
        %dma_wait3A_60 = arith.constant 0 : i32
        %dma_wait3A_61 = tpu.memref_slice %arg5[%arg0, %dma_wait3A, %dma_wait3A_60] : memref<2x10000x128xf32, #tpu.memory_space<hbm>> -> memref<1x16x128xf32, #tpu.memory_space<hbm>>
        %dma_wait3A_62 = tpu.memref_squeeze %dma_wait3A_61 : memref<1x16x128xf32, #tpu.memory_space<hbm>> -> memref<16x128xf32, #tpu.memory_space<hbm>>
        %dma_wait3A_63 = arith.constant 9984 : i32
        %dma_wait3A_64 = arith.constant 0 : i32
        %dma_wait3A_65 = tpu.memref_slice %arg11[%dma_wait3A_63, %dma_wait3A_64] : memref<10016x128xf32, #tpu.memory_space<vmem_shared>> -> memref<16x128xf32, #tpu.memory_space<vmem_shared>>
        tpu.wait_dma2 semaphore(%run_scoped3A : memref<!tpu.dma_semaphore, #tpu.memory_space<semaphore_mem>>) src(%dma_wait3A_65 : memref<16x128xf32, #tpu.memory_space<vmem_shared>>) dst(%dma_wait3A_62 : memref<16x128xf32, #tpu.memory_space<hbm>>)
        tpu.yield
      }) : () -> ()
    } else {
    }
    return
  }
}

#map = affine_map<(d0, d1) -> (0, 0)>
#map1 = affine_map<(d0, d1) -> (0, 0, 0)>
module attributes {stable_mosaic.version = 14 : i64} {
  func.func @agg(%arg0: i32, %arg1: i32, %arg2: memref<10000x128xf32, #tpu.memory_space<hbm>>, %arg3: memref<32x80x128xi32, #tpu.memory_space<hbm>>, %arg4: memref<32x40x128xi32, #tpu.memory_space<hbm>>, %arg5: memref<2x10000x128xf32, #tpu.memory_space<hbm>>, %arg6: memref<80x128xi32, #tpu.memory_space<vmem>>, %arg7: memref<40x128xi32, #tpu.memory_space<vmem>>, %arg8: memref<1x128xi32, #tpu.memory_space<vmem>>, %arg9: memref<128x128xf32, #tpu.memory_space<vmem>>, %arg10: memref<128x128xf32, #tpu.memory_space<vmem>>, %arg11: memref<10016x128xf32, #tpu.memory_space<vmem_shared>>, %arg12: memref<!tpu.dma_semaphore, #tpu.memory_space<semaphore_mem>>, %arg13: memref<!tpu.dma_semaphore, #tpu.memory_space<semaphore_mem>>) attributes {dimension_semantics = [#tpu.dimension_semantics<core_parallel>, #tpu.dimension_semantics<subcore_parallel>], iteration_bounds = array<i64: 2, 16>, scalar_prefetch = 0 : i64, scratch_operands = 8 : i64, tpu.core_type = #tpu.core_type<sc_vector_subcore>, window_params = [{transform_indices = #map}, {transform_indices = #map1}, {transform_indices = #map1}, {transform_indices = #map1}]} {
    %mul3A = arith.constant 16 : i32
    %mul3A_0 = arith.muli %arg0, %mul3A : i32
    %add3A = arith.addi %mul3A_0, %arg1 : i32
    "tpu.region"() ({
      %run_scoped3A = tpu.sem_alloc : memref<!tpu.dma_semaphore, #tpu.memory_space<semaphore_mem>>
      %dma_start3A_53 = arith.constant 0 : i32
      %dma_start3A_54 = arith.constant 0 : i32
      %dma_start3A_55 = tpu.memref_slice %arg3[%add3A, %dma_start3A_53, %dma_start3A_54] : memref<32x80x128xi32, #tpu.memory_space<hbm>> -> memref<1x80x128xi32, #tpu.memory_space<hbm>>
      %dma_start3A_56 = tpu.memref_squeeze %dma_start3A_55 : memref<1x80x128xi32, #tpu.memory_space<hbm>> -> memref<80x128xi32, #tpu.memory_space<hbm>>
      %dma_start3A_57 = arith.constant 0 : i32
      %dma_start3A_58 = arith.constant 0 : i32
      %dma_start3A_59 = tpu.memref_slice %arg3[%add3A, %dma_start3A_57, %dma_start3A_58] : memref<32x80x128xi32, #tpu.memory_space<hbm>> -> memref<1x80x128xi32, #tpu.memory_space<hbm>>
      %dma_start3A_60 = tpu.memref_squeeze %dma_start3A_59 : memref<1x80x128xi32, #tpu.memory_space<hbm>> -> memref<80x128xi32, #tpu.memory_space<hbm>>
      tpu.enqueue_dma source(%dma_start3A_60 : memref<80x128xi32, #tpu.memory_space<hbm>>) target(%arg6 : memref<80x128xi32, #tpu.memory_space<vmem>>) target_semaphore(%run_scoped3A : memref<!tpu.dma_semaphore, #tpu.memory_space<semaphore_mem>>)
      %dma_wait3A = arith.constant 0 : i32
      %dma_wait3A_61 = arith.constant 0 : i32
      %dma_wait3A_62 = tpu.memref_slice %arg3[%add3A, %dma_wait3A, %dma_wait3A_61] : memref<32x80x128xi32, #tpu.memory_space<hbm>> -> memref<1x80x128xi32, #tpu.memory_space<hbm>>
      %dma_wait3A_63 = tpu.memref_squeeze %dma_wait3A_62 : memref<1x80x128xi32, #tpu.memory_space<hbm>> -> memref<80x128xi32, #tpu.memory_space<hbm>>
      %dma_wait3A_64 = arith.constant 0 : i32
      %dma_wait3A_65 = arith.constant 0 : i32
      %dma_wait3A_66 = tpu.memref_slice %arg3[%add3A, %dma_wait3A_64, %dma_wait3A_65] : memref<32x80x128xi32, #tpu.memory_space<hbm>> -> memref<1x80x128xi32, #tpu.memory_space<hbm>>
      %dma_wait3A_67 = tpu.memref_squeeze %dma_wait3A_66 : memref<1x80x128xi32, #tpu.memory_space<hbm>> -> memref<80x128xi32, #tpu.memory_space<hbm>>
      tpu.wait_dma2 semaphore(%run_scoped3A : memref<!tpu.dma_semaphore, #tpu.memory_space<semaphore_mem>>) src(%dma_wait3A_67 : memref<80x128xi32, #tpu.memory_space<hbm>>) dst(%arg6 : memref<80x128xi32, #tpu.memory_space<vmem>>)
      tpu.yield
    }) : () -> ()
    "tpu.region"() ({
      %run_scoped3A = tpu.sem_alloc : memref<!tpu.dma_semaphore, #tpu.memory_space<semaphore_mem>>
      %dma_start3A_53 = arith.constant 0 : i32
      %dma_start3A_54 = arith.constant 0 : i32
      %dma_start3A_55 = tpu.memref_slice %arg4[%add3A, %dma_start3A_53, %dma_start3A_54] : memref<32x40x128xi32, #tpu.memory_space<hbm>> -> memref<1x40x128xi32, #tpu.memory_space<hbm>>
      %dma_start3A_56 = tpu.memref_squeeze %dma_start3A_55 : memref<1x40x128xi32, #tpu.memory_space<hbm>> -> memref<40x128xi32, #tpu.memory_space<hbm>>
      %dma_start3A_57 = arith.constant 0 : i32
      %dma_start3A_58 = arith.constant 0 : i32
      %dma_start3A_59 = tpu.memref_slice %arg4[%add3A, %dma_start3A_57, %dma_start3A_58] : memref<32x40x128xi32, #tpu.memory_space<hbm>> -> memref<1x40x128xi32, #tpu.memory_space<hbm>>
      %dma_start3A_60 = tpu.memref_squeeze %dma_start3A_59 : memref<1x40x128xi32, #tpu.memory_space<hbm>> -> memref<40x128xi32, #tpu.memory_space<hbm>>
      tpu.enqueue_dma source(%dma_start3A_60 : memref<40x128xi32, #tpu.memory_space<hbm>>) target(%arg7 : memref<40x128xi32, #tpu.memory_space<vmem>>) target_semaphore(%run_scoped3A : memref<!tpu.dma_semaphore, #tpu.memory_space<semaphore_mem>>)
      %dma_wait3A = arith.constant 0 : i32
      %dma_wait3A_61 = arith.constant 0 : i32
      %dma_wait3A_62 = tpu.memref_slice %arg4[%add3A, %dma_wait3A, %dma_wait3A_61] : memref<32x40x128xi32, #tpu.memory_space<hbm>> -> memref<1x40x128xi32, #tpu.memory_space<hbm>>
      %dma_wait3A_63 = tpu.memref_squeeze %dma_wait3A_62 : memref<1x40x128xi32, #tpu.memory_space<hbm>> -> memref<40x128xi32, #tpu.memory_space<hbm>>
      %dma_wait3A_64 = arith.constant 0 : i32
      %dma_wait3A_65 = arith.constant 0 : i32
      %dma_wait3A_66 = tpu.memref_slice %arg4[%add3A, %dma_wait3A_64, %dma_wait3A_65] : memref<32x40x128xi32, #tpu.memory_space<hbm>> -> memref<1x40x128xi32, #tpu.memory_space<hbm>>
      %dma_wait3A_67 = tpu.memref_squeeze %dma_wait3A_66 : memref<1x40x128xi32, #tpu.memory_space<hbm>> -> memref<40x128xi32, #tpu.memory_space<hbm>>
      tpu.wait_dma2 semaphore(%run_scoped3A : memref<!tpu.dma_semaphore, #tpu.memory_space<semaphore_mem>>) src(%dma_wait3A_67 : memref<40x128xi32, #tpu.memory_space<hbm>>) dst(%arg7 : memref<40x128xi32, #tpu.memory_space<vmem>>)
      tpu.yield
    }) : () -> ()
    %broadcast_in_dim3A = arith.constant 0.000000e+00 : f32
    %broadcast_in_dim3A_1 = vector.broadcast %broadcast_in_dim3A : f32 to vector<16xf32>
    %scan3A = arith.constant 0 : i32
    %scan3A_2 = arith.constant 0 : i32
    %scan3A_3 = arith.constant 128 : i32
    %scan3A_4 = arith.addi %scan3A_2, %scan3A_3 : i32
    %scan3A_5 = arith.constant 1 : i32
    scf.for %scan3A_53 = %scan3A_2 to %scan3A_4 step %scan3A_5  : i32 {
      %swap3A = arith.index_cast %scan3A_53 : i32 to index
      %swap3A_54 = arith.constant 0 : index
      %swap3A_55 = tpu.vector_load %arg9[%swap3A, %swap3A_54] {strides = array<i32>} : memref<128x128xf32, #tpu.memory_space<vmem>>, vector<1x16xf32>,
      %swap3A_56 = vector.shape_cast %swap3A_55 : vector<1x16xf32> to vector<16xf32>
      %swap3A_57 = vector.shape_cast %broadcast_in_dim3A_1 : vector<16xf32> to vector<1x16xf32>
      tpu.vector_store %arg9[%swap3A, %swap3A_54], %swap3A_57 {strides = array<i32>} : memref<128x128xf32, #tpu.memory_space<vmem>>, vector<1x16xf32>,
      %swap3A_58 = arith.index_cast %scan3A_53 : i32 to index
      %swap3A_59 = arith.constant 16 : index
      %swap3A_60 = tpu.vector_load %arg9[%swap3A_58, %swap3A_59] {strides = array<i32>} : memref<128x128xf32, #tpu.memory_space<vmem>>, vector<1x16xf32>,
      %swap3A_61 = vector.shape_cast %swap3A_60 : vector<1x16xf32> to vector<16xf32>
      %swap3A_62 = vector.shape_cast %broadcast_in_dim3A_1 : vector<16xf32> to vector<1x16xf32>
      tpu.vector_store %arg9[%swap3A_58, %swap3A_59], %swap3A_62 {strides = array<i32>} : memref<128x128xf32, #tpu.memory_space<vmem>>, vector<1x16xf32>,
      %swap3A_63 = arith.index_cast %scan3A_53 : i32 to index
      %swap3A_64 = arith.constant 32 : index
      %swap3A_65 = tpu.vector_load %arg9[%swap3A_63, %swap3A_64] {strides = array<i32>} : memref<128x128xf32, #tpu.memory_space<vmem>>, vector<1x16xf32>,
      %swap3A_66 = vector.shape_cast %swap3A_65 : vector<1x16xf32> to vector<16xf32>
      %swap3A_67 = vector.shape_cast %broadcast_in_dim3A_1 : vector<16xf32> to vector<1x16xf32>
      tpu.vector_store %arg9[%swap3A_63, %swap3A_64], %swap3A_67 {strides = array<i32>} : memref<128x128xf32, #tpu.memory_space<vmem>>, vector<1x16xf32>,
      %swap3A_68 = arith.index_cast %scan3A_53 : i32 to index
      %swap3A_69 = arith.constant 48 : index
      %swap3A_70 = tpu.vector_load %arg9[%swap3A_68, %swap3A_69] {strides = array<i32>} : memref<128x128xf32, #tpu.memory_space<vmem>>, vector<1x16xf32>,
      %swap3A_71 = vector.shape_cast %swap3A_70 : vector<1x16xf32> to vector<16xf32>
      %swap3A_72 = vector.shape_cast %broadcast_in_dim3A_1 : vector<16xf32> to vector<1x16xf32>
      tpu.vector_store %arg9[%swap3A_68, %swap3A_69], %swap3A_72 {strides = array<i32>} : memref<128x128xf32, #tpu.memory_space<vmem>>, vector<1x16xf32>,
      %swap3A_73 = arith.index_cast %scan3A_53 : i32 to index
      %swap3A_74 = arith.constant 64 : index
      %swap3A_75 = tpu.vector_load %arg9[%swap3A_73, %swap3A_74] {strides = array<i32>} : memref<128x128xf32, #tpu.memory_space<vmem>>, vector<1x16xf32>,
      %swap3A_76 = vector.shape_cast %swap3A_75 : vector<1x16xf32> to vector<16xf32>
      %swap3A_77 = vector.shape_cast %broadcast_in_dim3A_1 : vector<16xf32> to vector<1x16xf32>
      tpu.vector_store %arg9[%swap3A_73, %swap3A_74], %swap3A_77 {strides = array<i32>} : memref<128x128xf32, #tpu.memory_space<vmem>>, vector<1x16xf32>,
      %swap3A_78 = arith.index_cast %scan3A_53 : i32 to index
      %swap3A_79 = arith.constant 80 : index
      %swap3A_80 = tpu.vector_load %arg9[%swap3A_78, %swap3A_79] {strides = array<i32>} : memref<128x128xf32, #tpu.memory_space<vmem>>, vector<1x16xf32>,
      %swap3A_81 = vector.shape_cast %swap3A_80 : vector<1x16xf32> to vector<16xf32>
      %swap3A_82 = vector.shape_cast %broadcast_in_dim3A_1 : vector<16xf32> to vector<1x16xf32>
      tpu.vector_store %arg9[%swap3A_78, %swap3A_79], %swap3A_82 {strides = array<i32>} : memref<128x128xf32, #tpu.memory_space<vmem>>, vector<1x16xf32>,
      %swap3A_83 = arith.index_cast %scan3A_53 : i32 to index
      %swap3A_84 = arith.constant 96 : index
      %swap3A_85 = tpu.vector_load %arg9[%swap3A_83, %swap3A_84] {strides = array<i32>} : memref<128x128xf32, #tpu.memory_space<vmem>>, vector<1x16xf32>,
      %swap3A_86 = vector.shape_cast %swap3A_85 : vector<1x16xf32> to vector<16xf32>
      %swap3A_87 = vector.shape_cast %broadcast_in_dim3A_1 : vector<16xf32> to vector<1x16xf32>
      tpu.vector_store %arg9[%swap3A_83, %swap3A_84], %swap3A_87 {strides = array<i32>} : memref<128x128xf32, #tpu.memory_space<vmem>>, vector<1x16xf32>,
      %swap3A_88 = arith.index_cast %scan3A_53 : i32 to index
      %swap3A_89 = arith.constant 112 : index
      %swap3A_90 = tpu.vector_load %arg9[%swap3A_88, %swap3A_89] {strides = array<i32>} : memref<128x128xf32, #tpu.memory_space<vmem>>, vector<1x16xf32>,
      %swap3A_91 = vector.shape_cast %swap3A_90 : vector<1x16xf32> to vector<16xf32>
      %swap3A_92 = vector.shape_cast %broadcast_in_dim3A_1 : vector<16xf32> to vector<1x16xf32>
      tpu.vector_store %arg9[%swap3A_88, %swap3A_89], %swap3A_92 {strides = array<i32>} : memref<128x128xf32, #tpu.memory_space<vmem>>, vector<1x16xf32>,
    }
    %scan3A_6 = arith.constant 128 : i32
    %mul3A_7 = arith.constant 626 : i32
    %mul3A_8 = arith.muli %arg1, %mul3A_7 : i32
    %add3A_9 = arith.constant 0 : i32
    %add3A_10 = arith.addi %mul3A_8, %add3A_9 : i32
    "tpu.region"() ({
      %run_scoped3A = tpu.sem_alloc : memref<!tpu.dma_semaphore, #tpu.memory_space<semaphore_mem>>
      %dma_start3A_53 = arith.constant 0 : i32
      %dma_start3A_54 = arith.constant 0 : i32
      %dma_start3A_55 = tpu.memref_slice %arg9[%dma_start3A_53, %dma_start3A_54] : memref<128x128xf32, #tpu.memory_space<vmem>> -> memref<128x128xf32, #tpu.memory_space<vmem>>
      %dma_start3A_56 = arith.constant 0 : i32
      %dma_start3A_57 = tpu.memref_slice %arg11[%add3A_10, %dma_start3A_56] : memref<10016x128xf32, #tpu.memory_space<vmem_shared>> -> memref<128x128xf32, #tpu.memory_space<vmem_shared>>
      %dma_start3A_58 = arith.constant 0 : i32
      %dma_start3A_59 = tpu.memref_slice %arg11[%add3A_10, %dma_start3A_58] : memref<10016x128xf32, #tpu.memory_space<vmem_shared>> -> memref<128x128xf32, #tpu.memory_space<vmem_shared>>
      %dma_start3A_60 = arith.constant 0 : i32
      %dma_start3A_61 = arith.constant 0 : i32
      %dma_start3A_62 = tpu.memref_slice %arg9[%dma_start3A_60, %dma_start3A_61] : memref<128x128xf32, #tpu.memory_space<vmem>> -> memref<128x128xf32, #tpu.memory_space<vmem>>
      tpu.enqueue_dma source(%dma_start3A_62 : memref<128x128xf32, #tpu.memory_space<vmem>>) target(%dma_start3A_59 : memref<128x128xf32, #tpu.memory_space<vmem_shared>>) target_semaphore(%run_scoped3A : memref<!tpu.dma_semaphore, #tpu.memory_space<semaphore_mem>>)
      %dma_wait3A = arith.constant 0 : i32
      %dma_wait3A_63 = arith.constant 0 : i32
      %dma_wait3A_64 = tpu.memref_slice %arg9[%dma_wait3A, %dma_wait3A_63] : memref<128x128xf32, #tpu.memory_space<vmem>> -> memref<128x128xf32, #tpu.memory_space<vmem>>
      %dma_wait3A_65 = arith.constant 0 : i32
      %dma_wait3A_66 = tpu.memref_slice %arg11[%add3A_10, %dma_wait3A_65] : memref<10016x128xf32, #tpu.memory_space<vmem_shared>> -> memref<128x128xf32, #tpu.memory_space<vmem_shared>>
      %dma_wait3A_67 = arith.constant 0 : i32
      %dma_wait3A_68 = tpu.memref_slice %arg11[%add3A_10, %dma_wait3A_67] : memref<10016x128xf32, #tpu.memory_space<vmem_shared>> -> memref<128x128xf32, #tpu.memory_space<vmem_shared>>
      %dma_wait3A_69 = arith.constant 0 : i32
      %dma_wait3A_70 = arith.constant 0 : i32
      %dma_wait3A_71 = tpu.memref_slice %arg9[%dma_wait3A_69, %dma_wait3A_70] : memref<128x128xf32, #tpu.memory_space<vmem>> -> memref<128x128xf32, #tpu.memory_space<vmem>>
      tpu.wait_dma2 semaphore(%run_scoped3A : memref<!tpu.dma_semaphore, #tpu.memory_space<semaphore_mem>>) src(%dma_wait3A_71 : memref<128x128xf32, #tpu.memory_space<vmem>>) dst(%dma_wait3A_68 : memref<128x128xf32, #tpu.memory_space<vmem_shared>>)
      tpu.yield
    }) : () -> ()
    %mul3A_11 = arith.constant 626 : i32
    %mul3A_12 = arith.muli %arg1, %mul3A_11 : i32
    %add3A_13 = arith.constant 128 : i32
    %add3A_14 = arith.addi %mul3A_12, %add3A_13 : i32
    "tpu.region"() ({
      %run_scoped3A = tpu.sem_alloc : memref<!tpu.dma_semaphore, #tpu.memory_space<semaphore_mem>>
      %dma_start3A_53 = arith.constant 0 : i32
      %dma_start3A_54 = arith.constant 0 : i32
      %dma_start3A_55 = tpu.memref_slice %arg9[%dma_start3A_53, %dma_start3A_54] : memref<128x128xf32, #tpu.memory_space<vmem>> -> memref<128x128xf32, #tpu.memory_space<vmem>>
      %dma_start3A_56 = arith.constant 0 : i32
      %dma_start3A_57 = tpu.memref_slice %arg11[%add3A_14, %dma_start3A_56] : memref<10016x128xf32, #tpu.memory_space<vmem_shared>> -> memref<128x128xf32, #tpu.memory_space<vmem_shared>>
      %dma_start3A_58 = arith.constant 0 : i32
      %dma_start3A_59 = tpu.memref_slice %arg11[%add3A_14, %dma_start3A_58] : memref<10016x128xf32, #tpu.memory_space<vmem_shared>> -> memref<128x128xf32, #tpu.memory_space<vmem_shared>>
      %dma_start3A_60 = arith.constant 0 : i32
      %dma_start3A_61 = arith.constant 0 : i32
      %dma_start3A_62 = tpu.memref_slice %arg9[%dma_start3A_60, %dma_start3A_61] : memref<128x128xf32, #tpu.memory_space<vmem>> -> memref<128x128xf32, #tpu.memory_space<vmem>>
      tpu.enqueue_dma source(%dma_start3A_62 : memref<128x128xf32, #tpu.memory_space<vmem>>) target(%dma_start3A_59 : memref<128x128xf32, #tpu.memory_space<vmem_shared>>) target_semaphore(%run_scoped3A : memref<!tpu.dma_semaphore, #tpu.memory_space<semaphore_mem>>)
      %dma_wait3A = arith.constant 0 : i32
      %dma_wait3A_63 = arith.constant 0 : i32
      %dma_wait3A_64 = tpu.memref_slice %arg9[%dma_wait3A, %dma_wait3A_63] : memref<128x128xf32, #tpu.memory_space<vmem>> -> memref<128x128xf32, #tpu.memory_space<vmem>>
      %dma_wait3A_65 = arith.constant 0 : i32
      %dma_wait3A_66 = tpu.memref_slice %arg11[%add3A_14, %dma_wait3A_65] : memref<10016x128xf32, #tpu.memory_space<vmem_shared>> -> memref<128x128xf32, #tpu.memory_space<vmem_shared>>
      %dma_wait3A_67 = arith.constant 0 : i32
      %dma_wait3A_68 = tpu.memref_slice %arg11[%add3A_14, %dma_wait3A_67] : memref<10016x128xf32, #tpu.memory_space<vmem_shared>> -> memref<128x128xf32, #tpu.memory_space<vmem_shared>>
      %dma_wait3A_69 = arith.constant 0 : i32
      %dma_wait3A_70 = arith.constant 0 : i32
      %dma_wait3A_71 = tpu.memref_slice %arg9[%dma_wait3A_69, %dma_wait3A_70] : memref<128x128xf32, #tpu.memory_space<vmem>> -> memref<128x128xf32, #tpu.memory_space<vmem>>
      tpu.wait_dma2 semaphore(%run_scoped3A : memref<!tpu.dma_semaphore, #tpu.memory_space<semaphore_mem>>) src(%dma_wait3A_71 : memref<128x128xf32, #tpu.memory_space<vmem>>) dst(%dma_wait3A_68 : memref<128x128xf32, #tpu.memory_space<vmem_shared>>)
      tpu.yield
    }) : () -> ()
    %mul3A_15 = arith.constant 626 : i32
    %mul3A_16 = arith.muli %arg1, %mul3A_15 : i32
    %add3A_17 = arith.constant 256 : i32
    %add3A_18 = arith.addi %mul3A_16, %add3A_17 : i32
    "tpu.region"() ({
      %run_scoped3A = tpu.sem_alloc : memref<!tpu.dma_semaphore, #tpu.memory_space<semaphore_mem>>
      %dma_start3A_53 = arith.constant 0 : i32
      %dma_start3A_54 = arith.constant 0 : i32
      %dma_start3A_55 = tpu.memref_slice %arg9[%dma_start3A_53, %dma_start3A_54] : memref<128x128xf32, #tpu.memory_space<vmem>> -> memref<128x128xf32, #tpu.memory_space<vmem>>
      %dma_start3A_56 = arith.constant 0 : i32
      %dma_start3A_57 = tpu.memref_slice %arg11[%add3A_18, %dma_start3A_56] : memref<10016x128xf32, #tpu.memory_space<vmem_shared>> -> memref<128x128xf32, #tpu.memory_space<vmem_shared>>
      %dma_start3A_58 = arith.constant 0 : i32
      %dma_start3A_59 = tpu.memref_slice %arg11[%add3A_18, %dma_start3A_58] : memref<10016x128xf32, #tpu.memory_space<vmem_shared>> -> memref<128x128xf32, #tpu.memory_space<vmem_shared>>
      %dma_start3A_60 = arith.constant 0 : i32
      %dma_start3A_61 = arith.constant 0 : i32
      %dma_start3A_62 = tpu.memref_slice %arg9[%dma_start3A_60, %dma_start3A_61] : memref<128x128xf32, #tpu.memory_space<vmem>> -> memref<128x128xf32, #tpu.memory_space<vmem>>
      tpu.enqueue_dma source(%dma_start3A_62 : memref<128x128xf32, #tpu.memory_space<vmem>>) target(%dma_start3A_59 : memref<128x128xf32, #tpu.memory_space<vmem_shared>>) target_semaphore(%run_scoped3A : memref<!tpu.dma_semaphore, #tpu.memory_space<semaphore_mem>>)
      %dma_wait3A = arith.constant 0 : i32
      %dma_wait3A_63 = arith.constant 0 : i32
      %dma_wait3A_64 = tpu.memref_slice %arg9[%dma_wait3A, %dma_wait3A_63] : memref<128x128xf32, #tpu.memory_space<vmem>> -> memref<128x128xf32, #tpu.memory_space<vmem>>
      %dma_wait3A_65 = arith.constant 0 : i32
      %dma_wait3A_66 = tpu.memref_slice %arg11[%add3A_18, %dma_wait3A_65] : memref<10016x128xf32, #tpu.memory_space<vmem_shared>> -> memref<128x128xf32, #tpu.memory_space<vmem_shared>>
      %dma_wait3A_67 = arith.constant 0 : i32
      %dma_wait3A_68 = tpu.memref_slice %arg11[%add3A_18, %dma_wait3A_67] : memref<10016x128xf32, #tpu.memory_space<vmem_shared>> -> memref<128x128xf32, #tpu.memory_space<vmem_shared>>
      %dma_wait3A_69 = arith.constant 0 : i32
      %dma_wait3A_70 = arith.constant 0 : i32
      %dma_wait3A_71 = tpu.memref_slice %arg9[%dma_wait3A_69, %dma_wait3A_70] : memref<128x128xf32, #tpu.memory_space<vmem>> -> memref<128x128xf32, #tpu.memory_space<vmem>>
      tpu.wait_dma2 semaphore(%run_scoped3A : memref<!tpu.dma_semaphore, #tpu.memory_space<semaphore_mem>>) src(%dma_wait3A_71 : memref<128x128xf32, #tpu.memory_space<vmem>>) dst(%dma_wait3A_68 : memref<128x128xf32, #tpu.memory_space<vmem_shared>>)
      tpu.yield
    }) : () -> ()
    %mul3A_19 = arith.constant 626 : i32
    %mul3A_20 = arith.muli %arg1, %mul3A_19 : i32
    %add3A_21 = arith.constant 384 : i32
    %add3A_22 = arith.addi %mul3A_20, %add3A_21 : i32
    "tpu.region"() ({
      %run_scoped3A = tpu.sem_alloc : memref<!tpu.dma_semaphore, #tpu.memory_space<semaphore_mem>>
      %dma_start3A_53 = arith.constant 0 : i32
      %dma_start3A_54 = arith.constant 0 : i32
      %dma_start3A_55 = tpu.memref_slice %arg9[%dma_start3A_53, %dma_start3A_54] : memref<128x128xf32, #tpu.memory_space<vmem>> -> memref<128x128xf32, #tpu.memory_space<vmem>>
      %dma_start3A_56 = arith.constant 0 : i32
      %dma_start3A_57 = tpu.memref_slice %arg11[%add3A_22, %dma_start3A_56] : memref<10016x128xf32, #tpu.memory_space<vmem_shared>> -> memref<128x128xf32, #tpu.memory_space<vmem_shared>>
      %dma_start3A_58 = arith.constant 0 : i32
      %dma_start3A_59 = tpu.memref_slice %arg11[%add3A_22, %dma_start3A_58] : memref<10016x128xf32, #tpu.memory_space<vmem_shared>> -> memref<128x128xf32, #tpu.memory_space<vmem_shared>>
      %dma_start3A_60 = arith.constant 0 : i32
      %dma_start3A_61 = arith.constant 0 : i32
      %dma_start3A_62 = tpu.memref_slice %arg9[%dma_start3A_60, %dma_start3A_61] : memref<128x128xf32, #tpu.memory_space<vmem>> -> memref<128x128xf32, #tpu.memory_space<vmem>>
      tpu.enqueue_dma source(%dma_start3A_62 : memref<128x128xf32, #tpu.memory_space<vmem>>) target(%dma_start3A_59 : memref<128x128xf32, #tpu.memory_space<vmem_shared>>) target_semaphore(%run_scoped3A : memref<!tpu.dma_semaphore, #tpu.memory_space<semaphore_mem>>)
      %dma_wait3A = arith.constant 0 : i32
      %dma_wait3A_63 = arith.constant 0 : i32
      %dma_wait3A_64 = tpu.memref_slice %arg9[%dma_wait3A, %dma_wait3A_63] : memref<128x128xf32, #tpu.memory_space<vmem>> -> memref<128x128xf32, #tpu.memory_space<vmem>>
      %dma_wait3A_65 = arith.constant 0 : i32
      %dma_wait3A_66 = tpu.memref_slice %arg11[%add3A_22, %dma_wait3A_65] : memref<10016x128xf32, #tpu.memory_space<vmem_shared>> -> memref<128x128xf32, #tpu.memory_space<vmem_shared>>
      %dma_wait3A_67 = arith.constant 0 : i32
      %dma_wait3A_68 = tpu.memref_slice %arg11[%add3A_22, %dma_wait3A_67] : memref<10016x128xf32, #tpu.memory_space<vmem_shared>> -> memref<128x128xf32, #tpu.memory_space<vmem_shared>>
      %dma_wait3A_69 = arith.constant 0 : i32
      %dma_wait3A_70 = arith.constant 0 : i32
      %dma_wait3A_71 = tpu.memref_slice %arg9[%dma_wait3A_69, %dma_wait3A_70] : memref<128x128xf32, #tpu.memory_space<vmem>> -> memref<128x128xf32, #tpu.memory_space<vmem>>
      tpu.wait_dma2 semaphore(%run_scoped3A : memref<!tpu.dma_semaphore, #tpu.memory_space<semaphore_mem>>) src(%dma_wait3A_71 : memref<128x128xf32, #tpu.memory_space<vmem>>) dst(%dma_wait3A_68 : memref<128x128xf32, #tpu.memory_space<vmem_shared>>)
      tpu.yield
    }) : () -> ()
    %mul3A_23 = arith.constant 626 : i32
    %mul3A_24 = arith.muli %arg1, %mul3A_23 : i32
    %add3A_25 = arith.constant 512 : i32
    %add3A_26 = arith.addi %mul3A_24, %add3A_25 : i32
    "tpu.region"() ({
      %run_scoped3A = tpu.sem_alloc : memref<!tpu.dma_semaphore, #tpu.memory_space<semaphore_mem>>
      %dma_start3A_53 = arith.constant 0 : i32
      %dma_start3A_54 = arith.constant 0 : i32
      %dma_start3A_55 = tpu.memref_slice %arg9[%dma_start3A_53, %dma_start3A_54] : memref<128x128xf32, #tpu.memory_space<vmem>> -> memref<114x128xf32, #tpu.memory_space<vmem>>
      %dma_start3A_56 = arith.constant 0 : i32
      %dma_start3A_57 = tpu.memref_slice %arg11[%add3A_26, %dma_start3A_56] : memref<10016x128xf32, #tpu.memory_space<vmem_shared>> -> memref<114x128xf32, #tpu.memory_space<vmem_shared>>
      %dma_start3A_58 = arith.constant 0 : i32
      %dma_start3A_59 = tpu.memref_slice %arg11[%add3A_26, %dma_start3A_58] : memref<10016x128xf32, #tpu.memory_space<vmem_shared>> -> memref<114x128xf32, #tpu.memory_space<vmem_shared>>
      %dma_start3A_60 = arith.constant 0 : i32
      %dma_start3A_61 = arith.constant 0 : i32
      %dma_start3A_62 = tpu.memref_slice %arg9[%dma_start3A_60, %dma_start3A_61] : memref<128x128xf32, #tpu.memory_space<vmem>> -> memref<114x128xf32, #tpu.memory_space<vmem>>
      tpu.enqueue_dma source(%dma_start3A_62 : memref<114x128xf32, #tpu.memory_space<vmem>>) target(%dma_start3A_59 : memref<114x128xf32, #tpu.memory_space<vmem_shared>>) target_semaphore(%run_scoped3A : memref<!tpu.dma_semaphore, #tpu.memory_space<semaphore_mem>>)
      %dma_wait3A = arith.constant 0 : i32
      %dma_wait3A_63 = arith.constant 0 : i32
      %dma_wait3A_64 = tpu.memref_slice %arg9[%dma_wait3A, %dma_wait3A_63] : memref<128x128xf32, #tpu.memory_space<vmem>> -> memref<114x128xf32, #tpu.memory_space<vmem>>
      %dma_wait3A_65 = arith.constant 0 : i32
      %dma_wait3A_66 = tpu.memref_slice %arg11[%add3A_26, %dma_wait3A_65] : memref<10016x128xf32, #tpu.memory_space<vmem_shared>> -> memref<114x128xf32, #tpu.memory_space<vmem_shared>>
      %dma_wait3A_67 = arith.constant 0 : i32
      %dma_wait3A_68 = tpu.memref_slice %arg11[%add3A_26, %dma_wait3A_67] : memref<10016x128xf32, #tpu.memory_space<vmem_shared>> -> memref<114x128xf32, #tpu.memory_space<vmem_shared>>
      %dma_wait3A_69 = arith.constant 0 : i32
      %dma_wait3A_70 = arith.constant 0 : i32
      %dma_wait3A_71 = tpu.memref_slice %arg9[%dma_wait3A_69, %dma_wait3A_70] : memref<128x128xf32, #tpu.memory_space<vmem>> -> memref<114x128xf32, #tpu.memory_space<vmem>>
      tpu.wait_dma2 semaphore(%run_scoped3A : memref<!tpu.dma_semaphore, #tpu.memory_space<semaphore_mem>>) src(%dma_wait3A_71 : memref<114x128xf32, #tpu.memory_space<vmem>>) dst(%dma_wait3A_68 : memref<114x128xf32, #tpu.memory_space<vmem_shared>>)
      tpu.yield
    }) : () -> ()
    %barrier3A = arith.constant 0 : index
    tpu.barrier barrier_id(%barrier3A)
    %dma_start3A = arith.constant 0 : i32
    %dma_start3A_27 = arith.constant 0 : i32
    %dma_start3A_28 = tpu.memref_slice %arg6[%dma_start3A, %dma_start3A_27] : memref<80x128xi32, #tpu.memory_space<vmem>> -> memref<1x128xi32, #tpu.memory_space<vmem>>
    %dma_start3A_29 = tpu.memref_squeeze %dma_start3A_28 : memref<1x128xi32, #tpu.memory_space<vmem>> -> memref<128xi32, #tpu.memory_space<vmem>>
    %dma_start3A_30 = arith.constant 0 : i32
    %dma_start3A_31 = arith.constant 0 : i32
    %dma_start3A_32 = tpu.memref_slice %arg2[%dma_start3A_30, %dma_start3A_31] : memref<10000x128xf32, #tpu.memory_space<hbm>> -> memref<10000x128xf32, #tpu.memory_space<hbm>>
    tpu.enqueue_indirect_dma source(%dma_start3A_32 : memref<10000x128xf32, #tpu.memory_space<hbm>>) target(%arg9 : memref<128x128xf32, #tpu.memory_space<vmem>>) offsets(%dma_start3A_29 : memref<128xi32, #tpu.memory_space<vmem>>) semaphore(%arg12 : memref<!tpu.dma_semaphore, #tpu.memory_space<semaphore_mem>>)
    %dma_start3A_33 = arith.constant 1 : i32
    %dma_start3A_34 = arith.constant 0 : i32
    %dma_start3A_35 = tpu.memref_slice %arg6[%dma_start3A_33, %dma_start3A_34] : memref<80x128xi32, #tpu.memory_space<vmem>> -> memref<1x128xi32, #tpu.memory_space<vmem>>
    %dma_start3A_36 = tpu.memref_squeeze %dma_start3A_35 : memref<1x128xi32, #tpu.memory_space<vmem>> -> memref<128xi32, #tpu.memory_space<vmem>>
    %dma_start3A_37 = arith.constant 0 : i32
    %dma_start3A_38 = arith.constant 0 : i32
    %dma_start3A_39 = tpu.memref_slice %arg2[%dma_start3A_37, %dma_start3A_38] : memref<10000x128xf32, #tpu.memory_space<hbm>> -> memref<10000x128xf32, #tpu.memory_space<hbm>>
    tpu.enqueue_indirect_dma source(%dma_start3A_39 : memref<10000x128xf32, #tpu.memory_space<hbm>>) target(%arg10 : memref<128x128xf32, #tpu.memory_space<vmem>>) offsets(%dma_start3A_36 : memref<128xi32, #tpu.memory_space<vmem>>) semaphore(%arg13 : memref<!tpu.dma_semaphore, #tpu.memory_space<semaphore_mem>>)
    %scan3A_40 = arith.constant 0 : i32
    %scan3A_41 = arith.constant 0 : i32
    %scan3A_42 = arith.constant 40 : i32
    %scan3A_43 = arith.addi %scan3A_41, %scan3A_42 : i32
    %scan3A_44 = arith.constant 1 : i32
    scf.for %scan3A_53 = %scan3A_41 to %scan3A_43 step %scan3A_44  : i32 {
      %mul3A_54 = arith.constant 2 : i32
      %mul3A_55 = arith.muli %mul3A_54, %scan3A_53 : i32
      %dma_wait3A = arith.constant 0 : i32
      %dma_wait3A_56 = tpu.memref_slice %arg6[%mul3A_55, %dma_wait3A] : memref<80x128xi32, #tpu.memory_space<vmem>> -> memref<1x128xi32, #tpu.memory_space<vmem>>
      %dma_wait3A_57 = tpu.memref_squeeze %dma_wait3A_56 : memref<1x128xi32, #tpu.memory_space<vmem>> -> memref<128xi32, #tpu.memory_space<vmem>>
      %dma_wait3A_58 = arith.constant 0 : i32
      %dma_wait3A_59 = arith.constant 0 : i32
      %dma_wait3A_60 = tpu.memref_slice %arg2[%dma_wait3A_58, %dma_wait3A_59] : memref<10000x128xf32, #tpu.memory_space<hbm>> -> memref<10000x128xf32, #tpu.memory_space<hbm>>
      tpu.wait_indirect_dma semaphore(%arg12 : memref<!tpu.dma_semaphore, #tpu.memory_space<semaphore_mem>>) src(%dma_wait3A_60 : memref<10000x128xf32, #tpu.memory_space<hbm>>) dst(%arg9 : memref<128x128xf32, #tpu.memory_space<vmem>>)
      %get3A = arith.index_cast %scan3A_53 : i32 to index
      %get3A_61 = arith.constant 0 : index
      %get3A_62 = tpu.vector_load %arg7[%get3A, %get3A_61] {strides = array<i32>} : memref<40x128xi32, #tpu.memory_space<vmem>>, vector<1x16xi32>,
      %get3A_63 = vector.shape_cast %get3A_62 : vector<1x16xi32> to vector<16xi32>
      %and3A = arith.constant 65535 : i32
      %and3A_64 = vector.broadcast %and3A : i32 to vector<16xi32>
      %and3A_65 = arith.andi %get3A_63, %and3A_64 : vector<16xi32>
      %swap3A = arith.constant 0 : i32
      %swap3A_66 = arith.index_cast %swap3A : i32 to index
      %swap3A_67 = arith.constant 0 : index
      %swap3A_68 = tpu.vector_load %arg8[%swap3A_66, %swap3A_67] {strides = array<i32>} : memref<1x128xi32, #tpu.memory_space<vmem>>, vector<1x16xi32>,
      %swap3A_69 = vector.shape_cast %swap3A_68 : vector<1x16xi32> to vector<16xi32>
      %swap3A_70 = vector.shape_cast %and3A_65 : vector<16xi32> to vector<1x16xi32>
      tpu.vector_store %arg8[%swap3A_66, %swap3A_67], %swap3A_70 {strides = array<i32>} : memref<1x128xi32, #tpu.memory_space<vmem>>, vector<1x16xi32>,
      %shift_right_logical3A = arith.constant 16 : i32
      %shift_right_logical3A_71 = vector.broadcast %shift_right_logical3A : i32 to vector<16xi32>
      %shift_right_logical3A_72 = arith.shrui %get3A_63, %shift_right_logical3A_71 : vector<16xi32>
      %swap3A_73 = arith.constant 0 : i32
      %swap3A_74 = arith.index_cast %swap3A_73 : i32 to index
      %swap3A_75 = arith.constant 16 : index
      %swap3A_76 = tpu.vector_load %arg8[%swap3A_74, %swap3A_75] {strides = array<i32>} : memref<1x128xi32, #tpu.memory_space<vmem>>, vector<1x16xi32>,
      %swap3A_77 = vector.shape_cast %swap3A_76 : vector<1x16xi32> to vector<16xi32>
      %swap3A_78 = vector.shape_cast %shift_right_logical3A_72 : vector<16xi32> to vector<1x16xi32>
      tpu.vector_store %arg8[%swap3A_74, %swap3A_75], %swap3A_78 {strides = array<i32>} : memref<1x128xi32, #tpu.memory_space<vmem>>, vector<1x16xi32>,
      %get3A_79 = arith.index_cast %scan3A_53 : i32 to index
      %get3A_80 = arith.constant 16 : index
      %get3A_81 = tpu.vector_load %arg7[%get3A_79, %get3A_80] {strides = array<i32>} : memref<40x128xi32, #tpu.memory_space<vmem>>, vector<1x16xi32>,
      %get3A_82 = vector.shape_cast %get3A_81 : vector<1x16xi32> to vector<16xi32>
      %and3A_83 = arith.constant 65535 : i32
      %and3A_84 = vector.broadcast %and3A_83 : i32 to vector<16xi32>
      %and3A_85 = arith.andi %get3A_82, %and3A_84 : vector<16xi32>
      %swap3A_86 = arith.constant 0 : i32
      %swap3A_87 = arith.index_cast %swap3A_86 : i32 to index
      %swap3A_88 = arith.constant 32 : index
      %swap3A_89 = tpu.vector_load %arg8[%swap3A_87, %swap3A_88] {strides = array<i32>} : memref<1x128xi32, #tpu.memory_space<vmem>>, vector<1x16xi32>,
      %swap3A_90 = vector.shape_cast %swap3A_89 : vector<1x16xi32> to vector<16xi32>
      %swap3A_91 = vector.shape_cast %and3A_85 : vector<16xi32> to vector<1x16xi32>
      tpu.vector_store %arg8[%swap3A_87, %swap3A_88], %swap3A_91 {strides = array<i32>} : memref<1x128xi32, #tpu.memory_space<vmem>>, vector<1x16xi32>,
      %shift_right_logical3A_92 = arith.constant 16 : i32
      %shift_right_logical3A_93 = vector.broadcast %shift_right_logical3A_92 : i32 to vector<16xi32>
      %shift_right_logical3A_94 = arith.shrui %get3A_82, %shift_right_logical3A_93 : vector<16xi32>
      %swap3A_95 = arith.constant 0 : i32
      %swap3A_96 = arith.index_cast %swap3A_95 : i32 to index
      %swap3A_97 = arith.constant 48 : index
      %swap3A_98 = tpu.vector_load %arg8[%swap3A_96, %swap3A_97] {strides = array<i32>} : memref<1x128xi32, #tpu.memory_space<vmem>>, vector<1x16xi32>,
      %swap3A_99 = vector.shape_cast %swap3A_98 : vector<1x16xi32> to vector<16xi32>
      %swap3A_100 = vector.shape_cast %shift_right_logical3A_94 : vector<16xi32> to vector<1x16xi32>
      tpu.vector_store %arg8[%swap3A_96, %swap3A_97], %swap3A_100 {strides = array<i32>} : memref<1x128xi32, #tpu.memory_space<vmem>>, vector<1x16xi32>,
      %get3A_101 = arith.index_cast %scan3A_53 : i32 to index
      %get3A_102 = arith.constant 32 : index
      %get3A_103 = tpu.vector_load %arg7[%get3A_101, %get3A_102] {strides = array<i32>} : memref<40x128xi32, #tpu.memory_space<vmem>>, vector<1x16xi32>,
      %get3A_104 = vector.shape_cast %get3A_103 : vector<1x16xi32> to vector<16xi32>
      %and3A_105 = arith.constant 65535 : i32
      %and3A_106 = vector.broadcast %and3A_105 : i32 to vector<16xi32>
      %and3A_107 = arith.andi %get3A_104, %and3A_106 : vector<16xi32>
      %swap3A_108 = arith.constant 0 : i32
      %swap3A_109 = arith.index_cast %swap3A_108 : i32 to index
      %swap3A_110 = arith.constant 64 : index
      %swap3A_111 = tpu.vector_load %arg8[%swap3A_109, %swap3A_110] {strides = array<i32>} : memref<1x128xi32, #tpu.memory_space<vmem>>, vector<1x16xi32>,
      %swap3A_112 = vector.shape_cast %swap3A_111 : vector<1x16xi32> to vector<16xi32>
      %swap3A_113 = vector.shape_cast %and3A_107 : vector<16xi32> to vector<1x16xi32>
      tpu.vector_store %arg8[%swap3A_109, %swap3A_110], %swap3A_113 {strides = array<i32>} : memref<1x128xi32, #tpu.memory_space<vmem>>, vector<1x16xi32>,
      %shift_right_logical3A_114 = arith.constant 16 : i32
      %shift_right_logical3A_115 = vector.broadcast %shift_right_logical3A_114 : i32 to vector<16xi32>
      %shift_right_logical3A_116 = arith.shrui %get3A_104, %shift_right_logical3A_115 : vector<16xi32>
      %swap3A_117 = arith.constant 0 : i32
      %swap3A_118 = arith.index_cast %swap3A_117 : i32 to index
      %swap3A_119 = arith.constant 80 : index
      %swap3A_120 = tpu.vector_load %arg8[%swap3A_118, %swap3A_119] {strides = array<i32>} : memref<1x128xi32, #tpu.memory_space<vmem>>, vector<1x16xi32>,
      %swap3A_121 = vector.shape_cast %swap3A_120 : vector<1x16xi32> to vector<16xi32>
      %swap3A_122 = vector.shape_cast %shift_right_logical3A_116 : vector<16xi32> to vector<1x16xi32>
      tpu.vector_store %arg8[%swap3A_118, %swap3A_119], %swap3A_122 {strides = array<i32>} : memref<1x128xi32, #tpu.memory_space<vmem>>, vector<1x16xi32>,
      %get3A_123 = arith.index_cast %scan3A_53 : i32 to index
      %get3A_124 = arith.constant 48 : index
      %get3A_125 = tpu.vector_load %arg7[%get3A_123, %get3A_124] {strides = array<i32>} : memref<40x128xi32, #tpu.memory_space<vmem>>, vector<1x16xi32>,
      %get3A_126 = vector.shape_cast %get3A_125 : vector<1x16xi32> to vector<16xi32>
      %and3A_127 = arith.constant 65535 : i32
      %and3A_128 = vector.broadcast %and3A_127 : i32 to vector<16xi32>
      %and3A_129 = arith.andi %get3A_126, %and3A_128 : vector<16xi32>
      %swap3A_130 = arith.constant 0 : i32
      %swap3A_131 = arith.index_cast %swap3A_130 : i32 to index
      %swap3A_132 = arith.constant 96 : index
      %swap3A_133 = tpu.vector_load %arg8[%swap3A_131, %swap3A_132] {strides = array<i32>} : memref<1x128xi32, #tpu.memory_space<vmem>>, vector<1x16xi32>,
      %swap3A_134 = vector.shape_cast %swap3A_133 : vector<1x16xi32> to vector<16xi32>
      %swap3A_135 = vector.shape_cast %and3A_129 : vector<16xi32> to vector<1x16xi32>
      tpu.vector_store %arg8[%swap3A_131, %swap3A_132], %swap3A_135 {strides = array<i32>} : memref<1x128xi32, #tpu.memory_space<vmem>>, vector<1x16xi32>,
      %shift_right_logical3A_136 = arith.constant 16 : i32
      %shift_right_logical3A_137 = vector.broadcast %shift_right_logical3A_136 : i32 to vector<16xi32>
      %shift_right_logical3A_138 = arith.shrui %get3A_126, %shift_right_logical3A_137 : vector<16xi32>
      %swap3A_139 = arith.constant 0 : i32
      %swap3A_140 = arith.index_cast %swap3A_139 : i32 to index
      %swap3A_141 = arith.constant 112 : index
      %swap3A_142 = tpu.vector_load %arg8[%swap3A_140, %swap3A_141] {strides = array<i32>} : memref<1x128xi32, #tpu.memory_space<vmem>>, vector<1x16xi32>,
      %swap3A_143 = vector.shape_cast %swap3A_142 : vector<1x16xi32> to vector<16xi32>
      %swap3A_144 = vector.shape_cast %shift_right_logical3A_138 : vector<16xi32> to vector<1x16xi32>
      tpu.vector_store %arg8[%swap3A_140, %swap3A_141], %swap3A_144 {strides = array<i32>} : memref<1x128xi32, #tpu.memory_space<vmem>>, vector<1x16xi32>,
      %run_scoped3A = arith.constant 0 : i32
      "tpu.region"() ({
        %run_scoped3A_255 = tpu.sem_alloc : memref<!tpu.dma_semaphore, #tpu.memory_space<semaphore_mem>>
        %dma_start3A_256 = arith.constant 0 : i32
        %dma_start3A_257 = tpu.memref_slice %arg8[%run_scoped3A, %dma_start3A_256] : memref<1x128xi32, #tpu.memory_space<vmem>> -> memref<1x128xi32, #tpu.memory_space<vmem>>
        %dma_start3A_258 = tpu.memref_squeeze %dma_start3A_257 : memref<1x128xi32, #tpu.memory_space<vmem>> -> memref<128xi32, #tpu.memory_space<vmem>>
        %dma_start3A_259 = arith.constant 0 : i32
        %dma_start3A_260 = arith.constant 0 : i32
        %dma_start3A_261 = tpu.memref_slice %arg11[%dma_start3A_259, %dma_start3A_260] : memref<10016x128xf32, #tpu.memory_space<vmem_shared>> -> memref<10016x128xf32, #tpu.memory_space<vmem_shared>>
        tpu.enqueue_indirect_dma source(%arg9 : memref<128x128xf32, #tpu.memory_space<vmem>>) target(%dma_start3A_261 : memref<10016x128xf32, #tpu.memory_space<vmem_shared>>) offsets(%dma_start3A_258 : memref<128xi32, #tpu.memory_space<vmem>>) semaphore(%run_scoped3A_255 : memref<!tpu.dma_semaphore, #tpu.memory_space<semaphore_mem>>) {add = true}
        %dma_wait3A_262 = arith.constant 0 : i32
        %dma_wait3A_263 = tpu.memref_slice %arg8[%run_scoped3A, %dma_wait3A_262] : memref<1x128xi32, #tpu.memory_space<vmem>> -> memref<1x128xi32, #tpu.memory_space<vmem>>
        %dma_wait3A_264 = tpu.memref_squeeze %dma_wait3A_263 : memref<1x128xi32, #tpu.memory_space<vmem>> -> memref<128xi32, #tpu.memory_space<vmem>>
        %dma_wait3A_265 = arith.constant 0 : i32
        %dma_wait3A_266 = arith.constant 0 : i32
        %dma_wait3A_267 = tpu.memref_slice %arg11[%dma_wait3A_265, %dma_wait3A_266] : memref<10016x128xf32, #tpu.memory_space<vmem_shared>> -> memref<10016x128xf32, #tpu.memory_space<vmem_shared>>
        tpu.wait_indirect_dma semaphore(%run_scoped3A_255 : memref<!tpu.dma_semaphore, #tpu.memory_space<semaphore_mem>>) src(%arg9 : memref<128x128xf32, #tpu.memory_space<vmem>>) dst(%dma_wait3A_267 : memref<10016x128xf32, #tpu.memory_space<vmem_shared>>)
        tpu.yield
      }) : () -> ()
      %add3A_145 = arith.constant 2 : i32
      %add3A_146 = arith.addi %mul3A_55, %add3A_145 : i32
      %lt3A = arith.constant 80 : i32
      %lt3A_147 = arith.cmpi slt, %add3A_146, %lt3A : i32
      %convert_element_type3A_148 = arith.extui %lt3A_147 : i1 to i32
      %cond3A_149 = arith.constant 0 : i32
      %cond3A_150 = arith.cmpi ne, %convert_element_type3A_148, %cond3A_149 : i32
      scf.if %cond3A_150 {
        %add3A_255 = arith.constant 2 : i32
        %add3A_256 = arith.addi %mul3A_55, %add3A_255 : i32
        %dma_start3A_257 = arith.constant 0 : i32
        %dma_start3A_258 = tpu.memref_slice %arg6[%add3A_256, %dma_start3A_257] : memref<80x128xi32, #tpu.memory_space<vmem>> -> memref<1x128xi32, #tpu.memory_space<vmem>>
        %dma_start3A_259 = tpu.memref_squeeze %dma_start3A_258 : memref<1x128xi32, #tpu.memory_space<vmem>> -> memref<128xi32, #tpu.memory_space<vmem>>
        %dma_start3A_260 = arith.constant 0 : i32
        %dma_start3A_261 = arith.constant 0 : i32
        %dma_start3A_262 = tpu.memref_slice %arg2[%dma_start3A_260, %dma_start3A_261] : memref<10000x128xf32, #tpu.memory_space<hbm>> -> memref<10000x128xf32, #tpu.memory_space<hbm>>
        tpu.enqueue_indirect_dma source(%dma_start3A_262 : memref<10000x128xf32, #tpu.memory_space<hbm>>) target(%arg9 : memref<128x128xf32, #tpu.memory_space<vmem>>) offsets(%dma_start3A_259 : memref<128xi32, #tpu.memory_space<vmem>>) semaphore(%arg12 : memref<!tpu.dma_semaphore, #tpu.memory_space<semaphore_mem>>)
      } else {
      }
      %add3A_151 = arith.constant 1 : i32
      %add3A_152 = arith.addi %mul3A_55, %add3A_151 : i32
      %dma_wait3A_153 = arith.constant 0 : i32
      %dma_wait3A_154 = tpu.memref_slice %arg6[%add3A_152, %dma_wait3A_153] : memref<80x128xi32, #tpu.memory_space<vmem>> -> memref<1x128xi32, #tpu.memory_space<vmem>>
      %dma_wait3A_155 = tpu.memref_squeeze %dma_wait3A_154 : memref<1x128xi32, #tpu.memory_space<vmem>> -> memref<128xi32, #tpu.memory_space<vmem>>
      %dma_wait3A_156 = arith.constant 0 : i32
      %dma_wait3A_157 = arith.constant 0 : i32
      %dma_wait3A_158 = tpu.memref_slice %arg2[%dma_wait3A_156, %dma_wait3A_157] : memref<10000x128xf32, #tpu.memory_space<hbm>> -> memref<10000x128xf32, #tpu.memory_space<hbm>>
      tpu.wait_indirect_dma semaphore(%arg13 : memref<!tpu.dma_semaphore, #tpu.memory_space<semaphore_mem>>) src(%dma_wait3A_158 : memref<10000x128xf32, #tpu.memory_space<hbm>>) dst(%arg10 : memref<128x128xf32, #tpu.memory_space<vmem>>)
      %get3A_159 = arith.index_cast %scan3A_53 : i32 to index
      %get3A_160 = arith.constant 64 : index
      %get3A_161 = tpu.vector_load %arg7[%get3A_159, %get3A_160] {strides = array<i32>} : memref<40x128xi32, #tpu.memory_space<vmem>>, vector<1x16xi32>,
      %get3A_162 = vector.shape_cast %get3A_161 : vector<1x16xi32> to vector<16xi32>
      %and3A_163 = arith.constant 65535 : i32
      %and3A_164 = vector.broadcast %and3A_163 : i32 to vector<16xi32>
      %and3A_165 = arith.andi %get3A_162, %and3A_164 : vector<16xi32>
      %swap3A_166 = arith.constant 0 : i32
      %swap3A_167 = arith.index_cast %swap3A_166 : i32 to index
      %swap3A_168 = arith.constant 0 : index
      %swap3A_169 = tpu.vector_load %arg8[%swap3A_167, %swap3A_168] {strides = array<i32>} : memref<1x128xi32, #tpu.memory_space<vmem>>, vector<1x16xi32>,
      %swap3A_170 = vector.shape_cast %swap3A_169 : vector<1x16xi32> to vector<16xi32>
      %swap3A_171 = vector.shape_cast %and3A_165 : vector<16xi32> to vector<1x16xi32>
      tpu.vector_store %arg8[%swap3A_167, %swap3A_168], %swap3A_171 {strides = array<i32>} : memref<1x128xi32, #tpu.memory_space<vmem>>, vector<1x16xi32>,
      %shift_right_logical3A_172 = arith.constant 16 : i32
      %shift_right_logical3A_173 = vector.broadcast %shift_right_logical3A_172 : i32 to vector<16xi32>
      %shift_right_logical3A_174 = arith.shrui %get3A_162, %shift_right_logical3A_173 : vector<16xi32>
      %swap3A_175 = arith.constant 0 : i32
      %swap3A_176 = arith.index_cast %swap3A_175 : i32 to index
      %swap3A_177 = arith.constant 16 : index
      %swap3A_178 = tpu.vector_load %arg8[%swap3A_176, %swap3A_177] {strides = array<i32>} : memref<1x128xi32, #tpu.memory_space<vmem>>, vector<1x16xi32>,
      %swap3A_179 = vector.shape_cast %swap3A_178 : vector<1x16xi32> to vector<16xi32>
      %swap3A_180 = vector.shape_cast %shift_right_logical3A_174 : vector<16xi32> to vector<1x16xi32>
      tpu.vector_store %arg8[%swap3A_176, %swap3A_177], %swap3A_180 {strides = array<i32>} : memref<1x128xi32, #tpu.memory_space<vmem>>, vector<1x16xi32>,
      %get3A_181 = arith.index_cast %scan3A_53 : i32 to index
      %get3A_182 = arith.constant 80 : index
      %get3A_183 = tpu.vector_load %arg7[%get3A_181, %get3A_182] {strides = array<i32>} : memref<40x128xi32, #tpu.memory_space<vmem>>, vector<1x16xi32>,
      %get3A_184 = vector.shape_cast %get3A_183 : vector<1x16xi32> to vector<16xi32>
      %and3A_185 = arith.constant 65535 : i32
      %and3A_186 = vector.broadcast %and3A_185 : i32 to vector<16xi32>
      %and3A_187 = arith.andi %get3A_184, %and3A_186 : vector<16xi32>
      %swap3A_188 = arith.constant 0 : i32
      %swap3A_189 = arith.index_cast %swap3A_188 : i32 to index
      %swap3A_190 = arith.constant 32 : index
      %swap3A_191 = tpu.vector_load %arg8[%swap3A_189, %swap3A_190] {strides = array<i32>} : memref<1x128xi32, #tpu.memory_space<vmem>>, vector<1x16xi32>,
      %swap3A_192 = vector.shape_cast %swap3A_191 : vector<1x16xi32> to vector<16xi32>
      %swap3A_193 = vector.shape_cast %and3A_187 : vector<16xi32> to vector<1x16xi32>
      tpu.vector_store %arg8[%swap3A_189, %swap3A_190], %swap3A_193 {strides = array<i32>} : memref<1x128xi32, #tpu.memory_space<vmem>>, vector<1x16xi32>,
      %shift_right_logical3A_194 = arith.constant 16 : i32
      %shift_right_logical3A_195 = vector.broadcast %shift_right_logical3A_194 : i32 to vector<16xi32>
      %shift_right_logical3A_196 = arith.shrui %get3A_184, %shift_right_logical3A_195 : vector<16xi32>
      %swap3A_197 = arith.constant 0 : i32
      %swap3A_198 = arith.index_cast %swap3A_197 : i32 to index
      %swap3A_199 = arith.constant 48 : index
      %swap3A_200 = tpu.vector_load %arg8[%swap3A_198, %swap3A_199] {strides = array<i32>} : memref<1x128xi32, #tpu.memory_space<vmem>>, vector<1x16xi32>,
      %swap3A_201 = vector.shape_cast %swap3A_200 : vector<1x16xi32> to vector<16xi32>
      %swap3A_202 = vector.shape_cast %shift_right_logical3A_196 : vector<16xi32> to vector<1x16xi32>
      tpu.vector_store %arg8[%swap3A_198, %swap3A_199], %swap3A_202 {strides = array<i32>} : memref<1x128xi32, #tpu.memory_space<vmem>>, vector<1x16xi32>,
      %get3A_203 = arith.index_cast %scan3A_53 : i32 to index
      %get3A_204 = arith.constant 96 : index
      %get3A_205 = tpu.vector_load %arg7[%get3A_203, %get3A_204] {strides = array<i32>} : memref<40x128xi32, #tpu.memory_space<vmem>>, vector<1x16xi32>,
      %get3A_206 = vector.shape_cast %get3A_205 : vector<1x16xi32> to vector<16xi32>
      %and3A_207 = arith.constant 65535 : i32
      %and3A_208 = vector.broadcast %and3A_207 : i32 to vector<16xi32>
      %and3A_209 = arith.andi %get3A_206, %and3A_208 : vector<16xi32>
      %swap3A_210 = arith.constant 0 : i32
      %swap3A_211 = arith.index_cast %swap3A_210 : i32 to index
      %swap3A_212 = arith.constant 64 : index
      %swap3A_213 = tpu.vector_load %arg8[%swap3A_211, %swap3A_212] {strides = array<i32>} : memref<1x128xi32, #tpu.memory_space<vmem>>, vector<1x16xi32>,
      %swap3A_214 = vector.shape_cast %swap3A_213 : vector<1x16xi32> to vector<16xi32>
      %swap3A_215 = vector.shape_cast %and3A_209 : vector<16xi32> to vector<1x16xi32>
      tpu.vector_store %arg8[%swap3A_211, %swap3A_212], %swap3A_215 {strides = array<i32>} : memref<1x128xi32, #tpu.memory_space<vmem>>, vector<1x16xi32>,
      %shift_right_logical3A_216 = arith.constant 16 : i32
      %shift_right_logical3A_217 = vector.broadcast %shift_right_logical3A_216 : i32 to vector<16xi32>
      %shift_right_logical3A_218 = arith.shrui %get3A_206, %shift_right_logical3A_217 : vector<16xi32>
      %swap3A_219 = arith.constant 0 : i32
      %swap3A_220 = arith.index_cast %swap3A_219 : i32 to index
      %swap3A_221 = arith.constant 80 : index
      %swap3A_222 = tpu.vector_load %arg8[%swap3A_220, %swap3A_221] {strides = array<i32>} : memref<1x128xi32, #tpu.memory_space<vmem>>, vector<1x16xi32>,
      %swap3A_223 = vector.shape_cast %swap3A_222 : vector<1x16xi32> to vector<16xi32>
      %swap3A_224 = vector.shape_cast %shift_right_logical3A_218 : vector<16xi32> to vector<1x16xi32>
      tpu.vector_store %arg8[%swap3A_220, %swap3A_221], %swap3A_224 {strides = array<i32>} : memref<1x128xi32, #tpu.memory_space<vmem>>, vector<1x16xi32>,
      %get3A_225 = arith.index_cast %scan3A_53 : i32 to index
      %get3A_226 = arith.constant 112 : index
      %get3A_227 = tpu.vector_load %arg7[%get3A_225, %get3A_226] {strides = array<i32>} : memref<40x128xi32, #tpu.memory_space<vmem>>, vector<1x16xi32>,
      %get3A_228 = vector.shape_cast %get3A_227 : vector<1x16xi32> to vector<16xi32>
      %and3A_229 = arith.constant 65535 : i32
      %and3A_230 = vector.broadcast %and3A_229 : i32 to vector<16xi32>
      %and3A_231 = arith.andi %get3A_228, %and3A_230 : vector<16xi32>
      %swap3A_232 = arith.constant 0 : i32
      %swap3A_233 = arith.index_cast %swap3A_232 : i32 to index
      %swap3A_234 = arith.constant 96 : index
      %swap3A_235 = tpu.vector_load %arg8[%swap3A_233, %swap3A_234] {strides = array<i32>} : memref<1x128xi32, #tpu.memory_space<vmem>>, vector<1x16xi32>,
      %swap3A_236 = vector.shape_cast %swap3A_235 : vector<1x16xi32> to vector<16xi32>
      %swap3A_237 = vector.shape_cast %and3A_231 : vector<16xi32> to vector<1x16xi32>
      tpu.vector_store %arg8[%swap3A_233, %swap3A_234], %swap3A_237 {strides = array<i32>} : memref<1x128xi32, #tpu.memory_space<vmem>>, vector<1x16xi32>,
      %shift_right_logical3A_238 = arith.constant 16 : i32
      %shift_right_logical3A_239 = vector.broadcast %shift_right_logical3A_238 : i32 to vector<16xi32>
      %shift_right_logical3A_240 = arith.shrui %get3A_228, %shift_right_logical3A_239 : vector<16xi32>
      %swap3A_241 = arith.constant 0 : i32
      %swap3A_242 = arith.index_cast %swap3A_241 : i32 to index
      %swap3A_243 = arith.constant 112 : index
      %swap3A_244 = tpu.vector_load %arg8[%swap3A_242, %swap3A_243] {strides = array<i32>} : memref<1x128xi32, #tpu.memory_space<vmem>>, vector<1x16xi32>,
      %swap3A_245 = vector.shape_cast %swap3A_244 : vector<1x16xi32> to vector<16xi32>
      %swap3A_246 = vector.shape_cast %shift_right_logical3A_240 : vector<16xi32> to vector<1x16xi32>
      tpu.vector_store %arg8[%swap3A_242, %swap3A_243], %swap3A_246 {strides = array<i32>} : memref<1x128xi32, #tpu.memory_space<vmem>>, vector<1x16xi32>,
      %run_scoped3A_247 = arith.constant 0 : i32
      "tpu.region"() ({
        %run_scoped3A_255 = tpu.sem_alloc : memref<!tpu.dma_semaphore, #tpu.memory_space<semaphore_mem>>
        %dma_start3A_256 = arith.constant 0 : i32
        %dma_start3A_257 = tpu.memref_slice %arg8[%run_scoped3A_247, %dma_start3A_256] : memref<1x128xi32, #tpu.memory_space<vmem>> -> memref<1x128xi32, #tpu.memory_space<vmem>>
        %dma_start3A_258 = tpu.memref_squeeze %dma_start3A_257 : memref<1x128xi32, #tpu.memory_space<vmem>> -> memref<128xi32, #tpu.memory_space<vmem>>
        %dma_start3A_259 = arith.constant 0 : i32
        %dma_start3A_260 = arith.constant 0 : i32
        %dma_start3A_261 = tpu.memref_slice %arg11[%dma_start3A_259, %dma_start3A_260] : memref<10016x128xf32, #tpu.memory_space<vmem_shared>> -> memref<10016x128xf32, #tpu.memory_space<vmem_shared>>
        tpu.enqueue_indirect_dma source(%arg10 : memref<128x128xf32, #tpu.memory_space<vmem>>) target(%dma_start3A_261 : memref<10016x128xf32, #tpu.memory_space<vmem_shared>>) offsets(%dma_start3A_258 : memref<128xi32, #tpu.memory_space<vmem>>) semaphore(%run_scoped3A_255 : memref<!tpu.dma_semaphore, #tpu.memory_space<semaphore_mem>>) {add = true}
        %dma_wait3A_262 = arith.constant 0 : i32
        %dma_wait3A_263 = tpu.memref_slice %arg8[%run_scoped3A_247, %dma_wait3A_262] : memref<1x128xi32, #tpu.memory_space<vmem>> -> memref<1x128xi32, #tpu.memory_space<vmem>>
        %dma_wait3A_264 = tpu.memref_squeeze %dma_wait3A_263 : memref<1x128xi32, #tpu.memory_space<vmem>> -> memref<128xi32, #tpu.memory_space<vmem>>
        %dma_wait3A_265 = arith.constant 0 : i32
        %dma_wait3A_266 = arith.constant 0 : i32
        %dma_wait3A_267 = tpu.memref_slice %arg11[%dma_wait3A_265, %dma_wait3A_266] : memref<10016x128xf32, #tpu.memory_space<vmem_shared>> -> memref<10016x128xf32, #tpu.memory_space<vmem_shared>>
        tpu.wait_indirect_dma semaphore(%run_scoped3A_255 : memref<!tpu.dma_semaphore, #tpu.memory_space<semaphore_mem>>) src(%arg10 : memref<128x128xf32, #tpu.memory_space<vmem>>) dst(%dma_wait3A_267 : memref<10016x128xf32, #tpu.memory_space<vmem_shared>>)
        tpu.yield
      }) : () -> ()
      %add3A_248 = arith.constant 3 : i32
      %add3A_249 = arith.addi %mul3A_55, %add3A_248 : i32
      %lt3A_250 = arith.constant 80 : i32
      %lt3A_251 = arith.cmpi slt, %add3A_249, %lt3A_250 : i32
      %convert_element_type3A_252 = arith.extui %lt3A_251 : i1 to i32
      %cond3A_253 = arith.constant 0 : i32
      %cond3A_254 = arith.cmpi ne, %convert_element_type3A_252, %cond3A_253 : i32
      scf.if %cond3A_254 {
        %add3A_255 = arith.constant 3 : i32
        %add3A_256 = arith.addi %mul3A_55, %add3A_255 : i32
        %dma_start3A_257 = arith.constant 0 : i32
        %dma_start3A_258 = tpu.memref_slice %arg6[%add3A_256, %dma_start3A_257] : memref<80x128xi32, #tpu.memory_space<vmem>> -> memref<1x128xi32, #tpu.memory_space<vmem>>
        %dma_start3A_259 = tpu.memref_squeeze %dma_start3A_258 : memref<1x128xi32, #tpu.memory_space<vmem>> -> memref<128xi32, #tpu.memory_space<vmem>>
        %dma_start3A_260 = arith.constant 0 : i32
        %dma_start3A_261 = arith.constant 0 : i32
        %dma_start3A_262 = tpu.memref_slice %arg2[%dma_start3A_260, %dma_start3A_261] : memref<10000x128xf32, #tpu.memory_space<hbm>> -> memref<10000x128xf32, #tpu.memory_space<hbm>>
        tpu.enqueue_indirect_dma source(%dma_start3A_262 : memref<10000x128xf32, #tpu.memory_space<hbm>>) target(%arg10 : memref<128x128xf32, #tpu.memory_space<vmem>>) offsets(%dma_start3A_259 : memref<128xi32, #tpu.memory_space<vmem>>) semaphore(%arg13 : memref<!tpu.dma_semaphore, #tpu.memory_space<semaphore_mem>>)
      } else {
      }
    }
    %scan3A_45 = arith.constant 40 : i32
    %barrier3A_46 = arith.constant 0 : index
    tpu.barrier barrier_id(%barrier3A_46)
    %mul3A_47 = arith.constant 624 : i32
    %mul3A_48 = arith.muli %arg1, %mul3A_47 : i32
    %mul3A_49 = arith.constant 624 : i32
    %mul3A_50 = arith.muli %arg1, %mul3A_49 : i32
    "tpu.region"() ({
      %run_scoped3A = tpu.sem_alloc : memref<!tpu.dma_semaphore, #tpu.memory_space<semaphore_mem>>
      %dma_start3A_53 = arith.constant 0 : i32
      %dma_start3A_54 = tpu.memref_slice %arg5[%arg0, %mul3A_50, %dma_start3A_53] : memref<2x10000x128xf32, #tpu.memory_space<hbm>> -> memref<1x624x128xf32, #tpu.memory_space<hbm>>
      %dma_start3A_55 = tpu.memref_squeeze %dma_start3A_54 : memref<1x624x128xf32, #tpu.memory_space<hbm>> -> memref<624x128xf32, #tpu.memory_space<hbm>>
      %dma_start3A_56 = arith.constant 0 : i32
      %dma_start3A_57 = tpu.memref_slice %arg11[%mul3A_48, %dma_start3A_56] : memref<10016x128xf32, #tpu.memory_space<vmem_shared>> -> memref<624x128xf32, #tpu.memory_space<vmem_shared>>
      tpu.enqueue_dma source(%dma_start3A_57 : memref<624x128xf32, #tpu.memory_space<vmem_shared>>) target(%dma_start3A_55 : memref<624x128xf32, #tpu.memory_space<hbm>>) target_semaphore(%run_scoped3A : memref<!tpu.dma_semaphore, #tpu.memory_space<semaphore_mem>>)
      %dma_wait3A = arith.constant 0 : i32
      %dma_wait3A_58 = tpu.memref_slice %arg5[%arg0, %mul3A_50, %dma_wait3A] : memref<2x10000x128xf32, #tpu.memory_space<hbm>> -> memref<1x624x128xf32, #tpu.memory_space<hbm>>
      %dma_wait3A_59 = tpu.memref_squeeze %dma_wait3A_58 : memref<1x624x128xf32, #tpu.memory_space<hbm>> -> memref<624x128xf32, #tpu.memory_space<hbm>>
      %dma_wait3A_60 = arith.constant 0 : i32
      %dma_wait3A_61 = tpu.memref_slice %arg11[%mul3A_48, %dma_wait3A_60] : memref<10016x128xf32, #tpu.memory_space<vmem_shared>> -> memref<624x128xf32, #tpu.memory_space<vmem_shared>>
      tpu.wait_dma2 semaphore(%run_scoped3A : memref<!tpu.dma_semaphore, #tpu.memory_space<semaphore_mem>>) src(%dma_wait3A_61 : memref<624x128xf32, #tpu.memory_space<vmem_shared>>) dst(%dma_wait3A_59 : memref<624x128xf32, #tpu.memory_space<hbm>>)
      tpu.yield
    }) : () -> ()
    %eq3A = arith.constant 0 : i32
    %eq3A_51 = arith.cmpi eq, %arg1, %eq3A : i32
    %convert_element_type3A = arith.extui %eq3A_51 : i1 to i32
    %cond3A = arith.constant 0 : i32
    %cond3A_52 = arith.cmpi ne, %convert_element_type3A, %cond3A : i32
    scf.if %cond3A_52 {
      "tpu.region"() ({
        %run_scoped3A = tpu.sem_alloc : memref<!tpu.dma_semaphore, #tpu.memory_space<semaphore_mem>>
        %dma_start3A_53 = arith.constant 9984 : i32
        %dma_start3A_54 = arith.constant 0 : i32
        %dma_start3A_55 = tpu.memref_slice %arg5[%arg0, %dma_start3A_53, %dma_start3A_54] : memref<2x10000x128xf32, #tpu.memory_space<hbm>> -> memref<1x16x128xf32, #tpu.memory_space<hbm>>
        %dma_start3A_56 = tpu.memref_squeeze %dma_start3A_55 : memref<1x16x128xf32, #tpu.memory_space<hbm>> -> memref<16x128xf32, #tpu.memory_space<hbm>>
        %dma_start3A_57 = arith.constant 9984 : i32
        %dma_start3A_58 = arith.constant 0 : i32
        %dma_start3A_59 = tpu.memref_slice %arg11[%dma_start3A_57, %dma_start3A_58] : memref<10016x128xf32, #tpu.memory_space<vmem_shared>> -> memref<16x128xf32, #tpu.memory_space<vmem_shared>>
        tpu.enqueue_dma source(%dma_start3A_59 : memref<16x128xf32, #tpu.memory_space<vmem_shared>>) target(%dma_start3A_56 : memref<16x128xf32, #tpu.memory_space<hbm>>) target_semaphore(%run_scoped3A : memref<!tpu.dma_semaphore, #tpu.memory_space<semaphore_mem>>)
        %dma_wait3A = arith.constant 9984 : i32
        %dma_wait3A_60 = arith.constant 0 : i32
        %dma_wait3A_61 = tpu.memref_slice %arg5[%arg0, %dma_wait3A, %dma_wait3A_60] : memref<2x10000x128xf32, #tpu.memory_space<hbm>> -> memref<1x16x128xf32, #tpu.memory_space<hbm>>
        %dma_wait3A_62 = tpu.memref_squeeze %dma_wait3A_61 : memref<1x16x128xf32, #tpu.memory_space<hbm>> -> memref<16x128xf32, #tpu.memory_space<hbm>>
        %dma_wait3A_63 = arith.constant 9984 : i32
        %dma_wait3A_64 = arith.constant 0 : i32
        %dma_wait3A_65 = tpu.memref_slice %arg11[%dma_wait3A_63, %dma_wait3A_64] : memref<10016x128xf32, #tpu.memory_space<vmem_shared>> -> memref<16x128xf32, #tpu.memory_space<vmem_shared>>
        tpu.wait_dma2 semaphore(%run_scoped3A : memref<!tpu.dma_semaphore, #tpu.memory_space<semaphore_mem>>) src(%dma_wait3A_65 : memref<16x128xf32, #tpu.memory_space<vmem_shared>>) dst(%dma_wait3A_62 : memref<16x128xf32, #tpu.memory_space<hbm>>)
        tpu.yield
      }) : () -> ()
    } else {
    }
    return
  }
}

module attributes {stable_mosaic.version = 14 : i64} {
  func.func @body(%arg0: i32, %arg1: memref<2000x128xf32, #tpu.memory_space<vmem>>, %arg2: memref<2x2000x128xf32, #tpu.memory_space<vmem>>, %arg3: memref<2x2000x128xf32, #tpu.memory_space<vmem>>, %arg4: memref<128x128xf32, #tpu.memory_space<vmem>>, %arg5: memref<128x128xf32, #tpu.memory_space<vmem>>, %arg6: memref<1x128xf32, #tpu.memory_space<vmem>>, %arg7: memref<2000x128xf32, #tpu.memory_space<vmem>>) attributes {dimension_semantics = [#tpu.dimension_semantics<arbitrary>], iteration_bounds = array<i64: 5>, scalar_prefetch = 0 : i64, scratch_operands = 0 : i64, tpu.core_type = #tpu.core_type<tc>, window_params = [{transform_indices = @transform_0, window_bounds = array<i64: 2000, 128>}, {transform_indices = @transform_1, window_bounds = array<i64: 2, 2000, 128>}, {transform_indices = @transform_2, window_bounds = array<i64: 2, 2000, 128>}, {pipeline_mode = #tpu.pipeline_mode<synchronous>, transform_indices = @transform_3, window_bounds = array<i64: 128, 128>}, {pipeline_mode = #tpu.pipeline_mode<synchronous>, transform_indices = @transform_4, window_bounds = array<i64: 128, 128>}, {pipeline_mode = #tpu.pipeline_mode<synchronous>, transform_indices = @transform_5, window_bounds = array<i64: 1, 128>}, {transform_indices = @transform_6, window_bounds = array<i64: 2000, 128>}]} {
    %get3A = arith.constant 0 : index
    %get3A_0 = arith.constant 0 : index
    %get3A_1 = arith.constant 0 : index
    %get3A_2 = vector.load %arg3[%get3A, %get3A_0, %get3A_1] : memref<2x2000x128xf32, #tpu.memory_space<vmem>>, vector<1x2000x1xf32>
    %get3A_3 = vector.shape_cast %get3A_2 : vector<1x2000x1xf32> to vector<2000x1xf32>
    %get3A_4 = arith.constant 1 : index
    %get3A_5 = arith.constant 0 : index
    %get3A_6 = arith.constant 0 : index
    %get3A_7 = vector.load %arg3[%get3A_4, %get3A_5, %get3A_6] : memref<2x2000x128xf32, #tpu.memory_space<vmem>>, vector<1x2000x1xf32>
    %get3A_8 = vector.shape_cast %get3A_7 : vector<1x2000x1xf32> to vector<2000x1xf32>
    %add3A = arith.addf %get3A_3, %get3A_8 : vector<2000x1xf32>
    %max3A = arith.constant 1.000000e+00 : f32
    %max3A_9 = vector.broadcast %max3A : f32 to vector<2000x1xf32>
    %max3A_10 = arith.maximumf %add3A, %max3A_9 : vector<2000x1xf32>
    %get3A_11 = arith.constant 0 : index
    %get3A_12 = arith.constant 0 : index
    %get3A_13 = arith.constant 0 : index
    %get3A_14 = vector.load %arg2[%get3A_11, %get3A_12, %get3A_13] : memref<2x2000x128xf32, #tpu.memory_space<vmem>>, vector<1x2000x128xf32>
    %get3A_15 = vector.shape_cast %get3A_14 : vector<1x2000x128xf32> to vector<2000x128xf32>
    %get3A_16 = arith.constant 1 : index
    %get3A_17 = arith.constant 0 : index
    %get3A_18 = arith.constant 0 : index
    %get3A_19 = vector.load %arg2[%get3A_16, %get3A_17, %get3A_18] : memref<2x2000x128xf32, #tpu.memory_space<vmem>>, vector<1x2000x128xf32>
    %get3A_20 = vector.shape_cast %get3A_19 : vector<1x2000x128xf32> to vector<2000x128xf32>
    %add3A_21 = arith.addf %get3A_15, %get3A_20 : vector<2000x128xf32>
    %div3A = vector.broadcast %max3A_10 : vector<2000x1xf32> to vector<2000x128xf32>
    %div3A_22 = arith.divf %add3A_21, %div3A : vector<2000x128xf32>
    %get3A_23 = arith.constant 0 : index
    %get3A_24 = arith.constant 0 : index
    %get3A_25 = vector.load %arg1[%get3A_23, %get3A_24] : memref<2000x128xf32, #tpu.memory_space<vmem>>, vector<2000x128xf32>
    %get3A_26 = arith.constant 0 : index
    %get3A_27 = arith.constant 0 : index
    %get3A_28 = vector.load %arg4[%get3A_26, %get3A_27] : memref<128x128xf32, #tpu.memory_space<vmem>>, vector<128x128xf32>
    %dot_general3A = arith.constant dense<0.000000e+00> : vector<2000x128xf32>
    %dot_general3A_29 = tpu.matmul %get3A_25, %get3A_28, %dot_general3A {dimension_numbers = #tpu.dot_dimension_numbers<[1], [0], [0], [1], [0, 0, 1, 1], [], []>, transpose_lhs_hint = false} : vector<2000x128xf32>, vector<128x128xf32>, vector<2000x128xf32> -> vector<2000x128xf32>
    %get3A_30 = arith.constant 0 : index
    %get3A_31 = arith.constant 0 : index
    %get3A_32 = vector.load %arg5[%get3A_30, %get3A_31] : memref<128x128xf32, #tpu.memory_space<vmem>>, vector<128x128xf32>
    %dot_general3A_33 = arith.constant dense<0.000000e+00> : vector<2000x128xf32>
    %dot_general3A_34 = tpu.matmul %div3A_22, %get3A_32, %dot_general3A_33 {dimension_numbers = #tpu.dot_dimension_numbers<[1], [0], [0], [1], [0, 0, 1, 1], [], []>, transpose_lhs_hint = false} : vector<2000x128xf32>, vector<128x128xf32>, vector<2000x128xf32> -> vector<2000x128xf32>
    %add3A_35 = arith.addf %dot_general3A_29, %dot_general3A_34 : vector<2000x128xf32>
    %get3A_36 = arith.constant 0 : index
    %get3A_37 = arith.constant 0 : index
    %get3A_38 = vector.load %arg6[%get3A_36, %get3A_37] : memref<1x128xf32, #tpu.memory_space<vmem>>, vector<1x128xf32>
    %add3A_39 = vector.broadcast %get3A_38 : vector<1x128xf32> to vector<2000x128xf32>
    %add3A_40 = arith.addf %add3A_35, %add3A_39 : vector<2000x128xf32>
    %max3A_41 = arith.constant 0.000000e+00 : f32
    %max3A_42 = vector.broadcast %max3A_41 : f32 to vector<2000x128xf32>
    %max3A_43 = arith.maximumf %add3A_40, %max3A_42 : vector<2000x128xf32>
    %swap3A = arith.constant 0 : index
    %swap3A_44 = arith.constant 0 : index
    %swap3A_45 = vector.load %arg7[%swap3A, %swap3A_44] : memref<2000x128xf32, #tpu.memory_space<vmem>>, vector<2000x128xf32>
    tpu.vector_store %arg7[%swap3A, %swap3A_44], %max3A_43 {strides = array<i32>} : memref<2000x128xf32, #tpu.memory_space<vmem>>, vector<2000x128xf32>,
    return
  }
  func.func @transform_0(%arg0: i32) -> (i32, i32) {
    %c0_i32 = arith.constant 0 : i32
    %c0_i32_0 = arith.constant 0 : i32
    return %arg0, %c0_i32 : i32, i32
  }
  func.func @transform_1(%arg0: i32) -> (i32, i32, i32) {
    %c0_i32 = arith.constant 0 : i32
    %c0_i32_0 = arith.constant 0 : i32
    %c0_i32_1 = arith.constant 0 : i32
    return %c0_i32, %arg0, %c0_i32_0 : i32, i32, i32
  }
  func.func @transform_2(%arg0: i32) -> (i32, i32, i32) {
    %c0_i32 = arith.constant 0 : i32
    %c0_i32_0 = arith.constant 0 : i32
    %c0_i32_1 = arith.constant 0 : i32
    return %c0_i32, %arg0, %c0_i32_0 : i32, i32, i32
  }
  func.func @transform_3(%arg0: i32) -> (i32, i32) {
    %c0_i32 = arith.constant 0 : i32
    %c0_i32_0 = arith.constant 0 : i32
    %c0_i32_1 = arith.constant 0 : i32
    return %c0_i32, %c0_i32_0 : i32, i32
  }
  func.func @transform_4(%arg0: i32) -> (i32, i32) {
    %c0_i32 = arith.constant 0 : i32
    %c0_i32_0 = arith.constant 0 : i32
    %c0_i32_1 = arith.constant 0 : i32
    return %c0_i32, %c0_i32_0 : i32, i32
  }
  func.func @transform_5(%arg0: i32) -> (i32, i32) {
    %c0_i32 = arith.constant 0 : i32
    %c0_i32_0 = arith.constant 0 : i32
    %c0_i32_1 = arith.constant 0 : i32
    return %c0_i32, %c0_i32_0 : i32, i32
  }
  func.func @transform_6(%arg0: i32) -> (i32, i32) {
    %c0_i32 = arith.constant 0 : i32
    %c0_i32_0 = arith.constant 0 : i32
    return %arg0, %c0_i32 : i32, i32
  }
}

module attributes {stable_mosaic.version = 14 : i64} {
  func.func @body(%arg0: i32, %arg1: memref<2000x128xf32, #tpu.memory_space<vmem>>, %arg2: memref<2x2000x128xf32, #tpu.memory_space<vmem>>, %arg3: memref<2x2000x128xf32, #tpu.memory_space<vmem>>, %arg4: memref<128x128xf32, #tpu.memory_space<vmem>>, %arg5: memref<128x128xf32, #tpu.memory_space<vmem>>, %arg6: memref<1x128xf32, #tpu.memory_space<vmem>>, %arg7: memref<2000x128xf32, #tpu.memory_space<vmem>>) attributes {dimension_semantics = [#tpu.dimension_semantics<arbitrary>], iteration_bounds = array<i64: 5>, scalar_prefetch = 0 : i64, scratch_operands = 0 : i64, tpu.core_type = #tpu.core_type<tc>, window_params = [{transform_indices = @transform_0, window_bounds = array<i64: 2000, 128>}, {transform_indices = @transform_1, window_bounds = array<i64: 2, 2000, 128>}, {transform_indices = @transform_2, window_bounds = array<i64: 2, 2000, 128>}, {pipeline_mode = #tpu.pipeline_mode<synchronous>, transform_indices = @transform_3, window_bounds = array<i64: 128, 128>}, {pipeline_mode = #tpu.pipeline_mode<synchronous>, transform_indices = @transform_4, window_bounds = array<i64: 128, 128>}, {pipeline_mode = #tpu.pipeline_mode<synchronous>, transform_indices = @transform_5, window_bounds = array<i64: 1, 128>}, {transform_indices = @transform_6, window_bounds = array<i64: 2000, 128>}]} {
    %get3A = arith.constant 0 : index
    %get3A_0 = arith.constant 0 : index
    %get3A_1 = arith.constant 0 : index
    %get3A_2 = vector.load %arg3[%get3A, %get3A_0, %get3A_1] : memref<2x2000x128xf32, #tpu.memory_space<vmem>>, vector<1x2000x1xf32>
    %get3A_3 = vector.shape_cast %get3A_2 : vector<1x2000x1xf32> to vector<2000x1xf32>
    %get3A_4 = arith.constant 1 : index
    %get3A_5 = arith.constant 0 : index
    %get3A_6 = arith.constant 0 : index
    %get3A_7 = vector.load %arg3[%get3A_4, %get3A_5, %get3A_6] : memref<2x2000x128xf32, #tpu.memory_space<vmem>>, vector<1x2000x1xf32>
    %get3A_8 = vector.shape_cast %get3A_7 : vector<1x2000x1xf32> to vector<2000x1xf32>
    %add3A = arith.addf %get3A_3, %get3A_8 : vector<2000x1xf32>
    %max3A = arith.constant 1.000000e+00 : f32
    %max3A_9 = vector.broadcast %max3A : f32 to vector<2000x1xf32>
    %max3A_10 = arith.maximumf %add3A, %max3A_9 : vector<2000x1xf32>
    %get3A_11 = arith.constant 0 : index
    %get3A_12 = arith.constant 0 : index
    %get3A_13 = arith.constant 0 : index
    %get3A_14 = vector.load %arg2[%get3A_11, %get3A_12, %get3A_13] : memref<2x2000x128xf32, #tpu.memory_space<vmem>>, vector<1x2000x128xf32>
    %get3A_15 = vector.shape_cast %get3A_14 : vector<1x2000x128xf32> to vector<2000x128xf32>
    %get3A_16 = arith.constant 1 : index
    %get3A_17 = arith.constant 0 : index
    %get3A_18 = arith.constant 0 : index
    %get3A_19 = vector.load %arg2[%get3A_16, %get3A_17, %get3A_18] : memref<2x2000x128xf32, #tpu.memory_space<vmem>>, vector<1x2000x128xf32>
    %get3A_20 = vector.shape_cast %get3A_19 : vector<1x2000x128xf32> to vector<2000x128xf32>
    %add3A_21 = arith.addf %get3A_15, %get3A_20 : vector<2000x128xf32>
    %div3A = vector.broadcast %max3A_10 : vector<2000x1xf32> to vector<2000x128xf32>
    %div3A_22 = arith.divf %add3A_21, %div3A : vector<2000x128xf32>
    %get3A_23 = arith.constant 0 : index
    %get3A_24 = arith.constant 0 : index
    %get3A_25 = vector.load %arg1[%get3A_23, %get3A_24] : memref<2000x128xf32, #tpu.memory_space<vmem>>, vector<2000x128xf32>
    %get3A_26 = arith.constant 0 : index
    %get3A_27 = arith.constant 0 : index
    %get3A_28 = vector.load %arg4[%get3A_26, %get3A_27] : memref<128x128xf32, #tpu.memory_space<vmem>>, vector<128x128xf32>
    %dot_general3A = arith.constant dense<0.000000e+00> : vector<2000x128xf32>
    %dot_general3A_29 = tpu.matmul %get3A_25, %get3A_28, %dot_general3A {dimension_numbers = #tpu.dot_dimension_numbers<[1], [0], [0], [1], [0, 0, 1, 1], [], []>, transpose_lhs_hint = false} : vector<2000x128xf32>, vector<128x128xf32>, vector<2000x128xf32> -> vector<2000x128xf32>
    %get3A_30 = arith.constant 0 : index
    %get3A_31 = arith.constant 0 : index
    %get3A_32 = vector.load %arg5[%get3A_30, %get3A_31] : memref<128x128xf32, #tpu.memory_space<vmem>>, vector<128x128xf32>
    %dot_general3A_33 = arith.constant dense<0.000000e+00> : vector<2000x128xf32>
    %dot_general3A_34 = tpu.matmul %div3A_22, %get3A_32, %dot_general3A_33 {dimension_numbers = #tpu.dot_dimension_numbers<[1], [0], [0], [1], [0, 0, 1, 1], [], []>, transpose_lhs_hint = false} : vector<2000x128xf32>, vector<128x128xf32>, vector<2000x128xf32> -> vector<2000x128xf32>
    %add3A_35 = arith.addf %dot_general3A_29, %dot_general3A_34 : vector<2000x128xf32>
    %get3A_36 = arith.constant 0 : index
    %get3A_37 = arith.constant 0 : index
    %get3A_38 = vector.load %arg6[%get3A_36, %get3A_37] : memref<1x128xf32, #tpu.memory_space<vmem>>, vector<1x128xf32>
    %add3A_39 = vector.broadcast %get3A_38 : vector<1x128xf32> to vector<2000x128xf32>
    %add3A_40 = arith.addf %add3A_35, %add3A_39 : vector<2000x128xf32>
    %swap3A = arith.constant 0 : index
    %swap3A_41 = arith.constant 0 : index
    %swap3A_42 = vector.load %arg7[%swap3A, %swap3A_41] : memref<2000x128xf32, #tpu.memory_space<vmem>>, vector<2000x128xf32>
    tpu.vector_store %arg7[%swap3A, %swap3A_41], %add3A_40 {strides = array<i32>} : memref<2000x128xf32, #tpu.memory_space<vmem>>, vector<2000x128xf32>,
    return
  }
  func.func @transform_0(%arg0: i32) -> (i32, i32) {
    %c0_i32 = arith.constant 0 : i32
    %c0_i32_0 = arith.constant 0 : i32
    return %arg0, %c0_i32 : i32, i32
  }
  func.func @transform_1(%arg0: i32) -> (i32, i32, i32) {
    %c0_i32 = arith.constant 0 : i32
    %c0_i32_0 = arith.constant 0 : i32
    %c0_i32_1 = arith.constant 0 : i32
    return %c0_i32, %arg0, %c0_i32_0 : i32, i32, i32
  }
  func.func @transform_2(%arg0: i32) -> (i32, i32, i32) {
    %c0_i32 = arith.constant 0 : i32
    %c0_i32_0 = arith.constant 0 : i32
    %c0_i32_1 = arith.constant 0 : i32
    return %c0_i32, %arg0, %c0_i32_0 : i32, i32, i32
  }
  func.func @transform_3(%arg0: i32) -> (i32, i32) {
    %c0_i32 = arith.constant 0 : i32
    %c0_i32_0 = arith.constant 0 : i32
    %c0_i32_1 = arith.constant 0 : i32
    return %c0_i32, %c0_i32_0 : i32, i32
  }
  func.func @transform_4(%arg0: i32) -> (i32, i32) {
    %c0_i32 = arith.constant 0 : i32
    %c0_i32_0 = arith.constant 0 : i32
    %c0_i32_1 = arith.constant 0 : i32
    return %c0_i32, %c0_i32_0 : i32, i32
  }
  func.func @transform_5(%arg0: i32) -> (i32, i32) {
    %c0_i32 = arith.constant 0 : i32
    %c0_i32_0 = arith.constant 0 : i32
    %c0_i32_1 = arith.constant 0 : i32
    return %c0_i32, %c0_i32_0 : i32, i32
  }
  func.func @transform_6(%arg0: i32) -> (i32, i32) {
    %c0_i32 = arith.constant 0 : i32
    %c0_i32_0 = arith.constant 0 : i32
    return %arg0, %c0_i32 : i32, i32
  }
}

</mosaic_0001>

<sc_bundles>
// kernel: kernel.10.cloned.1.call-start
scs
__scs_entry_jumppad:
0x0: {  	(pc) =	sbr.rel $0x88, $3  }
0x1: {  	(tag) =	ssettag $0x0;
	lr =	simm.s32 $0x1  }
0x2: {  	[smem:$0x3F99] =	sst lr;
	_ =	strace $0xD0000000  }
0x3: {  	_ = 	snop  }
0x4: {  	_ = 	snop  }
0x5: {  	_ = 	snop  }
0x6: {  	_ = 	snop  }
0x7: {  	_ = 	snop  }
__scs_overlays_trampoline_lowered:
0x8: {  	[smem:$0x3FA8] =	sst s0  }
0x9: {  	[smem:$0x3FA9] =	sst s1  }
0xa: {  	[smem:$0x3FAA] =	sst s2  }
0xb: {  	[smem:$0x3FAB] =	sst s3  }
0xc: {  	[smem:$0x3FAC] =	sst s4  }
0xd: {  	[smem:$0x3FAD] =	sst s5  }
0xe: {  	[smem:$0x3FAE] =	sst s6  }
0xf: {  	[smem:$0x3FAF] =	sst s7  }
0x10: {  	[smem:$0x3FB0] =	sst s8  }
0x11: {  	[smem:$0x3FB1] =	sst s9;
	s0 =	simm.s32 @!p0 $0x0  }
0x12: {  	s1 =	sld [smem:$0x3F97];
	s0 =	simm.s32 @p0 $0x1  }
0x13: {  	[smem:$0x3FB2] =	sst s0;
	s0 =	simm.s32 @!p1 $0x0  }
0x14: {  	s2 =	sld [smem:$0x3F96];
	s0 =	simm.s32 @p1 $0x1  }
0x15: {  	[smem:$0x3FB3] =	sst s0;
	s0 =	simm.s32 @!p2 $0x0  }
0x16: {  	s3 =	sld [smem:$0x3FDB];
	s0 =	simm.s32 @p2 $0x1  }
0x17: {  	s4 =	simm.s32 $0x1BF5;
	[smem:$0x3FB5] =	sst s0  }
0x18: {  	s0 =	sld [smem:$0x3F98];
	_ =	swait.ge [sflag:s4], $0x0  }
0x19: {  	s7 =	sld [smem:$0x3F99]  }
0x1a: {  	s8 =	sadd.s32 $0xFFFFE003, lr  }
0x1b: {  	s9 =	sadd.s32 $0xFFFFFEF7, lr;
	s5 =	simm.s32 $0xFFFFFFFF;
	p2 =	slt.u32 s8, $0xFFFFF086  }
0x1c: {  	p1 =	slt.u32 s9, $0xF7A;
	s5 =	simm.s32 @!p2 $0x0  }
0x1d: {  	s5 =	simm.s32 @p1 $0x1;
	p0 =	seq.s32 s7, s2  }
0x1e: {  	s7 =	smul.u32 @!p0 $0xF7A, s2;
	p2 =	seq.s32 @!p0 s5, $0x0  }
0x1f: {  	s9 =	smul.u32 $0xF7A, s1;
	s8 =	simm.s32 @!p0 $0x1BF5;
	p2 =	por !p2, p0  }
0x20: {  	[sflag:s8] =	ssyncset.s32 @!p0 $0xFFFFF086;
	s6 =	sadd.s32 @!p0 s3, s7;
	s7 =	simm.s32 @!p0 $0x108  }
0x21: {  	s3 =	sadd.s32 s3, s9;
	s6 =	sadd.s32 @!p0 $0x88, s6;
	s7 =	simm.s32 @p2 $0x1082  }
0x22: {  	[simem:s7], [sflag:s8] =	dma.local @!p0 [hbm:s6], $0xF7A  }
0x23: {  	s9 =	sor.u32 $0xD0000000, s2;
	s6 =	simm.s32 $0x108;
	_ =	swait.ge @!p0 [sflag:s8], $0x0  }
0x24: {  	s3 =	sadd.s32 $0x88, s3;
	s6 =	simm.s32 @!p1 $0x1082;
	[sflag:s4] =	ssyncset.s32 $0xFFFFF086  }
0x25: {  	[simem:s6], [sflag:s4] =	dma.local [hbm:s3], $0xF7A  }
0x26: {  	[smem:$0x3F99] =	sst s1;
	(tag) =	ssettag s2;
	_ =	strace s9  }
0x27: {  	s1 =	sld [smem:$0x3FA9]  }
0x28: {  	s2 =	sld [smem:$0x3FAA]  }
0x29: {  	s4 =	sld [smem:$0x3FAC]  }
0x2a: {  	p0 =	seq.s32 s5, $0x0;
	s5 =	sld [smem:$0x3FAD]  }
0x2b: {  	s6 =	sld [smem:$0x3FAE]  }
0x2c: {  	s7 =	sld [smem:$0x3FAF]  }
0x2d: {  	s3 =	simm.s32 $0x108;
	s8 =	sld [smem:$0x3FB0]  }
0x2e: {  	s3 =	simm.s32 @!p0 $0x1082;
	s9 =	sld [smem:$0x3FB1]  }
0x2f: {  	lr =	sadd.s32 s0, s3;
	s0 =	sld [smem:$0x3FA8]  }
0x30: {  	s3 =	sld [smem:$0x3FAB]  }
0x31: {  	[smem:$0x3FB4] =	sst s10  }
0x32: {  	s10 =	sld [smem:$0x3FB2];
	_ =	sdelay $0x3  }
0x33: {  	p0 =	seq.s32 s10, $0x1;
	s10 =	sld [smem:$0x3FB4];
	_ =	sdelay $0x3  }
0x34: {  	[smem:$0x3FB4] =	sst s10  }
0x35: {  	s10 =	sld [smem:$0x3FB3];
	_ =	sdelay $0x3  }
0x36: {  	p1 =	seq.s32 s10, $0x1;
	s10 =	sld [smem:$0x3FB4];
	_ =	sdelay $0x3  }
0x37: {  	[smem:$0x3FB4] =	sst s10  }
0x38: {  	s10 =	sld [smem:$0x3FB5]  }
0x39: {  	_ = 	snop;
	(pc) =	sbr.ind lr, $3  }
0x3a: {  	_ = 	snop  }
0x3b: {  	_ = 	snop  }
0x3c: {  	p2 =	seq.s32 s10, $0x1;
	s10 =	sld [smem:$0x3FB4]  }
0x3d: {  	_ =	shalt  }
0x3e: {  	_ =	shalt  }
0x3f: {  	_ =	shalt  }
0x40: {  	_ =	shalt  }
0x41: {  	_ =	shalt  }
0x42: {  	_ =	shalt  }
0x43: {  	_ =	shalt  }
0x44: {  	_ =	shalt  }
0x45: {  	_ =	shalt  }
0x46: {  	_ =	shalt  }
0x47: {  	_ =	shalt  }
0x48: {  	_ =	shalt  }
0x49: {  	_ =	shalt  }
0x4a: {  	_ =	shalt  }
0x4b: {  	_ =	shalt  }
0x4c: {  	_ =	shalt  }
0x4d: {  	_ =	shalt  }
0x4e: {  	_ =	shalt  }
0x4f: {  	_ =	shalt  }
0x50: {  	_ =	shalt  }
0x51: {  	_ =	shalt  }
0x52: {  	_ =	shalt  }
0x53: {  	_ =	shalt  }
0x54: {  	_ =	shalt  }
0x55: {  	_ =	shalt  }
0x56: {  	_ =	shalt  }
0x57: {  	_ =	shalt  }
0x58: {  	_ =	shalt  }
0x59: {  	_ =	shalt  }
0x5a: {  	_ =	shalt  }
0x5b: {  	_ =	shalt  }
0x5c: {  	_ =	shalt  }
0x5d: {  	_ =	shalt  }
0x5e: {  	_ =	shalt  }
0x5f: {  	_ =	shalt  }
0x60: {  	_ =	shalt  }
0x61: {  	_ =	shalt  }
0x62: {  	_ =	shalt  }
0x63: {  	_ =	shalt  }
0x64: {  	_ =	shalt  }
0x65: {  	_ =	shalt  }
0x66: {  	_ =	shalt  }
0x67: {  	_ =	shalt  }
0x68: {  	_ =	shalt  }
0x69: {  	_ =	shalt  }
0x6a: {  	_ =	shalt  }
0x6b: {  	_ =	shalt  }
0x6c: {  	_ =	shalt  }
0x6d: {  	_ =	shalt  }
0x6e: {  	_ =	shalt  }
0x6f: {  	_ =	shalt  }
0x70: {  	_ =	shalt  }
0x71: {  	_ =	shalt  }
0x72: {  	_ =	shalt  }
0x73: {  	_ =	shalt  }
0x74: {  	_ =	shalt  }
0x75: {  	_ =	shalt  }
0x76: {  	_ =	shalt  }
0x77: {  	_ =	shalt  }
0x78: {  	_ =	shalt  }
0x79: {  	_ =	shalt  }
0x7a: {  	_ =	shalt  }
0x7b: {  	_ =	shalt  }
0x7c: {  	_ =	shalt  }
0x7d: {  	_ =	shalt  }
0x7e: {  	_ =	shalt  }
0x7f: {  	_ =	shalt  }
0x80: {  	_ =	shalt  }
0x81: {  	_ =	shalt  }
0x82: {  	_ =	shalt  }
0x83: {  	_ =	shalt  }
0x84: {  	_ =	shalt  }
0x85: {  	_ =	shalt  }
0x86: {  	_ =	shalt  }
0x87: {  	_ =	shalt  }
.Lfunc_end0:
.L_simem_size_0:
called_computation.1_lowered:
.L_overlay_start_0:
0x88: {  	s2 =	sld [smem:$0x3FD9]  }
0x89: {  	s3 =	sld [smem:$0x3FFE];
	_ =	sdelay $0x1  }
0x8a: {  	s1 =	srdreg.scid  }
0x8b: {  	s0 =	sand.u32 $0x1, s1  }
0x8c: {  	s17 =	sshll.u32 s0, $0xA;
	s2 =	sadd.s32 s3, s2  }
0x8d: {  	s2 =	sadd.s32 s2, s17  }
0x8e: {  	[smem:$0x3FC0] =	sst s2  }
0x8f: {  	_ = 	snop  }
0x90: {  	s18 =	sld [smem:$0x3FC9];
	(tm) =	ssettm $0x1  }
0x91: {  	s19 =	sld [smem:$0x3FFB];
	_ =	sdelay $0x3  }
0x92: {  	_ =	strace s19  }
0x93: {  	s2 =	sld [smem:$0x3FFC];
	_ =	sdelay $0x3  }
0x94: {  	_ =	strace s2  }
0x95: {  	s2 =	sld [smem:$0x3FFD];
	_ =	sdelay $0x3  }
0x96: {  	_ =	strace s2  }
0x97: {  	_ =	strace $0x8FFFFFFF  }
0x98: {  	s20 =	sld [smem:$0x3FDB];
	_ =	sdelay $0x1  }
0x99: {  	s4 =	simm.s32 $_scs_section_size  }
0x9a: {  	s5 =	simm.s32 $_size__tile_overlayer_lowered;
	s6 =	simm.s32 $_tile_overlayer_lowered  }
0x9b: {  	s7 =	simm.s32 $0x1BFF;
	s21 =	sshll.u32 s6, $0x1;
	s4 =	sadd.s32 s4, s20  }
0x9c: {  	s22 =	simm.s32 $0x0;
	s5 =	sshll.u32 s5, $0x1;
	s6 =	sadd.s32 s21, s4  }
0x9d: {  	[timem:s22], [sflag:s7] =	dma.local [hbm:s6], s5  }
0x9e: {  	_ =	swait.ge [sflag:s7], s5  }
0x9f: {  	s5 =	ssub.s32 $0x0, s5;
	[sflag:s7] =	ssyncset.done $0x0  }
0xa0: {  	[sflag:s7] =	ssyncadd.s32 s5;
	_ =	sdelay $0x1  }
0xa1: {  	s23 =	simm.s32 $0x1B8B  }
0xa2: {  	_ =	swait.ge [sflag:s23], $0x1  }
0xa3: {  	[sflag:s23] =	ssyncset.done $0x0  }
0xa4: {  	[sflag:s23] =	ssyncadd.s32 $0xFFFFFFFF  }
0xa5: {  	s5 =	sld [smem:$0x0]  }
0xa6: {  	s6 =	sand.u32 $0xFFFFFFFE, s1  }
0xa7: {  	p0 =	sne.s32 s1, s6  }
0xa8: {  	s6 =	sshll.u32 @p0 s6, $0xE  }
0xa9: {  	s6 =	sadd.s32 @p0 $0x11B8D, s6;
	s7 =	sshll.u32 @p0 s5, $0x11  }
0xaa: {  	s6 =	sor.u32 @p0 s7, s6  }
0xab: {  	[sflag:s6] =	ssyncadd.remote.s32 @p0 $0x1;
	_ =	sdelay $0x1  }
0xac: {  	s6 =	simm.s32 @p0 $0x1B8D  }
0xad: {  	_ =	swait.eq @p0 [sflag:s6], $0x1  }
0xae: {  	[sflag:s6] =	ssyncadd.s32 @p0 $0xFFFFFFFF  }
0xaf: {  	s7 =	sshll.u32 @!p0 s1, $0xE  }
0xb0: {  	s7 =	sor.u32 @!p0 $0x4000, s7;
	s6 =	simm.s32 @!p0 $0x1B8D  }
0xb1: {  	s5 =	sshll.u32 @!p0 s5, $0x11;
	s7 =	sadd.s32 @!p0 $0x11B8D, s7;
	_ =	swait.eq @!p0 [sflag:s6], $0x1  }
0xb2: {  	s5 =	sor.u32 @!p0 s5, s7;
	[sflag:s6] =	ssyncadd.s32 @!p0 $0xFFFFFFFF  }
0xb3: {  	s25 =	simm.s32 $0x1B8E;
	s24 =	sld [smem:$0x3FFE];
	[sflag:s5] =	ssyncadd.remote.s32 @!p0 $0x1  }
0xb4: {  	s26 =	simm.s32 $execute0_lowered;
	[smem:$0x3FD2] =	sst s25  }
0xb5: {  	s6 =	sshll.u32 s26, $0x1;
	_ =	strace $0x80000049;
	[dreg:$0x1] =	wrdreg $0xFFFFFFFF  }
0xb6: {  	s28 =	simm.s32 $_size_execute0_lowered;
	s4 =	sadd.s32 s4, s6;
	[dreg:$0x0] =	wrdreg $0x0  }
0xb7: {  	s6 =	sshll.u32 s28, $0x1;
	[dreg:$0x2] =	wrdreg s4  }
0xb8: {  	[dreg:$0x3] =	wrdreg s6  }
0xb9: {  	[dreg:$0x4] =	wrdreg $0xC0  }
0xba: {  	_ =	task [dreg:s22], $0x5FFFF  }
0xbb: {  	[dreg:$0x1] =	wrdreg $0xFFFFFFFF  }
0xbc: {  	[dreg:$0x0] =	wrdreg $0x60  }
0xbd: {  	[dreg:$0x2] =	wrdreg s18  }
0xbe: {  	[dreg:$0x3] =	wrdreg s24  }
0xbf: {  	[dreg:$0x4] =	wrdreg $0xBC800  }
0xc0: {  	[dreg:$0x5] =	wrdreg $0xA  }
0xc1: {  	_ =	task.clear_ibuf [dreg:s22], $0x6FFFF;
	_ =	strace $0x90000049  }
0xc2: {  	s29 =	simm.s32 $0xA;
	_ =	strace $0x8000004B  }
0xc3: {  	_ =	swait.ge [sflag:s29], $0x1  }
0xc4: {  	[sflag:s29] =	ssyncadd.s32 $0xFFFFFFFF  }
0xc5: {  	_ =	strace $0x9000004B  }
0xc6: {  	_ =	sfence  }
0xc7: {  	s30 =	sld [smem:$0x0];
	_ =	sdelay $0x2  }
0xc8: {  	s31 =	sshll.u32 s1, $0xD;
	s1 =	sshrl.u32 s1, $0x2  }
0xc9: {  	s4 =	sand.u32 $0x4000, s31;
	s1 =	sadd.s32 s1, s30  }
0xca: {  	s0 =	sor.u32 s4, s0;
	s1 =	sshll.u32 s1, $0x11  }
0xcb: {  	s0 =	sor.u32 s1, s0  }
0xcc: {  	s0 =	sadd.s32 $0x8F2B, s0  }
0xcd: {  	[sflag:s0] =	ssyncadd.remote.s32 $0x1  }
0xce: {  	_ =	sfence.sel $0xFFFF  }
0xcf: {  	[dreg:$0x0] =	wrdreg $0xFFFFFFFF;
	(pc) =	sbr.abs _section_cstart, $3  }
0xd0: {  	[dreg:$0x1] =	wrdreg $0xFFFFFFFF  }
0xd1: {  	_ =	task.clear_ibuf [dreg:s22], $0x2FFFF;
	_ =	strace $0x9FFFFFFF  }
0xd2: {  	(tm) =	ssettm $0x7FFFFFFF  }
0xd3: {  	_ =	shalt  }
tec
execute0_lowered:
.L_overlay_start_1:
0x0: {  	(tag) =	ssettag $0x1  }
0x1: {  	s0 =	rddreg [dreg:$0x0]  }
0x2: {  	s1 =	srdreg.scid;
	s5 =	rddreg [dreg:$0x1]  }
0x3: {  	s2 =	rddreg [dreg:$0x2];
	s3 =	stileid.u32;
	s4 =	simm.s32 $0x0  }
0x4: {  	s18 =	simm.s32 $0x80;
	s19 =	simm.s32 $0x7C80;
	s20 =	simm.s32 $0x1  }
0x5: {  	s21 =	simm.s32 $0x3C00;
	s22 =	simm.s32 $0x2;
	s25 =	simm.s32 $0x0  }
0x6: {  	s6 =	sand.u32 $0x1, s1;
	s1 =	rddreg [dreg:$0x3];
	s11 =	smul.u32 $0x4E400, s3  }
0x7: {  	[smem:$0x7FF] =	sst s4;
	s13 =	sadd.s32 $0x5F600, s5;
	s15 =	smul.u32 $0x13800, s3  }
0x8: {  	s16 =	smul.u32 $0x4E000, s3;
	s24 =	sadd.s32 $0x138000, s2;
	p0 =	sne.s32 s3, $0x0  }
0x9: {  	s7 =	sshll.u32 s6, $0x4;
	_ =	strace $0x8000004A;
	s9 =	ssub.s32 $0x2, s6  }
0xa: {  	s12 =	smul.u32 $0x138800, s6;
	s24 =	sshrl.u32 @!p0 s24, $0x3;
	s7 =	sor.u32 s3, s7  }
0xb: {  	s10 =	sshrl.u32 s9, $0x1;
	s31 =	sshrl.u32 s11, $0x2;
	s8 =	smul.u32 $0x500, s7  }
0xc: {  	s16 =	sshrl.u32 s16, $0x2;
	s7 =	smul.u32 $0x280, s7;
	s14 =	ssub.s32 s9, s10  }
0xd: {  	s15 =	sadd.s32 s15, s12;
	s17 =	sshrl.u32 s12, $0x3;
	s23 =	sadd.s32 s16, s2  }
0xe: {  	s16 =	simm.s32 $0x2800;
	s15 =	sshrl.u32 s15, $0x3;
	s14 =	smax.u32 s14, $0x1  }
0xf: {  	s23 =	sshrl.u32 s23, $0x3;
	s8 =	sadd.s32 s8, s5;
	s7 =	sadd.s32 s7, s5  }
0x10: {  	s12 =	sadd.s32 s13, s15;
	s13 =	sadd.s32 s13, s17;
	s15 =	simm.s32 $0x3  }
0x11: {  	s17 =	simm.s32 $0x3C80;
	s6 =	sadd.s32 $0xC400, s7;
	s7 =	sadd.s32 s31, s2  }
0x12: {  	s5 =	sadd.s32 $0x2400, s8;
	s13 =	sadd.s32 $0x27000, s13;
	s8 =	sadd.s32 $0x4000, s7  }
0x13: {  	v0 =	vimm.f32 $0.0e+00;
	s9 =	sadd.s32 $0x8000, s7;
	s10 =	sadd.s32 $0xC000, s7;
	s11 =	sadd.s32 $0x10000, s7  }
.LBB2_1:
0x14: {  	[tilespmem:s4], [sflag:$0x3] =	stream.linear.gather [hbm4b:s5+s4], $0x2800, $0x38;
	[tilespmem:$0x1F580] =	vst v63  }
0x15: {  	_ =	swait.ge [sflag:s15], $0x2800  }
0x16: {  	[sflag:s15] =	ssyncset.done $0x0  }
0x17: {  	[sflag:s15] =	ssyncadd.s32 $0xFFFFD800  }
0x18: {  	[tilespmem:s16], [sflag:$0x3] =	stream.linear.gather [hbm4b:s6+s4], $0x1400, $0x38;
	[tilespmem:$0x1F580] =	vst v63  }
0x19: {  	_ =	swait.ge [sflag:s15], $0x1400  }
0x1a: {  	[sflag:s15] =	ssyncset.done $0x0  }
0x1b: {  	s26 =	simm.s32 $0x0;
	s28 =	simm.s32 $0x200;
	[sflag:s15] =	ssyncadd.s32 $0xFFFFEC00  }
.LBB2_2:
0x1c: {  	p1 =	sne.s32 s28, $0xFE00;
	[tilespmem:s26+$0x3CF0] =	vst v0  }
0x1d: {  	[tilespmem:s26+$0x3C80] =	vst v0  }
0x1e: {  	[tilespmem:s26+$0x3C90] =	vst v0  }
.Ltmp0:
0x1f: {  	[tilespmem:s26+$0x3CA0] =	vst v0;
	(pc) =	sbr.rel @p1 .LBB2_2-.Ltmp0, $4  }
0x20: {  	[tilespmem:s26+$0x3CB0] =	vst v0  }
0x21: {  	[tilespmem:s26+$0x3CC0] =	vst v0  }
0x22: {  	[tilespmem:s26+$0x3CD0] =	vst v0  }
0x23: {  	[tilespmem:s26+$0x3CE0] =	vst v0;
	s26 =	sshra.s32 s28, $0x2;
	s28 =	sadd.s32 $0x200, s28  }
0x24: {  	[tilespmem:s26+$0x3CF0] =	vst v0  }
0x25: {  	[tilespmem:s26+$0x3C80] =	vst v0  }
0x26: {  	[tilespmem:s26+$0x3C90] =	vst v0  }
0x27: {  	[tilespmem:s26+$0x3CA0] =	vst v0  }
0x28: {  	[tilespmem:s26+$0x3CB0] =	vst v0  }
0x29: {  	[tilespmem:s26+$0x3CC0] =	vst v0  }
0x2a: {  	[tilespmem:s26+$0x3CD0] =	vst v0  }
0x2b: {  	[tilespmem:s26+$0x3CE0] =	vst v0  }
0x2c: {  	[spmem:s7] =	stream.linear.scatter [tilespmem:s17], [sflag:$0x3], $0x4000, $0x38;
	[tilespmem:$0x1F580] =	vst v63  }
0x2d: {  	_ =	swait.ge [sflag:s15], $0x4000  }
0x2e: {  	[sflag:s15] =	ssyncset.done $0x0  }
0x2f: {  	[sflag:s15] =	ssyncadd.s32 $0xFFFFC000  }
0x30: {  	[spmem:s8] =	stream.linear.scatter [tilespmem:s17], [sflag:$0x3], $0x4000, $0x38;
	[tilespmem:$0x1F580] =	vst v63  }
0x31: {  	_ =	swait.ge [sflag:s15], $0x4000  }
0x32: {  	[sflag:s15] =	ssyncset.done $0x0  }
0x33: {  	[sflag:s15] =	ssyncadd.s32 $0xFFFFC000  }
0x34: {  	[spmem:s9] =	stream.linear.scatter [tilespmem:s17], [sflag:$0x3], $0x4000, $0x38;
	[tilespmem:$0x1F580] =	vst v63  }
0x35: {  	_ =	swait.ge [sflag:s15], $0x4000  }
0x36: {  	[sflag:s15] =	ssyncset.done $0x0  }
0x37: {  	[sflag:s15] =	ssyncadd.s32 $0xFFFFC000  }
0x38: {  	[spmem:s10] =	stream.linear.scatter [tilespmem:s17], [sflag:$0x3], $0x4000, $0x38;
	[tilespmem:$0x1F580] =	vst v63  }
0x39: {  	_ =	swait.ge [sflag:s15], $0x4000  }
0x3a: {  	[sflag:s15] =	ssyncset.done $0x0  }
0x3b: {  	[sflag:s15] =	ssyncadd.s32 $0xFFFFC000  }
0x3c: {  	[spmem:s11] =	stream.linear.scatter [tilespmem:s17], [sflag:$0x3], $0x3900, $0x38;
	[tilespmem:$0x1F580] =	vst v63  }
0x3d: {  	_ =	swait.ge [sflag:s15], $0x3900  }
0x3e: {  	[sflag:s15] =	ssyncset.done $0x0  }
0x3f: {  	[sflag:s15] =	ssyncadd.s32 $0xFFFFC700  }
0x40: {  	[bflag:$0x0] =	sbarrier.arrive $0xFFFF  }
0x41: {  	[tilespmem:s17], [sflag:$0x1] =	stream.indirect.gather [hbm4b:s0+s18], $0x80, s4, s18, $0xb8;
	[tilespmem:$0x1F580] =	vst v63  }
0x42: {  	_ = 	snop  }
0x43: {  	[tilespmem:s19], [sflag:$0x2] =	stream.indirect.gather [hbm4b:s0+s18], $0x80, s18, s18, $0xb8;
	[tilespmem:$0x1F580] =	vst v63  }
0x44: {  	_ =	swait.ge [sflag:s20], $0x4000  }
0x45: {  	[sflag:s20] =	ssyncset.done $0x0  }
0x46: {  	s26 =	simm.s32 $0x2840;
	[sflag:s20] =	ssyncadd.s32 $0xFFFFC000  }
0x47: {  	v1 =	vld [tilespmem:s26+$0xFFFFFFC0];
	_ =	sdelay $0x4  }
0x48: {  	v2 =	vand.u32 $0xFFFF, v1  }
0x49: {  	v1 =	vshrl.u32 v1, $0x10;
	[tilespmem:$0x3C00] =	vst v2  }
0x4a: {  	[tilespmem:$0x3C10] =	vst v1  }
0x4b: {  	v1 =	vld [tilespmem:s26+$0xFFFFFFD0];
	_ =	sdelay $0x4  }
0x4c: {  	v2 =	vand.u32 $0xFFFF, v1  }
0x4d: {  	v1 =	vshrl.u32 v1, $0x10;
	[tilespmem:$0x3C20] =	vst v2  }
0x4e: {  	[tilespmem:$0x3C30] =	vst v1  }
0x4f: {  	v1 =	vld [tilespmem:s26+$0xFFFFFFE0];
	_ =	sdelay $0x4  }
0x50: {  	v2 =	vand.u32 $0xFFFF, v1  }
0x51: {  	v1 =	vshrl.u32 v1, $0x10;
	[tilespmem:$0x3C40] =	vst v2  }
0x52: {  	[tilespmem:$0x3C50] =	vst v1  }
0x53: {  	v1 =	vld [tilespmem:s26+$0xFFFFFFF0];
	_ =	sdelay $0x4  }
0x54: {  	v2 =	vand.u32 $0xFFFF, v1  }
0x55: {  	v1 =	vshrl.u32 v1, $0x10;
	[tilespmem:$0x3C60] =	vst v2  }
0x56: {  	[tilespmem:$0x3C70] =	vst v1  }
0x57: {  	[spmem:s2] =	stream.indirect.scatter.add.f32 [tilespmem:s17], [sflag:$0x3], $0x80, s21, s18, $0xb8;
	[tilespmem:$0x1F580] =	vst v63  }
0x58: {  	_ =	swait.ge [sflag:s15], $0x4000  }
0x59: {  	[sflag:s15] =	ssyncset.done $0x0  }
0x5a: {  	s28 =	simm.s32 $0x100;
	[sflag:s15] =	ssyncadd.s32 $0xFFFFC000  }
0x5b: {  	[tilespmem:s17], [sflag:$0x1] =	stream.indirect.gather [hbm4b:s0+s18], $0x80, s28, s18, $0xb8;
	[tilespmem:$0x1F580] =	vst v63  }
0x5c: {  	_ =	swait.ge [sflag:s22], $0x4000  }
0x5d: {  	[sflag:s22] =	ssyncset.done $0x0  }
0x5e: {  	[sflag:s22] =	ssyncadd.s32 $0xFFFFC000  }
0x5f: {  	v1 =	vld [tilespmem:s26+$0x0];
	_ =	sdelay $0x4  }
0x60: {  	v2 =	vand.u32 $0xFFFF, v1  }
0x61: {  	v1 =	vshrl.u32 v1, $0x10;
	[tilespmem:$0x3C00] =	vst v2  }
0x62: {  	[tilespmem:$0x3C10] =	vst v1  }
0x63: {  	v1 =	vld [tilespmem:s26+$0x10];
	_ =	sdelay $0x4  }
0x64: {  	v2 =	vand.u32 $0xFFFF, v1  }
0x65: {  	v1 =	vshrl.u32 v1, $0x10;
	[tilespmem:$0x3C20] =	vst v2  }
0x66: {  	[tilespmem:$0x3C30] =	vst v1  }
0x67: {  	v1 =	vld [tilespmem:s26+$0x20];
	_ =	sdelay $0x4  }
0x68: {  	v2 =	vand.u32 $0xFFFF, v1  }
0x69: {  	v1 =	vshrl.u32 v1, $0x10;
	[tilespmem:$0x3C40] =	vst v2  }
0x6a: {  	[tilespmem:$0x3C50] =	vst v1  }
0x6b: {  	v1 =	vld [tilespmem:s26+$0x30];
	_ =	sdelay $0x1  }
0x6c: {  	s30 =	simm.s32 $0x180;
	s28 =	simm.s32 $0xFFFF6800  }
.LBB2_4:
0x6d: {  	p1 =	sne.s32 s28, $0xFFFFFC00  }
0x6e: {  	s26 =	sadd.s32 $0x80, s26;
	s29 =	smov.u32 s28;
	s28 =	sadd.s32 $0x400, s28  }
0x6f: {  	v2 =	vand.u32 $0xFFFF, v1;
	v1 =	vshrl.u32 v1, $0x10  }
0x70: {  	[tilespmem:$0x3C60] =	vst v2  }
0x71: {  	[tilespmem:$0x3C70] =	vst v1  }
0x72: {  	[spmem:s2] =	stream.indirect.scatter.add.f32 [tilespmem:s19], [sflag:$0x3], $0x80, s21, s18, $0xb8;
	[tilespmem:$0x1F580] =	vst v63  }
0x73: {  	_ =	swait.ge [sflag:s15], $0x4000  }
0x74: {  	[sflag:s15] =	ssyncset.done $0x0  }
0x75: {  	[sflag:s15] =	ssyncadd.s32 $0xFFFFC000  }
0x76: {  	[tilespmem:s19], [sflag:$0x2] =	stream.indirect.gather [hbm4b:s0+s18], $0x80, s30, s18, $0xb8;
	[tilespmem:$0x1F580] =	vst v63  }
0x77: {  	_ =	swait.ge [sflag:s20], $0x4000  }
0x78: {  	[sflag:s20] =	ssyncset.done $0x0  }
0x79: {  	[sflag:s20] =	ssyncadd.s32 $0xFFFFC000  }
0x7a: {  	v1 =	vld [tilespmem:s26+$0xFFFFFFC0];
	_ =	sdelay $0x4  }
0x7b: {  	v2 =	vand.u32 $0xFFFF, v1;
	v1 =	vshrl.u32 v1, $0x10  }
0x7c: {  	[tilespmem:$0x3C00] =	vst v2  }
0x7d: {  	[tilespmem:$0x3C10] =	vst v1  }
0x7e: {  	v1 =	vld [tilespmem:s26+$0xFFFFFFD0];
	_ =	sdelay $0x4  }
0x7f: {  	v2 =	vand.u32 $0xFFFF, v1;
	v1 =	vshrl.u32 v1, $0x10  }
0x80: {  	[tilespmem:$0x3C20] =	vst v2  }
0x81: {  	[tilespmem:$0x3C30] =	vst v1  }
0x82: {  	v1 =	vld [tilespmem:s26+$0xFFFFFFE0];
	_ =	sdelay $0x4  }
0x83: {  	v2 =	vand.u32 $0xFFFF, v1;
	v1 =	vshrl.u32 v1, $0x10  }
0x84: {  	[tilespmem:$0x3C40] =	vst v2  }
0x85: {  	[tilespmem:$0x3C50] =	vst v1  }
0x86: {  	v1 =	vld [tilespmem:s26+$0xFFFFFFF0];
	_ =	sdelay $0x4  }
0x87: {  	v2 =	vand.u32 $0xFFFF, v1;
	v1 =	vshrl.u32 v1, $0x10  }
0x88: {  	s29 =	sshra.s32 s29, $0x2;
	[tilespmem:$0x3C60] =	vst v2  }
0x89: {  	s30 =	sadd.s32 $0x2800, s29;
	[tilespmem:$0x3C70] =	vst v1  }
0x8a: {  	[spmem:s2] =	stream.indirect.scatter.add.f32 [tilespmem:s17], [sflag:$0x3], $0x80, s21, s18, $0xb8;
	[tilespmem:$0x1F580] =	vst v63  }
0x8b: {  	_ =	swait.ge [sflag:s15], $0x4000  }
0x8c: {  	[sflag:s15] =	ssyncset.done $0x0  }
0x8d: {  	[sflag:s15] =	ssyncadd.s32 $0xFFFFC000  }
0x8e: {  	[tilespmem:s17], [sflag:$0x1] =	stream.indirect.gather [hbm4b:s0+s18], $0x80, s30, s18, $0xb8;
	[tilespmem:$0x1F580] =	vst v63  }
0x8f: {  	_ =	swait.ge [sflag:s22], $0x4000  }
0x90: {  	[sflag:s22] =	ssyncset.done $0x0  }
0x91: {  	[sflag:s22] =	ssyncadd.s32 $0xFFFFC000  }
0x92: {  	v1 =	vld [tilespmem:s26+$0x0];
	_ =	sdelay $0x4  }
0x93: {  	v2 =	vand.u32 $0xFFFF, v1;
	v1 =	vshrl.u32 v1, $0x10  }
0x94: {  	[tilespmem:$0x3C00] =	vst v2  }
0x95: {  	[tilespmem:$0x3C10] =	vst v1  }
0x96: {  	v1 =	vld [tilespmem:s26+$0x10];
	_ =	sdelay $0x4  }
0x97: {  	v2 =	vand.u32 $0xFFFF, v1;
	v1 =	vshrl.u32 v1, $0x10  }
0x98: {  	[tilespmem:$0x3C20] =	vst v2  }
0x99: {  	[tilespmem:$0x3C30] =	vst v1  }
0x9a: {  	v1 =	vld [tilespmem:s26+$0x20];
	_ =	sdelay $0x4  }
0x9b: {  	v2 =	vand.u32 $0xFFFF, v1;
	v1 =	vshrl.u32 v1, $0x10  }
0x9c: {  	[tilespmem:$0x3C40] =	vst v2  }
.Ltmp1:
0x9d: {  	[tilespmem:$0x3C50] =	vst v1;
	(pc) =	sbr.rel @p1 .LBB2_4-.Ltmp1, $2  }
0x9e: {  	v1 =	vld [tilespmem:s26+$0x30];
	_ =	sdelay $0x2  }
0x9f: {  	s30 =	sadd.s32 $0x2880, s29  }
0xa0: {  	_ = 	snop  }
0xa1: {  	v2 =	vand.u32 $0xFFFF, v1  }
0xa2: {  	v1 =	vshrl.u32 v1, $0x10;
	[tilespmem:$0x3C60] =	vst v2  }
0xa3: {  	[tilespmem:$0x3C70] =	vst v1  }
0xa4: {  	[spmem:s2] =	stream.indirect.scatter.add.f32 [tilespmem:s19], [sflag:$0x3], $0x80, s21, s18, $0xb8;
	[tilespmem:$0x1F580] =	vst v63  }
0xa5: {  	_ =	swait.ge [sflag:s15], $0x4000  }
0xa6: {  	[sflag:s15] =	ssyncset.done $0x0  }
0xa7: {  	[sflag:s15] =	ssyncadd.s32 $0xFFFFC000  }
0xa8: {  	[tilespmem:s19], [sflag:$0x2] =	stream.indirect.gather [hbm4b:s0+s18], $0x80, s30, s18, $0xb8;
	[tilespmem:$0x1F580] =	vst v63  }
0xa9: {  	_ =	swait.ge [sflag:s20], $0x4000  }
0xaa: {  	[sflag:s20] =	ssyncset.done $0x0  }
0xab: {  	[sflag:s20] =	ssyncadd.s32 $0xFFFFC000  }
0xac: {  	v1 =	vld [tilespmem:$0x3B80];
	_ =	sdelay $0x1  }
0xad: {  	v2 =	vld [tilespmem:$0x3B90];
	_ =	sdelay $0x1  }
0xae: {  	v3 =	vld [tilespmem:$0x3BA0]  }
0xaf: {  	v4 =	vand.u32 $0xFFFF, v1  }
0xb0: {  	v61 =	vld [tilespmem:$0x3BB0];
	v1 =	vshrl.u32 v1, $0x10;
	[tilespmem:$0x3C00] =	vst v4  }
0xb1: {  	[tilespmem:$0x3C10] =	vst v1;
	v1 =	vand.u32 $0xFFFF, v2  }
0xb2: {  	[tilespmem:$0x3C20] =	vst v1;
	v1 =	vshrl.u32 v2, $0x10  }
0xb3: {  	[tilespmem:$0x3C30] =	vst v1;
	v1 =	vand.u32 $0xFFFF, v3  }
0xb4: {  	[tilespmem:$0x3C40] =	vst v1;
	v1 =	vshrl.u32 v3, $0x10  }
0xb5: {  	[tilespmem:$0x3C50] =	vst v1;
	v1 =	vand.u32 $0xFFFF, v61  }
0xb6: {  	[tilespmem:$0x3C60] =	vst v1;
	v1 =	vshrl.u32 v61, $0x10  }
0xb7: {  	[tilespmem:$0x3C70] =	vst v1  }
0xb8: {  	[spmem:s2] =	stream.indirect.scatter.add.f32 [tilespmem:s17], [sflag:$0x3], $0x80, s21, s18, $0xb8;
	[tilespmem:$0x1F580] =	vst v63  }
0xb9: {  	_ =	swait.ge [sflag:s15], $0x4000  }
0xba: {  	[sflag:s15] =	ssyncset.done $0x0  }
0xbb: {  	[sflag:s15] =	ssyncadd.s32 $0xFFFFC000  }
0xbc: {  	_ =	swait.ge [sflag:s22], $0x4000  }
0xbd: {  	[sflag:s22] =	ssyncset.done $0x0  }
0xbe: {  	[sflag:s22] =	ssyncadd.s32 $0xFFFFC000  }
0xbf: {  	v1 =	vld [tilespmem:$0x3BC0];
	_ =	sdelay $0x1  }
0xc0: {  	v2 =	vld [tilespmem:$0x3BD0];
	_ =	sdelay $0x1  }
0xc1: {  	v3 =	vld [tilespmem:$0x3BE0]  }
0xc2: {  	v62 =	vand.u32 $0xFFFF, v1  }
0xc3: {  	v63 =	vld [tilespmem:$0x3BF0];
	v1 =	vshrl.u32 v1, $0x10;
	[tilespmem:$0x3C00] =	vst v62  }
0xc4: {  	[tilespmem:$0x3C10] =	vst v1;
	v1 =	vand.u32 $0xFFFF, v2  }
0xc5: {  	[tilespmem:$0x3C20] =	vst v1;
	v1 =	vshrl.u32 v2, $0x10  }
0xc6: {  	[tilespmem:$0x3C30] =	vst v1;
	v1 =	vand.u32 $0xFFFF, v3  }
0xc7: {  	[tilespmem:$0x3C40] =	vst v1;
	v1 =	vshrl.u32 v3, $0x10  }
0xc8: {  	[tilespmem:$0x3C50] =	vst v1;
	v1 =	vand.u32 $0xFFFF, v63  }
0xc9: {  	[tilespmem:$0x3C60] =	vst v1;
	v1 =	vshrl.u32 v63, $0x10  }
0xca: {  	[tilespmem:$0x3C70] =	vst v1  }
0xcb: {  	[spmem:s2] =	stream.indirect.scatter.add.f32 [tilespmem:s19], [sflag:$0x3], $0x80, s21, s18, $0xb8;
	[tilespmem:$0x1F580] =	vst v63  }
0xcc: {  	_ =	swait.ge [sflag:s15], $0x4000  }
0xcd: {  	[sflag:s15] =	ssyncset.done $0x0  }
0xce: {  	s26 =	sshll.u32 s3, $0x6;
	[sflag:s15] =	ssyncadd.s32 $0xFFFFC000  }
0xcf: {  	s26 =	sor.u32 $0x1C03, s26;
	[bflag:$0x0] =	sbarrier.arrive $0xFFFF  }
0xd0: {  	[hbm:s12], [sflag:s26] =	dma.local [spmem:s23], $0x2700  }
0xd1: {  	_ =	swait.ge [sflag:s15], $0x2700  }
0xd2: {  	s25 =	sadd.s32 $0x1, s25;
	[sflag:s15] =	ssyncset.done $0x0  }
0xd3: {  	p1 =	sne.s32 s25, s14;
	[sflag:s15] =	ssyncadd.s32 $0xFFFFD900  }
0xd4: {  	[hbm:s13], [sflag:s26] =	dma.local @!p0 [spmem:s24], $0x100  }
.Ltmp2:
0xd5: {  	_ = 	snop;
	(pc) =	sbr.rel @p1 .LBB2_1-.Ltmp2, $4  }
0xd6: {  	s26 =	simm.s32 @!p0 $0x3  }
0xd7: {  	_ =	swait.ge @!p0 [sflag:s26], $0x100  }
0xd8: {  	[sflag:s26] =	ssyncset.done @!p0 $0x0  }
0xd9: {  	[sflag:s26] =	ssyncadd.s32 @!p0 $0xFFFFFF00  }
0xda: {  	_ =	sfence.sel $0x180000  }
0xdb: {  	[bflag:$0x0] =	sbarrier.arrive $0xFFFF  }
0xdc: {  	_ =	strace $0x9000004A  }
0xdd: {  	s0 =	sadd.s32 @!p0 $0x100000, s1;
	[bflag:$0x2] =	sbarrier.arrive $0xFFFF  }
0xde: {  	[sflag:s0] =	ssyncadd.tile.s32 @!p0 $0x1;
	_ =	shalt  }
.Lfunc_end2:
_tile_overlayer_lowered:
.L_overlay_start_2:
0xdf: {  	(tag) =	ssettag $0x2  }
0xe0: {  	s0 =	rddreg [dreg:$0x0];
	s2 =	stileid.u32  }
0xe1: {  	s1 =	rddreg [dreg:$0x1];
	p0 =	sne.s32 s2, $0x0  }
0xe2: {  	s3 =	rddreg [dreg:$0x2];
	[bflag:$0x3] =	sbarrier.arrive $0xFFFF;
	s2 =	simm.s32 @!p0 $0x1C03  }
0xe3: {  	[timem:s3], [sflag:s2] =	dma.local @!p0 [hbm:s0], s1  }
0xe4: {  	s0 =	simm.s32 @!p0 $0x3  }
0xe5: {  	_ =	swait.ge @!p0 [sflag:s0], s1  }
0xe6: {  	s1 =	ssub.s32 @!p0 $0x0, s1;
	[sflag:s0] =	ssyncset.done @!p0 $0x0  }
0xe7: {  	[sflag:s0] =	ssyncadd.s32 @!p0 s1  }
0xe8: {  	[bflag:$0x3] =	sbarrier.arrive $0xFFFF  }
0xe9: {  	_ =	shalt  }

// kernel: kernel.13.cloned.1.call-start
scs
__scs_entry_jumppad:
0x0: {  	(pc) =	sbr.rel $0x88, $3  }
0x1: {  	(tag) =	ssettag $0x0;
	lr =	simm.s32 $0x1  }
0x2: {  	[smem:$0x3F99] =	sst lr;
	_ =	strace $0xD0000000  }
0x3: {  	_ = 	snop  }
0x4: {  	_ = 	snop  }
0x5: {  	_ = 	snop  }
0x6: {  	_ = 	snop  }
0x7: {  	_ = 	snop  }
__scs_overlays_trampoline_lowered:
0x8: {  	[smem:$0x3FA8] =	sst s0  }
0x9: {  	[smem:$0x3FA9] =	sst s1  }
0xa: {  	[smem:$0x3FAA] =	sst s2  }
0xb: {  	[smem:$0x3FAB] =	sst s3  }
0xc: {  	[smem:$0x3FAC] =	sst s4  }
0xd: {  	[smem:$0x3FAD] =	sst s5  }
0xe: {  	[smem:$0x3FAE] =	sst s6  }
0xf: {  	[smem:$0x3FAF] =	sst s7  }
0x10: {  	[smem:$0x3FB0] =	sst s8  }
0x11: {  	[smem:$0x3FB1] =	sst s9;
	s0 =	simm.s32 @!p0 $0x0  }
0x12: {  	s1 =	sld [smem:$0x3F97];
	s0 =	simm.s32 @p0 $0x1  }
0x13: {  	[smem:$0x3FB2] =	sst s0;
	s0 =	simm.s32 @!p1 $0x0  }
0x14: {  	s2 =	sld [smem:$0x3F96];
	s0 =	simm.s32 @p1 $0x1  }
0x15: {  	[smem:$0x3FB3] =	sst s0;
	s0 =	simm.s32 @!p2 $0x0  }
0x16: {  	s3 =	sld [smem:$0x3FDB];
	s0 =	simm.s32 @p2 $0x1  }
0x17: {  	s4 =	simm.s32 $0x1BF5;
	[smem:$0x3FB5] =	sst s0  }
0x18: {  	s0 =	sld [smem:$0x3F98];
	_ =	swait.ge [sflag:s4], $0x0  }
0x19: {  	s7 =	sld [smem:$0x3F99]  }
0x1a: {  	s8 =	sadd.s32 $0xFFFFE003, lr  }
0x1b: {  	s9 =	sadd.s32 $0xFFFFFEF7, lr;
	s5 =	simm.s32 $0xFFFFFFFF;
	p2 =	slt.u32 s8, $0xFFFFF086  }
0x1c: {  	p1 =	slt.u32 s9, $0xF7A;
	s5 =	simm.s32 @!p2 $0x0  }
0x1d: {  	s5 =	simm.s32 @p1 $0x1;
	p0 =	seq.s32 s7, s2  }
0x1e: {  	s7 =	smul.u32 @!p0 $0xF7A, s2;
	p2 =	seq.s32 @!p0 s5, $0x0  }
0x1f: {  	s9 =	smul.u32 $0xF7A, s1;
	s8 =	simm.s32 @!p0 $0x1BF5;
	p2 =	por !p2, p0  }
0x20: {  	[sflag:s8] =	ssyncset.s32 @!p0 $0xFFFFF086;
	s6 =	sadd.s32 @!p0 s3, s7;
	s7 =	simm.s32 @!p0 $0x108  }
0x21: {  	s3 =	sadd.s32 s3, s9;
	s6 =	sadd.s32 @!p0 $0x88, s6;
	s7 =	simm.s32 @p2 $0x1082  }
0x22: {  	[simem:s7], [sflag:s8] =	dma.local @!p0 [hbm:s6], $0xF7A  }
0x23: {  	s9 =	sor.u32 $0xD0000000, s2;
	s6 =	simm.s32 $0x108;
	_ =	swait.ge @!p0 [sflag:s8], $0x0  }
0x24: {  	s3 =	sadd.s32 $0x88, s3;
	s6 =	simm.s32 @!p1 $0x1082;
	[sflag:s4] =	ssyncset.s32 $0xFFFFF086  }
0x25: {  	[simem:s6], [sflag:s4] =	dma.local [hbm:s3], $0xF7A  }
0x26: {  	[smem:$0x3F99] =	sst s1;
	(tag) =	ssettag s2;
	_ =	strace s9  }
0x27: {  	s1 =	sld [smem:$0x3FA9]  }
0x28: {  	s2 =	sld [smem:$0x3FAA]  }
0x29: {  	s4 =	sld [smem:$0x3FAC]  }
0x2a: {  	p0 =	seq.s32 s5, $0x0;
	s5 =	sld [smem:$0x3FAD]  }
0x2b: {  	s6 =	sld [smem:$0x3FAE]  }
0x2c: {  	s7 =	sld [smem:$0x3FAF]  }
0x2d: {  	s3 =	simm.s32 $0x108;
	s8 =	sld [smem:$0x3FB0]  }
0x2e: {  	s3 =	simm.s32 @!p0 $0x1082;
	s9 =	sld [smem:$0x3FB1]  }
0x2f: {  	lr =	sadd.s32 s0, s3;
	s0 =	sld [smem:$0x3FA8]  }
0x30: {  	s3 =	sld [smem:$0x3FAB]  }
0x31: {  	[smem:$0x3FB4] =	sst s10  }
0x32: {  	s10 =	sld [smem:$0x3FB2];
	_ =	sdelay $0x3  }
0x33: {  	p0 =	seq.s32 s10, $0x1;
	s10 =	sld [smem:$0x3FB4];
	_ =	sdelay $0x3  }
0x34: {  	[smem:$0x3FB4] =	sst s10  }
0x35: {  	s10 =	sld [smem:$0x3FB3];
	_ =	sdelay $0x3  }
0x36: {  	p1 =	seq.s32 s10, $0x1;
	s10 =	sld [smem:$0x3FB4];
	_ =	sdelay $0x3  }
0x37: {  	[smem:$0x3FB4] =	sst s10  }
0x38: {  	s10 =	sld [smem:$0x3FB5]  }
0x39: {  	_ = 	snop;
	(pc) =	sbr.ind lr, $3  }
0x3a: {  	_ = 	snop  }
0x3b: {  	_ = 	snop  }
0x3c: {  	p2 =	seq.s32 s10, $0x1;
	s10 =	sld [smem:$0x3FB4]  }
0x3d: {  	_ =	shalt  }
0x3e: {  	_ =	shalt  }
0x3f: {  	_ =	shalt  }
0x40: {  	_ =	shalt  }
0x41: {  	_ =	shalt  }
0x42: {  	_ =	shalt  }
0x43: {  	_ =	shalt  }
0x44: {  	_ =	shalt  }
0x45: {  	_ =	shalt  }
0x46: {  	_ =	shalt  }
0x47: {  	_ =	shalt  }
0x48: {  	_ =	shalt  }
0x49: {  	_ =	shalt  }
0x4a: {  	_ =	shalt  }
0x4b: {  	_ =	shalt  }
0x4c: {  	_ =	shalt  }
0x4d: {  	_ =	shalt  }
0x4e: {  	_ =	shalt  }
0x4f: {  	_ =	shalt  }
0x50: {  	_ =	shalt  }
0x51: {  	_ =	shalt  }
0x52: {  	_ =	shalt  }
0x53: {  	_ =	shalt  }
0x54: {  	_ =	shalt  }
0x55: {  	_ =	shalt  }
0x56: {  	_ =	shalt  }
0x57: {  	_ =	shalt  }
0x58: {  	_ =	shalt  }
0x59: {  	_ =	shalt  }
0x5a: {  	_ =	shalt  }
0x5b: {  	_ =	shalt  }
0x5c: {  	_ =	shalt  }
0x5d: {  	_ =	shalt  }
0x5e: {  	_ =	shalt  }
0x5f: {  	_ =	shalt  }
0x60: {  	_ =	shalt  }
0x61: {  	_ =	shalt  }
0x62: {  	_ =	shalt  }
0x63: {  	_ =	shalt  }
0x64: {  	_ =	shalt  }
0x65: {  	_ =	shalt  }
0x66: {  	_ =	shalt  }
0x67: {  	_ =	shalt  }
0x68: {  	_ =	shalt  }
0x69: {  	_ =	shalt  }
0x6a: {  	_ =	shalt  }
0x6b: {  	_ =	shalt  }
0x6c: {  	_ =	shalt  }
0x6d: {  	_ =	shalt  }
0x6e: {  	_ =	shalt  }
0x6f: {  	_ =	shalt  }
0x70: {  	_ =	shalt  }
0x71: {  	_ =	shalt  }
0x72: {  	_ =	shalt  }
0x73: {  	_ =	shalt  }
0x74: {  	_ =	shalt  }
0x75: {  	_ =	shalt  }
0x76: {  	_ =	shalt  }
0x77: {  	_ =	shalt  }
0x78: {  	_ =	shalt  }
0x79: {  	_ =	shalt  }
0x7a: {  	_ =	shalt  }
0x7b: {  	_ =	shalt  }
0x7c: {  	_ =	shalt  }
0x7d: {  	_ =	shalt  }
0x7e: {  	_ =	shalt  }
0x7f: {  	_ =	shalt  }
0x80: {  	_ =	shalt  }
0x81: {  	_ =	shalt  }
0x82: {  	_ =	shalt  }
0x83: {  	_ =	shalt  }
0x84: {  	_ =	shalt  }
0x85: {  	_ =	shalt  }
0x86: {  	_ =	shalt  }
0x87: {  	_ =	shalt  }
.Lfunc_end0:
.L_simem_size_0:
called_computation.2_lowered:
.L_overlay_start_0:
0x88: {  	s2 =	sld [smem:$0x3FD9]  }
0x89: {  	s3 =	sld [smem:$0x3FFE];
	_ =	sdelay $0x1  }
0x8a: {  	s1 =	srdreg.scid  }
0x8b: {  	s0 =	sand.u32 $0x1, s1  }
0x8c: {  	s17 =	sshll.u32 s0, $0xA;
	s2 =	sadd.s32 s3, s2  }
0x8d: {  	s2 =	sadd.s32 s2, s17  }
0x8e: {  	[smem:$0x3FC0] =	sst s2  }
0x8f: {  	_ = 	snop  }
0x90: {  	s2 =	sld [smem:$0x3FD0];
	(tm) =	ssettm $0x1  }
0x91: {  	s18 =	sld [smem:$0x3FFB];
	_ =	sdelay $0x3  }
0x92: {  	_ =	strace s18  }
0x93: {  	s3 =	sld [smem:$0x3FFC];
	_ =	sdelay $0x3  }
0x94: {  	_ =	strace s3  }
0x95: {  	s3 =	sld [smem:$0x3FFD];
	_ =	sdelay $0x3  }
0x96: {  	_ =	strace s3  }
0x97: {  	_ =	strace $0x8FFFFFFF  }
0x98: {  	s19 =	sld [smem:$0x3FDB];
	_ =	sdelay $0x1  }
0x99: {  	s4 =	simm.s32 $_scs_section_size  }
0x9a: {  	s5 =	simm.s32 $_size__tile_overlayer_lowered;
	s6 =	simm.s32 $_tile_overlayer_lowered  }
0x9b: {  	s22 =	simm.s32 $0x1BFF;
	s21 =	sshll.u32 s6, $0x1;
	s3 =	sadd.s32 s4, s19  }
0x9c: {  	s7 =	simm.s32 $0x0;
	s20 =	sshll.u32 s5, $0x1;
	s5 =	sadd.s32 s21, s3  }
0x9d: {  	[timem:s7], [sflag:s22] =	dma.local [hbm:s5], s20  }
0x9e: {  	_ =	swait.ge [sflag:s22], s20  }
0x9f: {  	s4 =	ssub.s32 $0x0, s20;
	[sflag:s22] =	ssyncset.done $0x0  }
0xa0: {  	[sflag:s22] =	ssyncadd.s32 s4;
	_ =	sdelay $0x1  }
0xa1: {  	s23 =	simm.s32 $0x1B8B  }
0xa2: {  	_ =	swait.ge [sflag:s23], $0x1  }
0xa3: {  	[sflag:s23] =	ssyncset.done $0x0  }
0xa4: {  	s25 =	simm.s32 $0x1B8E;
	s24 =	sld [smem:$0x3FFE];
	[sflag:s23] =	ssyncadd.s32 $0xFFFFFFFF  }
0xa5: {  	s26 =	simm.s32 $execute0_lowered;
	[smem:$0x3FD2] =	sst s25  }
0xa6: {  	s5 =	sshll.u32 s26, $0x1;
	_ =	strace $0x8000004C;
	[dreg:$0x1] =	wrdreg $0xFFFFFFFF  }
0xa7: {  	s28 =	simm.s32 $_size_execute0_lowered;
	s3 =	sadd.s32 s3, s5;
	[dreg:$0x0] =	wrdreg $0x0  }
0xa8: {  	s5 =	sshll.u32 s28, $0x1;
	[dreg:$0x2] =	wrdreg s3  }
0xa9: {  	[dreg:$0x3] =	wrdreg s5  }
0xaa: {  	[dreg:$0x4] =	wrdreg $0xC0  }
0xab: {  	_ =	task [dreg:s7], $0x5FFFF  }
0xac: {  	[dreg:$0x1] =	wrdreg $0xFFFFFFFF  }
0xad: {  	[dreg:$0x0] =	wrdreg $0x60  }
0xae: {  	[dreg:$0x2] =	wrdreg s2  }
0xaf: {  	[dreg:$0x3] =	wrdreg s24  }
0xb0: {  	[dreg:$0x4] =	wrdreg $0xBC800  }
0xb1: {  	[dreg:$0x5] =	wrdreg $0x9  }
0xb2: {  	_ =	task.clear_ibuf [dreg:s7], $0x6FFFF;
	_ =	strace $0x9000004C  }
0xb3: {  	s29 =	simm.s32 $0x9;
	_ =	strace $0x8000004E  }
0xb4: {  	_ =	swait.ge [sflag:s29], $0x1  }
0xb5: {  	[sflag:s29] =	ssyncadd.s32 $0xFFFFFFFF  }
0xb6: {  	_ =	strace $0x9000004E  }
0xb7: {  	_ =	sfence  }
0xb8: {  	s30 =	sld [smem:$0x0];
	_ =	sdelay $0x2  }
0xb9: {  	s31 =	sshll.u32 s1, $0xD;
	s1 =	sshrl.u32 s1, $0x2  }
0xba: {  	s3 =	sand.u32 $0x4000, s31;
	s1 =	sadd.s32 s1, s30  }
0xbb: {  	s0 =	sor.u32 s3, s0;
	s1 =	sshll.u32 s1, $0x11  }
0xbc: {  	s0 =	sor.u32 s1, s0  }
0xbd: {  	s0 =	sadd.s32 $0x8F2B, s0  }
0xbe: {  	[sflag:s0] =	ssyncadd.remote.s32 $0x1  }
0xbf: {  	_ =	sfence.sel $0xFFFF  }
0xc0: {  	[dreg:$0x0] =	wrdreg $0xFFFFFFFF;
	(pc) =	sbr.abs _section_cstart, $3  }
0xc1: {  	[dreg:$0x1] =	wrdreg $0xFFFFFFFF  }
0xc2: {  	_ =	task.clear_ibuf [dreg:s7], $0x2FFFF;
	_ =	strace $0x9FFFFFFF  }
0xc3: {  	(tm) =	ssettm $0x7FFFFFFF  }
tec
execute0_lowered:
.L_overlay_start_1:
0x0: {  	(tag) =	ssettag $0x1  }
0x1: {  	s0 =	rddreg [dreg:$0x0]  }
0x2: {  	s1 =	srdreg.scid;
	s5 =	rddreg [dreg:$0x1]  }
0x3: {  	s2 =	rddreg [dreg:$0x2];
	s3 =	stileid.u32;
	s4 =	simm.s32 $0x0  }
0x4: {  	s18 =	simm.s32 $0x80;
	s19 =	simm.s32 $0x7C80;
	s20 =	simm.s32 $0x1  }
0x5: {  	s21 =	simm.s32 $0x3C00;
	s22 =	simm.s32 $0x2;
	s25 =	simm.s32 $0x0  }
0x6: {  	s6 =	sand.u32 $0x1, s1;
	s1 =	rddreg [dreg:$0x3];
	s11 =	smul.u32 $0x4E400, s3  }
0x7: {  	[smem:$0x7FF] =	sst s4;
	s13 =	sadd.s32 $0x5F600, s5;
	s15 =	smul.u32 $0x13800, s3  }
0x8: {  	s16 =	smul.u32 $0x4E000, s3;
	s24 =	sadd.s32 $0x138000, s2;
	p0 =	sne.s32 s3, $0x0  }
0x9: {  	s7 =	sshll.u32 s6, $0x4;
	_ =	strace $0x8000004D;
	s9 =	ssub.s32 $0x2, s6  }
0xa: {  	s12 =	smul.u32 $0x138800, s6;
	s24 =	sshrl.u32 @!p0 s24, $0x3;
	s7 =	sor.u32 s3, s7  }
0xb: {  	s10 =	sshrl.u32 s9, $0x1;
	s31 =	sshrl.u32 s11, $0x2;
	s8 =	smul.u32 $0x500, s7  }
0xc: {  	s16 =	sshrl.u32 s16, $0x2;
	s7 =	smul.u32 $0x280, s7;
	s14 =	ssub.s32 s9, s10  }
0xd: {  	s15 =	sadd.s32 s15, s12;
	s17 =	sshrl.u32 s12, $0x3;
	s23 =	sadd.s32 s16, s2  }
0xe: {  	s16 =	simm.s32 $0x2800;
	s15 =	sshrl.u32 s15, $0x3;
	s14 =	smax.u32 s14, $0x1  }
0xf: {  	s23 =	sshrl.u32 s23, $0x3;
	s8 =	sadd.s32 s8, s5;
	s7 =	sadd.s32 s7, s5  }
0x10: {  	s12 =	sadd.s32 s13, s15;
	s13 =	sadd.s32 s13, s17;
	s15 =	simm.s32 $0x3  }
0x11: {  	s17 =	simm.s32 $0x3C80;
	s6 =	sadd.s32 $0xC400, s7;
	s7 =	sadd.s32 s31, s2  }
0x12: {  	s5 =	sadd.s32 $0x2400, s8;
	s13 =	sadd.s32 $0x27000, s13;
	s8 =	sadd.s32 $0x4000, s7  }
0x13: {  	v0 =	vimm.f32 $0.0e+00;
	s9 =	sadd.s32 $0x8000, s7;
	s10 =	sadd.s32 $0xC000, s7;
	s11 =	sadd.s32 $0x10000, s7  }
.LBB2_1:
0x14: {  	[tilespmem:s4], [sflag:$0x3] =	stream.linear.gather [hbm4b:s5+s4], $0x2800, $0x38;
	[tilespmem:$0x1F580] =	vst v63  }
0x15: {  	_ =	swait.ge [sflag:s15], $0x2800  }
0x16: {  	[sflag:s15] =	ssyncset.done $0x0  }
0x17: {  	[sflag:s15] =	ssyncadd.s32 $0xFFFFD800  }
0x18: {  	[tilespmem:s16], [sflag:$0x3] =	stream.linear.gather [hbm4b:s6+s4], $0x1400, $0x38;
	[tilespmem:$0x1F580] =	vst v63  }
0x19: {  	_ =	swait.ge [sflag:s15], $0x1400  }
0x1a: {  	[sflag:s15] =	ssyncset.done $0x0  }
0x1b: {  	s26 =	simm.s32 $0x0;
	s28 =	simm.s32 $0x200;
	[sflag:s15] =	ssyncadd.s32 $0xFFFFEC00  }
.LBB2_2:
0x1c: {  	p1 =	sne.s32 s28, $0xFE00;
	[tilespmem:s26+$0x3CF0] =	vst v0  }
0x1d: {  	[tilespmem:s26+$0x3C80] =	vst v0  }
0x1e: {  	[tilespmem:s26+$0x3C90] =	vst v0  }
.Ltmp0:
0x1f: {  	[tilespmem:s26+$0x3CA0] =	vst v0;
	(pc) =	sbr.rel @p1 .LBB2_2-.Ltmp0, $4  }
0x20: {  	[tilespmem:s26+$0x3CB0] =	vst v0  }
0x21: {  	[tilespmem:s26+$0x3CC0] =	vst v0  }
0x22: {  	[tilespmem:s26+$0x3CD0] =	vst v0  }
0x23: {  	[tilespmem:s26+$0x3CE0] =	vst v0;
	s26 =	sshra.s32 s28, $0x2;
	s28 =	sadd.s32 $0x200, s28  }
0x24: {  	[tilespmem:s26+$0x3CF0] =	vst v0  }
0x25: {  	[tilespmem:s26+$0x3C80] =	vst v0  }
0x26: {  	[tilespmem:s26+$0x3C90] =	vst v0  }
0x27: {  	[tilespmem:s26+$0x3CA0] =	vst v0  }
0x28: {  	[tilespmem:s26+$0x3CB0] =	vst v0  }
0x29: {  	[tilespmem:s26+$0x3CC0] =	vst v0  }
0x2a: {  	[tilespmem:s26+$0x3CD0] =	vst v0  }
0x2b: {  	[tilespmem:s26+$0x3CE0] =	vst v0  }
0x2c: {  	[spmem:s7] =	stream.linear.scatter [tilespmem:s17], [sflag:$0x3], $0x4000, $0x38;
	[tilespmem:$0x1F580] =	vst v63  }
0x2d: {  	_ =	swait.ge [sflag:s15], $0x4000  }
0x2e: {  	[sflag:s15] =	ssyncset.done $0x0  }
0x2f: {  	[sflag:s15] =	ssyncadd.s32 $0xFFFFC000  }
0x30: {  	[spmem:s8] =	stream.linear.scatter [tilespmem:s17], [sflag:$0x3], $0x4000, $0x38;
	[tilespmem:$0x1F580] =	vst v63  }
0x31: {  	_ =	swait.ge [sflag:s15], $0x4000  }
0x32: {  	[sflag:s15] =	ssyncset.done $0x0  }
0x33: {  	[sflag:s15] =	ssyncadd.s32 $0xFFFFC000  }
0x34: {  	[spmem:s9] =	stream.linear.scatter [tilespmem:s17], [sflag:$0x3], $0x4000, $0x38;
	[tilespmem:$0x1F580] =	vst v63  }
0x35: {  	_ =	swait.ge [sflag:s15], $0x4000  }
0x36: {  	[sflag:s15] =	ssyncset.done $0x0  }
0x37: {  	[sflag:s15] =	ssyncadd.s32 $0xFFFFC000  }
0x38: {  	[spmem:s10] =	stream.linear.scatter [tilespmem:s17], [sflag:$0x3], $0x4000, $0x38;
	[tilespmem:$0x1F580] =	vst v63  }
0x39: {  	_ =	swait.ge [sflag:s15], $0x4000  }
0x3a: {  	[sflag:s15] =	ssyncset.done $0x0  }
0x3b: {  	[sflag:s15] =	ssyncadd.s32 $0xFFFFC000  }
0x3c: {  	[spmem:s11] =	stream.linear.scatter [tilespmem:s17], [sflag:$0x3], $0x3900, $0x38;
	[tilespmem:$0x1F580] =	vst v63  }
0x3d: {  	_ =	swait.ge [sflag:s15], $0x3900  }
0x3e: {  	[sflag:s15] =	ssyncset.done $0x0  }
0x3f: {  	[sflag:s15] =	ssyncadd.s32 $0xFFFFC700  }
0x40: {  	[bflag:$0x0] =	sbarrier.arrive $0xFFFF  }
0x41: {  	[tilespmem:s17], [sflag:$0x1] =	stream.indirect.gather [hbm4b:s0+s18], $0x80, s4, s18, $0xb8;
	[tilespmem:$0x1F580] =	vst v63  }
0x42: {  	_ = 	snop  }
0x43: {  	[tilespmem:s19], [sflag:$0x2] =	stream.indirect.gather [hbm4b:s0+s18], $0x80, s18, s18, $0xb8;
	[tilespmem:$0x1F580] =	vst v63  }
0x44: {  	_ =	swait.ge [sflag:s20], $0x4000  }
0x45: {  	[sflag:s20] =	ssyncset.done $0x0  }
0x46: {  	s26 =	simm.s32 $0x2840;
	[sflag:s20] =	ssyncadd.s32 $0xFFFFC000  }
0x47: {  	v1 =	vld [tilespmem:s26+$0xFFFFFFC0];
	_ =	sdelay $0x4  }
0x48: {  	v2 =	vand.u32 $0xFFFF, v1  }
0x49: {  	v1 =	vshrl.u32 v1, $0x10;
	[tilespmem:$0x3C00] =	vst v2  }
0x4a: {  	[tilespmem:$0x3C10] =	vst v1  }
0x4b: {  	v1 =	vld [tilespmem:s26+$0xFFFFFFD0];
	_ =	sdelay $0x4  }
0x4c: {  	v2 =	vand.u32 $0xFFFF, v1  }
0x4d: {  	v1 =	vshrl.u32 v1, $0x10;
	[tilespmem:$0x3C20] =	vst v2  }
0x4e: {  	[tilespmem:$0x3C30] =	vst v1  }
0x4f: {  	v1 =	vld [tilespmem:s26+$0xFFFFFFE0];
	_ =	sdelay $0x4  }
0x50: {  	v2 =	vand.u32 $0xFFFF, v1  }
0x51: {  	v1 =	vshrl.u32 v1, $0x10;
	[tilespmem:$0x3C40] =	vst v2  }
0x52: {  	[tilespmem:$0x3C50] =	vst v1  }
0x53: {  	v1 =	vld [tilespmem:s26+$0xFFFFFFF0];
	_ =	sdelay $0x4  }
0x54: {  	v2 =	vand.u32 $0xFFFF, v1  }
0x55: {  	v1 =	vshrl.u32 v1, $0x10;
	[tilespmem:$0x3C60] =	vst v2  }
0x56: {  	[tilespmem:$0x3C70] =	vst v1  }
0x57: {  	[spmem:s2] =	stream.indirect.scatter.add.f32 [tilespmem:s17], [sflag:$0x3], $0x80, s21, s18, $0xb8;
	[tilespmem:$0x1F580] =	vst v63  }
0x58: {  	_ =	swait.ge [sflag:s15], $0x4000  }
0x59: {  	[sflag:s15] =	ssyncset.done $0x0  }
0x5a: {  	s28 =	simm.s32 $0x100;
	[sflag:s15] =	ssyncadd.s32 $0xFFFFC000  }
0x5b: {  	[tilespmem:s17], [sflag:$0x1] =	stream.indirect.gather [hbm4b:s0+s18], $0x80, s28, s18, $0xb8;
	[tilespmem:$0x1F580] =	vst v63  }
0x5c: {  	_ =	swait.ge [sflag:s22], $0x4000  }
0x5d: {  	[sflag:s22] =	ssyncset.done $0x0  }
0x5e: {  	[sflag:s22] =	ssyncadd.s32 $0xFFFFC000  }
0x5f: {  	v1 =	vld [tilespmem:s26+$0x0];
	_ =	sdelay $0x4  }
0x60: {  	v2 =	vand.u32 $0xFFFF, v1  }
0x61: {  	v1 =	vshrl.u32 v1, $0x10;
	[tilespmem:$0x3C00] =	vst v2  }
0x62: {  	[tilespmem:$0x3C10] =	vst v1  }
0x63: {  	v1 =	vld [tilespmem:s26+$0x10];
	_ =	sdelay $0x4  }
0x64: {  	v2 =	vand.u32 $0xFFFF, v1  }
0x65: {  	v1 =	vshrl.u32 v1, $0x10;
	[tilespmem:$0x3C20] =	vst v2  }
0x66: {  	[tilespmem:$0x3C30] =	vst v1  }
0x67: {  	v1 =	vld [tilespmem:s26+$0x20];
	_ =	sdelay $0x4  }
0x68: {  	v2 =	vand.u32 $0xFFFF, v1  }
0x69: {  	v1 =	vshrl.u32 v1, $0x10;
	[tilespmem:$0x3C40] =	vst v2  }
0x6a: {  	[tilespmem:$0x3C50] =	vst v1  }
0x6b: {  	v1 =	vld [tilespmem:s26+$0x30];
	_ =	sdelay $0x1  }
0x6c: {  	s30 =	simm.s32 $0x180;
	s28 =	simm.s32 $0xFFFF6800  }
.LBB2_4:
0x6d: {  	p1 =	sne.s32 s28, $0xFFFFFC00  }
0x6e: {  	s26 =	sadd.s32 $0x80, s26;
	s29 =	smov.u32 s28;
	s28 =	sadd.s32 $0x400, s28  }
0x6f: {  	v2 =	vand.u32 $0xFFFF, v1;
	v1 =	vshrl.u32 v1, $0x10  }
0x70: {  	[tilespmem:$0x3C60] =	vst v2  }
0x71: {  	[tilespmem:$0x3C70] =	vst v1  }
0x72: {  	[spmem:s2] =	stream.indirect.scatter.add.f32 [tilespmem:s19], [sflag:$0x3], $0x80, s21, s18, $0xb8;
	[tilespmem:$0x1F580] =	vst v63  }
0x73: {  	_ =	swait.ge [sflag:s15], $0x4000  }
0x74: {  	[sflag:s15] =	ssyncset.done $0x0  }
0x75: {  	[sflag:s15] =	ssyncadd.s32 $0xFFFFC000  }
0x76: {  	[tilespmem:s19], [sflag:$0x2] =	stream.indirect.gather [hbm4b:s0+s18], $0x80, s30, s18, $0xb8;
	[tilespmem:$0x1F580] =	vst v63  }
0x77: {  	_ =	swait.ge [sflag:s20], $0x4000  }
0x78: {  	[sflag:s20] =	ssyncset.done $0x0  }
0x79: {  	[sflag:s20] =	ssyncadd.s32 $0xFFFFC000  }
0x7a: {  	v1 =	vld [tilespmem:s26+$0xFFFFFFC0];
	_ =	sdelay $0x4  }
0x7b: {  	v2 =	vand.u32 $0xFFFF, v1;
	v1 =	vshrl.u32 v1, $0x10  }
0x7c: {  	[tilespmem:$0x3C00] =	vst v2  }
0x7d: {  	[tilespmem:$0x3C10] =	vst v1  }
0x7e: {  	v1 =	vld [tilespmem:s26+$0xFFFFFFD0];
	_ =	sdelay $0x4  }
0x7f: {  	v2 =	vand.u32 $0xFFFF, v1;
	v1 =	vshrl.u32 v1, $0x10  }
0x80: {  	[tilespmem:$0x3C20] =	vst v2  }
0x81: {  	[tilespmem:$0x3C30] =	vst v1  }
0x82: {  	v1 =	vld [tilespmem:s26+$0xFFFFFFE0];
	_ =	sdelay $0x4  }
0x83: {  	v2 =	vand.u32 $0xFFFF, v1;
	v1 =	vshrl.u32 v1, $0x10  }
0x84: {  	[tilespmem:$0x3C40] =	vst v2  }
0x85: {  	[tilespmem:$0x3C50] =	vst v1  }
0x86: {  	v1 =	vld [tilespmem:s26+$0xFFFFFFF0];
	_ =	sdelay $0x4  }
0x87: {  	v2 =	vand.u32 $0xFFFF, v1;
	v1 =	vshrl.u32 v1, $0x10  }
0x88: {  	s29 =	sshra.s32 s29, $0x2;
	[tilespmem:$0x3C60] =	vst v2  }
0x89: {  	s30 =	sadd.s32 $0x2800, s29;
	[tilespmem:$0x3C70] =	vst v1  }
0x8a: {  	[spmem:s2] =	stream.indirect.scatter.add.f32 [tilespmem:s17], [sflag:$0x3], $0x80, s21, s18, $0xb8;
	[tilespmem:$0x1F580] =	vst v63  }
0x8b: {  	_ =	swait.ge [sflag:s15], $0x4000  }
0x8c: {  	[sflag:s15] =	ssyncset.done $0x0  }
0x8d: {  	[sflag:s15] =	ssyncadd.s32 $0xFFFFC000  }
0x8e: {  	[tilespmem:s17], [sflag:$0x1] =	stream.indirect.gather [hbm4b:s0+s18], $0x80, s30, s18, $0xb8;
	[tilespmem:$0x1F580] =	vst v63  }
0x8f: {  	_ =	swait.ge [sflag:s22], $0x4000  }
0x90: {  	[sflag:s22] =	ssyncset.done $0x0  }
0x91: {  	[sflag:s22] =	ssyncadd.s32 $0xFFFFC000  }
0x92: {  	v1 =	vld [tilespmem:s26+$0x0];
	_ =	sdelay $0x4  }
0x93: {  	v2 =	vand.u32 $0xFFFF, v1;
	v1 =	vshrl.u32 v1, $0x10  }
0x94: {  	[tilespmem:$0x3C00] =	vst v2  }
0x95: {  	[tilespmem:$0x3C10] =	vst v1  }
0x96: {  	v1 =	vld [tilespmem:s26+$0x10];
	_ =	sdelay $0x4  }
0x97: {  	v2 =	vand.u32 $0xFFFF, v1;
	v1 =	vshrl.u32 v1, $0x10  }
0x98: {  	[tilespmem:$0x3C20] =	vst v2  }
0x99: {  	[tilespmem:$0x3C30] =	vst v1  }
0x9a: {  	v1 =	vld [tilespmem:s26+$0x20];
	_ =	sdelay $0x4  }
0x9b: {  	v2 =	vand.u32 $0xFFFF, v1;
	v1 =	vshrl.u32 v1, $0x10  }
0x9c: {  	[tilespmem:$0x3C40] =	vst v2  }
.Ltmp1:
0x9d: {  	[tilespmem:$0x3C50] =	vst v1;
	(pc) =	sbr.rel @p1 .LBB2_4-.Ltmp1, $2  }
0x9e: {  	v1 =	vld [tilespmem:s26+$0x30];
	_ =	sdelay $0x2  }
0x9f: {  	s30 =	sadd.s32 $0x2880, s29  }
0xa0: {  	_ = 	snop  }
0xa1: {  	v2 =	vand.u32 $0xFFFF, v1  }
0xa2: {  	v1 =	vshrl.u32 v1, $0x10;
	[tilespmem:$0x3C60] =	vst v2  }
0xa3: {  	[tilespmem:$0x3C70] =	vst v1  }
0xa4: {  	[spmem:s2] =	stream.indirect.scatter.add.f32 [tilespmem:s19], [sflag:$0x3], $0x80, s21, s18, $0xb8;
	[tilespmem:$0x1F580] =	vst v63  }
0xa5: {  	_ =	swait.ge [sflag:s15], $0x4000  }
0xa6: {  	[sflag:s15] =	ssyncset.done $0x0  }
0xa7: {  	[sflag:s15] =	ssyncadd.s32 $0xFFFFC000  }
0xa8: {  	[tilespmem:s19], [sflag:$0x2] =	stream.indirect.gather [hbm4b:s0+s18], $0x80, s30, s18, $0xb8;
	[tilespmem:$0x1F580] =	vst v63  }
0xa9: {  	_ =	swait.ge [sflag:s20], $0x4000  }
0xaa: {  	[sflag:s20] =	ssyncset.done $0x0  }
0xab: {  	[sflag:s20] =	ssyncadd.s32 $0xFFFFC000  }
0xac: {  	v1 =	vld [tilespmem:$0x3B80];
	_ =	sdelay $0x1  }
0xad: {  	v2 =	vld [tilespmem:$0x3B90];
	_ =	sdelay $0x1  }
0xae: {  	v3 =	vld [tilespmem:$0x3BA0]  }
0xaf: {  	v4 =	vand.u32 $0xFFFF, v1  }
0xb0: {  	v61 =	vld [tilespmem:$0x3BB0];
	v1 =	vshrl.u32 v1, $0x10;
	[tilespmem:$0x3C00] =	vst v4  }
0xb1: {  	[tilespmem:$0x3C10] =	vst v1;
	v1 =	vand.u32 $0xFFFF, v2  }
0xb2: {  	[tilespmem:$0x3C20] =	vst v1;
	v1 =	vshrl.u32 v2, $0x10  }
0xb3: {  	[tilespmem:$0x3C30] =	vst v1;
	v1 =	vand.u32 $0xFFFF, v3  }
0xb4: {  	[tilespmem:$0x3C40] =	vst v1;
	v1 =	vshrl.u32 v3, $0x10  }
0xb5: {  	[tilespmem:$0x3C50] =	vst v1;
	v1 =	vand.u32 $0xFFFF, v61  }
0xb6: {  	[tilespmem:$0x3C60] =	vst v1;
	v1 =	vshrl.u32 v61, $0x10  }
0xb7: {  	[tilespmem:$0x3C70] =	vst v1  }
0xb8: {  	[spmem:s2] =	stream.indirect.scatter.add.f32 [tilespmem:s17], [sflag:$0x3], $0x80, s21, s18, $0xb8;
	[tilespmem:$0x1F580] =	vst v63  }
0xb9: {  	_ =	swait.ge [sflag:s15], $0x4000  }
0xba: {  	[sflag:s15] =	ssyncset.done $0x0  }
0xbb: {  	[sflag:s15] =	ssyncadd.s32 $0xFFFFC000  }
0xbc: {  	_ =	swait.ge [sflag:s22], $0x4000  }
0xbd: {  	[sflag:s22] =	ssyncset.done $0x0  }
0xbe: {  	[sflag:s22] =	ssyncadd.s32 $0xFFFFC000  }
0xbf: {  	v1 =	vld [tilespmem:$0x3BC0];
	_ =	sdelay $0x1  }
0xc0: {  	v2 =	vld [tilespmem:$0x3BD0];
	_ =	sdelay $0x1  }
0xc1: {  	v3 =	vld [tilespmem:$0x3BE0]  }
0xc2: {  	v62 =	vand.u32 $0xFFFF, v1  }
0xc3: {  	v63 =	vld [tilespmem:$0x3BF0];
	v1 =	vshrl.u32 v1, $0x10;
	[tilespmem:$0x3C00] =	vst v62  }
0xc4: {  	[tilespmem:$0x3C10] =	vst v1;
	v1 =	vand.u32 $0xFFFF, v2  }
0xc5: {  	[tilespmem:$0x3C20] =	vst v1;
	v1 =	vshrl.u32 v2, $0x10  }
0xc6: {  	[tilespmem:$0x3C30] =	vst v1;
	v1 =	vand.u32 $0xFFFF, v3  }
0xc7: {  	[tilespmem:$0x3C40] =	vst v1;
	v1 =	vshrl.u32 v3, $0x10  }
0xc8: {  	[tilespmem:$0x3C50] =	vst v1;
	v1 =	vand.u32 $0xFFFF, v63  }
0xc9: {  	[tilespmem:$0x3C60] =	vst v1;
	v1 =	vshrl.u32 v63, $0x10  }
0xca: {  	[tilespmem:$0x3C70] =	vst v1  }
0xcb: {  	[spmem:s2] =	stream.indirect.scatter.add.f32 [tilespmem:s19], [sflag:$0x3], $0x80, s21, s18, $0xb8;
	[tilespmem:$0x1F580] =	vst v63  }
0xcc: {  	_ =	swait.ge [sflag:s15], $0x4000  }
0xcd: {  	[sflag:s15] =	ssyncset.done $0x0  }
0xce: {  	s26 =	sshll.u32 s3, $0x6;
	[sflag:s15] =	ssyncadd.s32 $0xFFFFC000  }
0xcf: {  	s26 =	sor.u32 $0x1C03, s26;
	[bflag:$0x0] =	sbarrier.arrive $0xFFFF  }
0xd0: {  	[hbm:s12], [sflag:s26] =	dma.local [spmem:s23], $0x2700  }
0xd1: {  	_ =	swait.ge [sflag:s15], $0x2700  }
0xd2: {  	s25 =	sadd.s32 $0x1, s25;
	[sflag:s15] =	ssyncset.done $0x0  }
0xd3: {  	p1 =	sne.s32 s25, s14;
	[sflag:s15] =	ssyncadd.s32 $0xFFFFD900  }
0xd4: {  	[hbm:s13], [sflag:s26] =	dma.local @!p0 [spmem:s24], $0x100  }
.Ltmp2:
0xd5: {  	_ = 	snop;
	(pc) =	sbr.rel @p1 .LBB2_1-.Ltmp2, $4  }
0xd6: {  	s26 =	simm.s32 @!p0 $0x3  }
0xd7: {  	_ =	swait.ge @!p0 [sflag:s26], $0x100  }
0xd8: {  	[sflag:s26] =	ssyncset.done @!p0 $0x0  }
0xd9: {  	[sflag:s26] =	ssyncadd.s32 @!p0 $0xFFFFFF00  }
0xda: {  	_ =	sfence.sel $0x180000  }
0xdb: {  	[bflag:$0x0] =	sbarrier.arrive $0xFFFF  }
0xdc: {  	_ =	strace $0x9000004D  }
0xdd: {  	s0 =	sadd.s32 @!p0 $0x100000, s1;
	[bflag:$0x2] =	sbarrier.arrive $0xFFFF  }
0xde: {  	[sflag:s0] =	ssyncadd.tile.s32 @!p0 $0x1;
	_ =	shalt  }
.Lfunc_end2:
_tile_overlayer_lowered:
.L_overlay_start_2:
0xdf: {  	(tag) =	ssettag $0x2  }
0xe0: {  	s0 =	rddreg [dreg:$0x0];
	s2 =	stileid.u32  }
0xe1: {  	s1 =	rddreg [dreg:$0x1];
	p0 =	sne.s32 s2, $0x0  }
0xe2: {  	s3 =	rddreg [dreg:$0x2];
	[bflag:$0x3] =	sbarrier.arrive $0xFFFF;
	s2 =	simm.s32 @!p0 $0x1C03  }
0xe3: {  	[timem:s3], [sflag:s2] =	dma.local @!p0 [hbm:s0], s1  }
0xe4: {  	s0 =	simm.s32 @!p0 $0x3  }
0xe5: {  	_ =	swait.ge @!p0 [sflag:s0], s1  }
0xe6: {  	s1 =	ssub.s32 @!p0 $0x0, s1;
	[sflag:s0] =	ssyncset.done @!p0 $0x0  }
0xe7: {  	[sflag:s0] =	ssyncadd.s32 @!p0 s1  }
0xe8: {  	[bflag:$0x3] =	sbarrier.arrive $0xFFFF  }
0xe9: {  	_ =	shalt  }

// kernel: kernel.7.cloned.1.call-start
scs
__scs_entry_jumppad:
0x0: {  	(pc) =	sbr.rel $0x88, $3  }
0x1: {  	(tag) =	ssettag $0x0;
	lr =	simm.s32 $0x1  }
0x2: {  	[smem:$0x3F99] =	sst lr;
	_ =	strace $0xD0000000  }
0x3: {  	_ = 	snop  }
0x4: {  	_ = 	snop  }
0x5: {  	_ = 	snop  }
0x6: {  	_ = 	snop  }
0x7: {  	_ = 	snop  }
__scs_overlays_trampoline_lowered:
0x8: {  	[smem:$0x3FA8] =	sst s0  }
0x9: {  	[smem:$0x3FA9] =	sst s1  }
0xa: {  	[smem:$0x3FAA] =	sst s2  }
0xb: {  	[smem:$0x3FAB] =	sst s3  }
0xc: {  	[smem:$0x3FAC] =	sst s4  }
0xd: {  	[smem:$0x3FAD] =	sst s5  }
0xe: {  	[smem:$0x3FAE] =	sst s6  }
0xf: {  	[smem:$0x3FAF] =	sst s7  }
0x10: {  	[smem:$0x3FB0] =	sst s8  }
0x11: {  	[smem:$0x3FB1] =	sst s9;
	s0 =	simm.s32 @!p0 $0x0  }
0x12: {  	s1 =	sld [smem:$0x3F97];
	s0 =	simm.s32 @p0 $0x1  }
0x13: {  	[smem:$0x3FB2] =	sst s0;
	s0 =	simm.s32 @!p1 $0x0  }
0x14: {  	s2 =	sld [smem:$0x3F96];
	s0 =	simm.s32 @p1 $0x1  }
0x15: {  	[smem:$0x3FB3] =	sst s0;
	s0 =	simm.s32 @!p2 $0x0  }
0x16: {  	s3 =	sld [smem:$0x3FDB];
	s0 =	simm.s32 @p2 $0x1  }
0x17: {  	s4 =	simm.s32 $0x1BF5;
	[smem:$0x3FB5] =	sst s0  }
0x18: {  	s0 =	sld [smem:$0x3F98];
	_ =	swait.ge [sflag:s4], $0x0  }
0x19: {  	s7 =	sld [smem:$0x3F99]  }
0x1a: {  	s8 =	sadd.s32 $0xFFFFE003, lr  }
0x1b: {  	s9 =	sadd.s32 $0xFFFFFEF7, lr;
	s5 =	simm.s32 $0xFFFFFFFF;
	p2 =	slt.u32 s8, $0xFFFFF086  }
0x1c: {  	p1 =	slt.u32 s9, $0xF7A;
	s5 =	simm.s32 @!p2 $0x0  }
0x1d: {  	s5 =	simm.s32 @p1 $0x1;
	p0 =	seq.s32 s7, s2  }
0x1e: {  	s7 =	smul.u32 @!p0 $0xF7A, s2;
	p2 =	seq.s32 @!p0 s5, $0x0  }
0x1f: {  	s9 =	smul.u32 $0xF7A, s1;
	s8 =	simm.s32 @!p0 $0x1BF5;
	p2 =	por !p2, p0  }
0x20: {  	[sflag:s8] =	ssyncset.s32 @!p0 $0xFFFFF086;
	s6 =	sadd.s32 @!p0 s3, s7;
	s7 =	simm.s32 @!p0 $0x108  }
0x21: {  	s3 =	sadd.s32 s3, s9;
	s6 =	sadd.s32 @!p0 $0x88, s6;
	s7 =	simm.s32 @p2 $0x1082  }
0x22: {  	[simem:s7], [sflag:s8] =	dma.local @!p0 [hbm:s6], $0xF7A  }
0x23: {  	s9 =	sor.u32 $0xD0000000, s2;
	s6 =	simm.s32 $0x108;
	_ =	swait.ge @!p0 [sflag:s8], $0x0  }
0x24: {  	s3 =	sadd.s32 $0x88, s3;
	s6 =	simm.s32 @!p1 $0x1082;
	[sflag:s4] =	ssyncset.s32 $0xFFFFF086  }
0x25: {  	[simem:s6], [sflag:s4] =	dma.local [hbm:s3], $0xF7A  }
0x26: {  	[smem:$0x3F99] =	sst s1;
	(tag) =	ssettag s2;
	_ =	strace s9  }
0x27: {  	s1 =	sld [smem:$0x3FA9]  }
0x28: {  	s2 =	sld [smem:$0x3FAA]  }
0x29: {  	s4 =	sld [smem:$0x3FAC]  }
0x2a: {  	p0 =	seq.s32 s5, $0x0;
	s5 =	sld [smem:$0x3FAD]  }
0x2b: {  	s6 =	sld [smem:$0x3FAE]  }
0x2c: {  	s7 =	sld [smem:$0x3FAF]  }
0x2d: {  	s3 =	simm.s32 $0x108;
	s8 =	sld [smem:$0x3FB0]  }
0x2e: {  	s3 =	simm.s32 @!p0 $0x1082;
	s9 =	sld [smem:$0x3FB1]  }
0x2f: {  	lr =	sadd.s32 s0, s3;
	s0 =	sld [smem:$0x3FA8]  }
0x30: {  	s3 =	sld [smem:$0x3FAB]  }
0x31: {  	[smem:$0x3FB4] =	sst s10  }
0x32: {  	s10 =	sld [smem:$0x3FB2];
	_ =	sdelay $0x3  }
0x33: {  	p0 =	seq.s32 s10, $0x1;
	s10 =	sld [smem:$0x3FB4];
	_ =	sdelay $0x3  }
0x34: {  	[smem:$0x3FB4] =	sst s10  }
0x35: {  	s10 =	sld [smem:$0x3FB3];
	_ =	sdelay $0x3  }
0x36: {  	p1 =	seq.s32 s10, $0x1;
	s10 =	sld [smem:$0x3FB4];
	_ =	sdelay $0x3  }
0x37: {  	[smem:$0x3FB4] =	sst s10  }
0x38: {  	s10 =	sld [smem:$0x3FB5]  }
0x39: {  	_ = 	snop;
	(pc) =	sbr.ind lr, $3  }
0x3a: {  	_ = 	snop  }
0x3b: {  	_ = 	snop  }
0x3c: {  	p2 =	seq.s32 s10, $0x1;
	s10 =	sld [smem:$0x3FB4]  }
0x3d: {  	_ =	shalt  }
0x3e: {  	_ =	shalt  }
0x3f: {  	_ =	shalt  }
0x40: {  	_ =	shalt  }
0x41: {  	_ =	shalt  }
0x42: {  	_ =	shalt  }
0x43: {  	_ =	shalt  }
0x44: {  	_ =	shalt  }
0x45: {  	_ =	shalt  }
0x46: {  	_ =	shalt  }
0x47: {  	_ =	shalt  }
0x48: {  	_ =	shalt  }
0x49: {  	_ =	shalt  }
0x4a: {  	_ =	shalt  }
0x4b: {  	_ =	shalt  }
0x4c: {  	_ =	shalt  }
0x4d: {  	_ =	shalt  }
0x4e: {  	_ =	shalt  }
0x4f: {  	_ =	shalt  }
0x50: {  	_ =	shalt  }
0x51: {  	_ =	shalt  }
0x52: {  	_ =	shalt  }
0x53: {  	_ =	shalt  }
0x54: {  	_ =	shalt  }
0x55: {  	_ =	shalt  }
0x56: {  	_ =	shalt  }
0x57: {  	_ =	shalt  }
0x58: {  	_ =	shalt  }
0x59: {  	_ =	shalt  }
0x5a: {  	_ =	shalt  }
0x5b: {  	_ =	shalt  }
0x5c: {  	_ =	shalt  }
0x5d: {  	_ =	shalt  }
0x5e: {  	_ =	shalt  }
0x5f: {  	_ =	shalt  }
0x60: {  	_ =	shalt  }
0x61: {  	_ =	shalt  }
0x62: {  	_ =	shalt  }
0x63: {  	_ =	shalt  }
0x64: {  	_ =	shalt  }
0x65: {  	_ =	shalt  }
0x66: {  	_ =	shalt  }
0x67: {  	_ =	shalt  }
0x68: {  	_ =	shalt  }
0x69: {  	_ =	shalt  }
0x6a: {  	_ =	shalt  }
0x6b: {  	_ =	shalt  }
0x6c: {  	_ =	shalt  }
0x6d: {  	_ =	shalt  }
0x6e: {  	_ =	shalt  }
0x6f: {  	_ =	shalt  }
0x70: {  	_ =	shalt  }
0x71: {  	_ =	shalt  }
0x72: {  	_ =	shalt  }
0x73: {  	_ =	shalt  }
0x74: {  	_ =	shalt  }
0x75: {  	_ =	shalt  }
0x76: {  	_ =	shalt  }
0x77: {  	_ =	shalt  }
0x78: {  	_ =	shalt  }
0x79: {  	_ =	shalt  }
0x7a: {  	_ =	shalt  }
0x7b: {  	_ =	shalt  }
0x7c: {  	_ =	shalt  }
0x7d: {  	_ =	shalt  }
0x7e: {  	_ =	shalt  }
0x7f: {  	_ =	shalt  }
0x80: {  	_ =	shalt  }
0x81: {  	_ =	shalt  }
0x82: {  	_ =	shalt  }
0x83: {  	_ =	shalt  }
0x84: {  	_ =	shalt  }
0x85: {  	_ =	shalt  }
0x86: {  	_ =	shalt  }
0x87: {  	_ =	shalt  }
.Lfunc_end0:
.L_simem_size_0:
called_computation_lowered:
.L_overlay_start_0:
0x88: {  	s2 =	sld [smem:$0x3FD9]  }
0x89: {  	s3 =	sld [smem:$0x3FFE];
	_ =	sdelay $0x1  }
0x8a: {  	s1 =	srdreg.scid  }
0x8b: {  	s0 =	sand.u32 $0x1, s1  }
0x8c: {  	s16 =	sshll.u32 s0, $0xA;
	s2 =	sadd.s32 s3, s2  }
0x8d: {  	s2 =	sadd.s32 s2, s16  }
0x8e: {  	[smem:$0x3FC0] =	sst s2  }
0x8f: {  	_ = 	snop  }
0x90: {  	(tm) =	ssettm $0x1  }
0x91: {  	s17 =	sld [smem:$0x3FFB];
	_ =	sdelay $0x3  }
0x92: {  	_ =	strace s17  }
0x93: {  	s2 =	sld [smem:$0x3FFC];
	_ =	sdelay $0x3  }
0x94: {  	_ =	strace s2  }
0x95: {  	s2 =	sld [smem:$0x3FFD];
	_ =	sdelay $0x3  }
0x96: {  	_ =	strace s2  }
0x97: {  	_ =	strace $0x8FFFFFFF  }
0x98: {  	s18 =	sld [smem:$0x3FDB];
	_ =	sdelay $0x1  }
0x99: {  	s19 =	simm.s32 $_scs_section_size  }
0x9a: {  	s4 =	simm.s32 $_size__tile_overlayer_lowered;
	s5 =	simm.s32 $_tile_overlayer_lowered  }
0x9b: {  	s22 =	simm.s32 $0x1BFF;
	s21 =	sshll.u32 s5, $0x1;
	s2 =	sadd.s32 s19, s18  }
0x9c: {  	s6 =	simm.s32 $0x0;
	s20 =	sshll.u32 s4, $0x1;
	s4 =	sadd.s32 s21, s2  }
0x9d: {  	[timem:s6], [sflag:s22] =	dma.local [hbm:s4], s20  }
0x9e: {  	_ =	swait.ge [sflag:s22], s20  }
0x9f: {  	s3 =	ssub.s32 $0x0, s20;
	[sflag:s22] =	ssyncset.done $0x0  }
0xa0: {  	[sflag:s22] =	ssyncadd.s32 s3;
	_ =	sdelay $0x1  }
0xa1: {  	s23 =	simm.s32 $0x1B8B  }
0xa2: {  	_ =	swait.ge [sflag:s23], $0x1  }
0xa3: {  	[sflag:s23] =	ssyncset.done $0x0  }
0xa4: {  	s25 =	simm.s32 $0x1B8E;
	s24 =	sld [smem:$0x3FFE];
	[sflag:s23] =	ssyncadd.s32 $0xFFFFFFFF  }
0xa5: {  	s26 =	simm.s32 $execute0_lowered;
	[smem:$0x3FD2] =	sst s25  }
0xa6: {  	s4 =	sshll.u32 s26, $0x1;
	_ =	strace $0x80000046;
	[dreg:$0x1] =	wrdreg $0xFFFFFFFF  }
0xa7: {  	s28 =	simm.s32 $_size_execute0_lowered;
	s2 =	sadd.s32 s2, s4;
	[dreg:$0x0] =	wrdreg $0x0  }
0xa8: {  	s4 =	sshll.u32 s28, $0x1;
	[dreg:$0x2] =	wrdreg s2  }
0xa9: {  	[dreg:$0x3] =	wrdreg s4  }
0xaa: {  	[dreg:$0x4] =	wrdreg $0xC0  }
0xab: {  	_ =	task [dreg:s6], $0x5FFFF  }
0xac: {  	[dreg:$0x1] =	wrdreg $0xFFFFFFFF  }
0xad: {  	[dreg:$0x0] =	wrdreg $0x60  }
0xae: {  	[dreg:$0x2] =	wrdreg s24  }
0xaf: {  	[dreg:$0x3] =	wrdreg $0x54800  }
0xb0: {  	[dreg:$0x4] =	wrdreg $0x9  }
0xb1: {  	_ =	task.clear_ibuf [dreg:s6], $0x5FFFF;
	_ =	strace $0x90000046  }
0xb2: {  	s29 =	simm.s32 $0x9;
	_ =	strace $0x80000048  }
0xb3: {  	_ =	swait.ge [sflag:s29], $0x1  }
0xb4: {  	[sflag:s29] =	ssyncadd.s32 $0xFFFFFFFF  }
0xb5: {  	_ =	strace $0x90000048  }
0xb6: {  	_ =	sfence  }
0xb7: {  	s30 =	sld [smem:$0x0];
	_ =	sdelay $0x2  }
0xb8: {  	s31 =	sshll.u32 s1, $0xD;
	s1 =	sshrl.u32 s1, $0x2  }
0xb9: {  	s3 =	sand.u32 $0x4000, s31;
	s1 =	sadd.s32 s1, s30  }
0xba: {  	s0 =	sor.u32 s3, s0;
	s1 =	sshll.u32 s1, $0x11  }
0xbb: {  	s0 =	sor.u32 s1, s0  }
0xbc: {  	s0 =	sadd.s32 $0x8F2B, s0  }
0xbd: {  	[sflag:s0] =	ssyncadd.remote.s32 $0x1  }
0xbe: {  	_ =	sfence.sel $0xFFFF  }
0xbf: {  	[dreg:$0x0] =	wrdreg $0xFFFFFFFF;
	(pc) =	sbr.abs _section_cstart, $3  }
0xc0: {  	[dreg:$0x1] =	wrdreg $0xFFFFFFFF  }
0xc1: {  	_ =	task.clear_ibuf [dreg:s6], $0x2FFFF;
	_ =	strace $0x9FFFFFFF  }
0xc2: {  	(tm) =	ssettm $0x7FFFFFFF  }
0xc3: {  	_ =	shalt  }
tec
execute0_lowered:
.L_overlay_start_1:
0x0: {  	(tag) =	ssettag $0x1  }
0x1: {  	s0 =	srdreg.scid;
	s4 =	rddreg [dreg:$0x0]  }
0x2: {  	s1 =	rddreg [dreg:$0x1];
	s2 =	stileid.u32  }
0x3: {  	s3 =	simm.s32 $0x0;
	s16 =	simm.s32 $0x1400;
	s19 =	simm.s32 $0x0  }
0x4: {  	s5 =	sand.u32 $0x1, s0;
	s0 =	rddreg [dreg:$0x2];
	s7 =	smul.u32 $0x4E400, s2  }
0x5: {  	[smem:$0x7FF] =	sst s3;
	s11 =	sadd.s32 $0x11400, s4;
	s9 =	smul.u32 $0x13800, s2  }
0x6: {  	s14 =	smul.u32 $0x4E000, s2;
	s18 =	sadd.s32 $0x138000, s1;
	p0 =	sne.s32 s2, $0x0  }
0x7: {  	s6 =	sshll.u32 s5, $0x4;
	_ =	strace $0x80000047;
	s30 =	ssub.s32 $0x2, s5  }
0x8: {  	s10 =	smul.u32 $0x138800, s5;
	s18 =	sshrl.u32 @!p0 s18, $0x3;
	s6 =	sor.u32 s2, s6  }
0x9: {  	s8 =	sshrl.u32 s30, $0x1;
	s7 =	sshrl.u32 s7, $0x2;
	s31 =	sshrl.u32 s14, $0x2  }
0xa: {  	s14 =	simm.s32 $0x1480;
	s6 =	smul.u32 $0x280, s6;
	s12 =	ssub.s32 s30, s8  }
0xb: {  	s13 =	sadd.s32 s9, s10;
	s15 =	sshrl.u32 s10, $0x3;
	s17 =	sadd.s32 s31, s1  }
0xc: {  	s13 =	sshrl.u32 s13, $0x3;
	s12 =	smax.u32 s12, $0x1;
	s17 =	sshrl.u32 s17, $0x3  }
0xd: {  	s6 =	sadd.s32 s6, s4;
	s4 =	sadd.s32 s7, s1;
	s10 =	sadd.s32 s11, s13  }
0xe: {  	s11 =	sadd.s32 s11, s15;
	s13 =	simm.s32 $0x1;
	s15 =	simm.s32 $0x80  }
0xf: {  	s5 =	sadd.s32 $0xC400, s6;
	s6 =	sadd.s32 $0x4000, s4;
	s7 =	sadd.s32 $0x8000, s4  }
0x10: {  	v0 =	vimm.f32 $0.0e+00;
	v1 =	vimm.f32 $1.000000000e+00;
	s8 =	sadd.s32 $0xC000, s4;
	s9 =	sadd.s32 $0x10000, s4;
	s11 =	sadd.s32 $0x27000, s11  }
.LBB2_1:
0x11: {  	[tilespmem:s3], [sflag:$0x1] =	stream.linear.gather [hbm4b:s5+s3], $0x1400, $0x38;
	[tilespmem:$0x18D80] =	vst v63  }
0x12: {  	_ =	swait.ge [sflag:s13], $0x1400  }
0x13: {  	[sflag:s13] =	ssyncset.done $0x0  }
0x14: {  	s20 =	simm.s32 $0x0;
	s21 =	simm.s32 $0x200;
	[sflag:s13] =	ssyncadd.s32 $0xFFFFEC00  }
.LBB2_2:
0x15: {  	p1 =	sne.s32 s21, $0xFE00;
	[tilespmem:s20+$0x14F0] =	vst v0  }
0x16: {  	[tilespmem:s20+$0x1480] =	vst v0  }
0x17: {  	[tilespmem:s20+$0x1490] =	vst v0  }
.Ltmp0:
0x18: {  	[tilespmem:s20+$0x14A0] =	vst v0;
	(pc) =	sbr.rel @p1 .LBB2_2-.Ltmp0, $4  }
0x19: {  	[tilespmem:s20+$0x14B0] =	vst v0  }
0x1a: {  	[tilespmem:s20+$0x14C0] =	vst v0  }
0x1b: {  	[tilespmem:s20+$0x14D0] =	vst v0  }
0x1c: {  	[tilespmem:s20+$0x14E0] =	vst v0;
	s20 =	sshra.s32 s21, $0x2;
	s21 =	sadd.s32 $0x200, s21  }
0x1d: {  	[tilespmem:s20+$0x14F0] =	vst v0  }
0x1e: {  	[tilespmem:s20+$0x1480] =	vst v0  }
0x1f: {  	[tilespmem:s20+$0x1490] =	vst v0  }
0x20: {  	[tilespmem:s20+$0x14A0] =	vst v0  }
0x21: {  	[tilespmem:s20+$0x14B0] =	vst v0  }
0x22: {  	[tilespmem:s20+$0x14C0] =	vst v0  }
0x23: {  	[tilespmem:s20+$0x14D0] =	vst v0  }
0x24: {  	[tilespmem:s20+$0x14E0] =	vst v0  }
0x25: {  	[spmem:s4] =	stream.linear.scatter [tilespmem:s14], [sflag:$0x1], $0x4000, $0x38;
	[tilespmem:$0x18D80] =	vst v63  }
0x26: {  	_ =	swait.ge [sflag:s13], $0x4000  }
0x27: {  	[sflag:s13] =	ssyncset.done $0x0  }
0x28: {  	[sflag:s13] =	ssyncadd.s32 $0xFFFFC000  }
0x29: {  	[spmem:s6] =	stream.linear.scatter [tilespmem:s14], [sflag:$0x1], $0x4000, $0x38;
	[tilespmem:$0x18D80] =	vst v63  }
0x2a: {  	_ =	swait.ge [sflag:s13], $0x4000  }
0x2b: {  	[sflag:s13] =	ssyncset.done $0x0  }
0x2c: {  	[sflag:s13] =	ssyncadd.s32 $0xFFFFC000  }
0x2d: {  	[spmem:s7] =	stream.linear.scatter [tilespmem:s14], [sflag:$0x1], $0x4000, $0x38;
	[tilespmem:$0x18D80] =	vst v63  }
0x2e: {  	_ =	swait.ge [sflag:s13], $0x4000  }
0x2f: {  	[sflag:s13] =	ssyncset.done $0x0  }
0x30: {  	[sflag:s13] =	ssyncadd.s32 $0xFFFFC000  }
0x31: {  	[spmem:s8] =	stream.linear.scatter [tilespmem:s14], [sflag:$0x1], $0x4000, $0x38;
	[tilespmem:$0x18D80] =	vst v63  }
0x32: {  	_ =	swait.ge [sflag:s13], $0x4000  }
0x33: {  	[sflag:s13] =	ssyncset.done $0x0  }
0x34: {  	[sflag:s13] =	ssyncadd.s32 $0xFFFFC000  }
0x35: {  	[spmem:s9] =	stream.linear.scatter [tilespmem:s14], [sflag:$0x1], $0x3900, $0x38;
	[tilespmem:$0x18D80] =	vst v63  }
0x36: {  	_ =	swait.ge [sflag:s13], $0x3900  }
0x37: {  	[sflag:s13] =	ssyncset.done $0x0  }
0x38: {  	s20 =	simm.s32 $0x0;
	s21 =	simm.s32 $0x200;
	[sflag:s13] =	ssyncadd.s32 $0xFFFFC700  }
.LBB2_4:
0x39: {  	p1 =	sne.s32 s21, $0xFE00;
	[tilespmem:s20+$0x14F0] =	vst v1  }
0x3a: {  	[tilespmem:s20+$0x1480] =	vst v1  }
0x3b: {  	[tilespmem:s20+$0x1490] =	vst v1  }
.Ltmp1:
0x3c: {  	[tilespmem:s20+$0x14A0] =	vst v1;
	(pc) =	sbr.rel @p1 .LBB2_4-.Ltmp1, $4  }
0x3d: {  	[tilespmem:s20+$0x14B0] =	vst v1  }
0x3e: {  	[tilespmem:s20+$0x14C0] =	vst v1  }
0x3f: {  	[tilespmem:s20+$0x14D0] =	vst v1  }
0x40: {  	[tilespmem:s20+$0x14E0] =	vst v1;
	s20 =	sshra.s32 s21, $0x2;
	s21 =	sadd.s32 $0x200, s21  }
0x41: {  	[tilespmem:s20+$0x14F0] =	vst v1  }
0x42: {  	[tilespmem:s20+$0x1480] =	vst v1  }
0x43: {  	[tilespmem:s20+$0x1490] =	vst v1  }
0x44: {  	[tilespmem:s20+$0x14A0] =	vst v1  }
0x45: {  	[tilespmem:s20+$0x14B0] =	vst v1  }
0x46: {  	[tilespmem:s20+$0x14C0] =	vst v1  }
0x47: {  	[tilespmem:s20+$0x14D0] =	vst v1  }
0x48: {  	[tilespmem:s20+$0x14E0] =	vst v1  }
0x49: {  	s21 =	simm.s32 $0x0;
	[bflag:$0x0] =	sbarrier.arrive $0xFFFF  }
0x4a: {  	v2 =	vld [tilespmem:s21+$0x0];
	_ =	sdelay $0x4  }
0x4b: {  	v3 =	vand.u32 $0xFFFF, v2  }
0x4c: {  	v2 =	vshrl.u32 v2, $0x10;
	[tilespmem:$0x1400] =	vst v3  }
0x4d: {  	[tilespmem:$0x1410] =	vst v2  }
0x4e: {  	v2 =	vld [tilespmem:s21+$0x10];
	_ =	sdelay $0x4  }
0x4f: {  	v3 =	vand.u32 $0xFFFF, v2  }
0x50: {  	v2 =	vshrl.u32 v2, $0x10;
	[tilespmem:$0x1420] =	vst v3  }
0x51: {  	[tilespmem:$0x1430] =	vst v2  }
0x52: {  	v2 =	vld [tilespmem:s21+$0x20];
	_ =	sdelay $0x4  }
0x53: {  	v3 =	vand.u32 $0xFFFF, v2  }
0x54: {  	v2 =	vshrl.u32 v2, $0x10;
	[tilespmem:$0x1440] =	vst v3  }
0x55: {  	[tilespmem:$0x1450] =	vst v2  }
0x56: {  	v2 =	vld [tilespmem:s21+$0x30];
	_ =	sdelay $0x4  }
0x57: {  	v3 =	vand.u32 $0xFFFF, v2  }
0x58: {  	v2 =	vshrl.u32 v2, $0x10;
	[tilespmem:$0x1460] =	vst v3  }
0x59: {  	[tilespmem:$0x1470] =	vst v2  }
0x5a: {  	[spmem:s1] =	stream.indirect.scatter.add.f32 [tilespmem:s14], [sflag:$0x1], $0x80, s16, s15, $0xb8;
	[tilespmem:$0x18D80] =	vst v63  }
0x5b: {  	_ =	swait.ge [sflag:s13], $0x4000  }
0x5c: {  	[sflag:s13] =	ssyncset.done $0x0  }
0x5d: {  	[sflag:s13] =	ssyncadd.s32 $0xFFFFC000  }
0x5e: {  	v2 =	vld [tilespmem:s21+$0x40];
	_ =	sdelay $0x4  }
0x5f: {  	v3 =	vand.u32 $0xFFFF, v2  }
0x60: {  	v2 =	vshrl.u32 v2, $0x10;
	[tilespmem:$0x1400] =	vst v3  }
0x61: {  	[tilespmem:$0x1410] =	vst v2  }
0x62: {  	v2 =	vld [tilespmem:s21+$0x50];
	_ =	sdelay $0x4  }
0x63: {  	v3 =	vand.u32 $0xFFFF, v2  }
0x64: {  	v2 =	vshrl.u32 v2, $0x10;
	[tilespmem:$0x1420] =	vst v3  }
0x65: {  	[tilespmem:$0x1430] =	vst v2  }
0x66: {  	v2 =	vld [tilespmem:s21+$0x60];
	_ =	sdelay $0x4  }
0x67: {  	v3 =	vand.u32 $0xFFFF, v2  }
0x68: {  	v2 =	vshrl.u32 v2, $0x10;
	[tilespmem:$0x1440] =	vst v3  }
0x69: {  	[tilespmem:$0x1450] =	vst v2  }
0x6a: {  	s20 =	simm.s32 $0x200;
	v2 =	vld [tilespmem:s21+$0x70]  }
.LBB2_6:
0x6b: {  	_ =	sdelay $0x1  }
0x6c: {  	p1 =	sne.s32 s20, $0x4E00;
	s21 =	smov.u32 s20;
	s20 =	sadd.s32 $0x200, s20  }
0x6d: {  	_ = 	snop  }
0x6e: {  	v3 =	vand.u32 $0xFFFF, v2;
	v2 =	vshrl.u32 v2, $0x10  }
0x6f: {  	[tilespmem:$0x1460] =	vst v3  }
0x70: {  	[tilespmem:$0x1470] =	vst v2  }
0x71: {  	[spmem:s1] =	stream.indirect.scatter.add.f32 [tilespmem:s14], [sflag:$0x1], $0x80, s16, s15, $0xb8;
	[tilespmem:$0x18D80] =	vst v63  }
0x72: {  	_ =	swait.ge [sflag:s13], $0x4000  }
0x73: {  	[sflag:s13] =	ssyncset.done $0x0  }
0x74: {  	s21 =	sshra.s32 s21, $0x2;
	[sflag:s13] =	ssyncadd.s32 $0xFFFFC000  }
0x75: {  	v2 =	vld [tilespmem:s21+$0x0];
	_ =	sdelay $0x4  }
0x76: {  	v3 =	vand.u32 $0xFFFF, v2;
	v2 =	vshrl.u32 v2, $0x10  }
0x77: {  	[tilespmem:$0x1400] =	vst v3  }
0x78: {  	[tilespmem:$0x1410] =	vst v2  }
0x79: {  	v2 =	vld [tilespmem:s21+$0x10];
	_ =	sdelay $0x4  }
0x7a: {  	v3 =	vand.u32 $0xFFFF, v2;
	v2 =	vshrl.u32 v2, $0x10  }
0x7b: {  	[tilespmem:$0x1420] =	vst v3  }
0x7c: {  	[tilespmem:$0x1430] =	vst v2  }
0x7d: {  	v2 =	vld [tilespmem:s21+$0x20];
	_ =	sdelay $0x4  }
0x7e: {  	v3 =	vand.u32 $0xFFFF, v2;
	v2 =	vshrl.u32 v2, $0x10  }
0x7f: {  	[tilespmem:$0x1440] =	vst v3  }
0x80: {  	[tilespmem:$0x1450] =	vst v2  }
0x81: {  	v2 =	vld [tilespmem:s21+$0x30];
	_ =	sdelay $0x4  }
0x82: {  	v3 =	vand.u32 $0xFFFF, v2;
	v2 =	vshrl.u32 v2, $0x10  }
0x83: {  	[tilespmem:$0x1460] =	vst v3  }
0x84: {  	[tilespmem:$0x1470] =	vst v2  }
0x85: {  	[spmem:s1] =	stream.indirect.scatter.add.f32 [tilespmem:s14], [sflag:$0x1], $0x80, s16, s15, $0xb8;
	[tilespmem:$0x18D80] =	vst v63  }
0x86: {  	_ =	swait.ge [sflag:s13], $0x4000  }
0x87: {  	[sflag:s13] =	ssyncset.done $0x0  }
0x88: {  	[sflag:s13] =	ssyncadd.s32 $0xFFFFC000  }
0x89: {  	v2 =	vld [tilespmem:s21+$0x40];
	_ =	sdelay $0x4  }
0x8a: {  	v3 =	vand.u32 $0xFFFF, v2;
	v2 =	vshrl.u32 v2, $0x10  }
0x8b: {  	[tilespmem:$0x1400] =	vst v3  }
0x8c: {  	[tilespmem:$0x1410] =	vst v2  }
0x8d: {  	v2 =	vld [tilespmem:s21+$0x50];
	_ =	sdelay $0x4  }
0x8e: {  	v3 =	vand.u32 $0xFFFF, v2;
	v2 =	vshrl.u32 v2, $0x10  }
0x8f: {  	[tilespmem:$0x1420] =	vst v3  }
0x90: {  	[tilespmem:$0x1430] =	vst v2  }
0x91: {  	v2 =	vld [tilespmem:s21+$0x60];
	_ =	sdelay $0x3  }
.Ltmp2:
0x92: {  	(pc) =	sbr.rel @p1 .LBB2_6-.Ltmp2, $4  }
0x93: {  	v3 =	vand.u32 $0xFFFF, v2;
	v2 =	vshrl.u32 v2, $0x10  }
0x94: {  	[tilespmem:$0x1440] =	vst v3  }
0x95: {  	[tilespmem:$0x1450] =	vst v2  }
0x96: {  	v2 =	vld [tilespmem:s21+$0x70]  }
0x97: {  	_ =	sdelay $0x3  }
0x98: {  	v3 =	vand.u32 $0xFFFF, v2  }
0x99: {  	v2 =	vshrl.u32 v2, $0x10;
	[tilespmem:$0x1460] =	vst v3  }
0x9a: {  	[tilespmem:$0x1470] =	vst v2  }
0x9b: {  	[spmem:s1] =	stream.indirect.scatter.add.f32 [tilespmem:s14], [sflag:$0x1], $0x80, s16, s15, $0xb8;
	[tilespmem:$0x18D80] =	vst v63  }
0x9c: {  	_ =	swait.ge [sflag:s13], $0x4000  }
0x9d: {  	[sflag:s13] =	ssyncset.done $0x0  }
0x9e: {  	s20 =	sshll.u32 s2, $0x6;
	[sflag:s13] =	ssyncadd.s32 $0xFFFFC000  }
0x9f: {  	s20 =	sor.u32 $0x1C01, s20;
	[bflag:$0x0] =	sbarrier.arrive $0xFFFF  }
0xa0: {  	[hbm:s10], [sflag:s20] =	dma.local [spmem:s17], $0x2700  }
0xa1: {  	_ =	swait.ge [sflag:s13], $0x2700  }
0xa2: {  	s19 =	sadd.s32 $0x1, s19;
	[sflag:s13] =	ssyncset.done $0x0  }
0xa3: {  	p1 =	sne.s32 s19, s12;
	[sflag:s13] =	ssyncadd.s32 $0xFFFFD900  }
0xa4: {  	[hbm:s11], [sflag:s20] =	dma.local @!p0 [spmem:s18], $0x100  }
.Ltmp3:
0xa5: {  	_ = 	snop;
	(pc) =	sbr.rel @p1 .LBB2_1-.Ltmp3, $4  }
0xa6: {  	s20 =	simm.s32 @!p0 $0x1  }
0xa7: {  	_ =	swait.ge @!p0 [sflag:s20], $0x100  }
0xa8: {  	[sflag:s20] =	ssyncset.done @!p0 $0x0  }
0xa9: {  	[sflag:s20] =	ssyncadd.s32 @!p0 $0xFFFFFF00  }
0xaa: {  	_ =	sfence.sel $0x180000  }
0xab: {  	[bflag:$0x0] =	sbarrier.arrive $0xFFFF  }
0xac: {  	_ =	strace $0x90000047  }
0xad: {  	s0 =	sadd.s32 @!p0 $0x100000, s0;
	[bflag:$0x2] =	sbarrier.arrive $0xFFFF  }
0xae: {  	[sflag:s0] =	ssyncadd.tile.s32 @!p0 $0x1;
	_ =	shalt  }
.Lfunc_end2:
_tile_overlayer_lowered:
.L_overlay_start_2:
0xaf: {  	(tag) =	ssettag $0x2  }
0xb0: {  	s0 =	rddreg [dreg:$0x0];
	s2 =	stileid.u32  }
0xb1: {  	s1 =	rddreg [dreg:$0x1];
	p0 =	sne.s32 s2, $0x0  }
0xb2: {  	s3 =	rddreg [dreg:$0x2];
	[bflag:$0x3] =	sbarrier.arrive $0xFFFF;
	s2 =	simm.s32 @!p0 $0x1C01  }
0xb3: {  	[timem:s3], [sflag:s2] =	dma.local @!p0 [hbm:s0], s1  }
0xb4: {  	s0 =	simm.s32 @!p0 $0x1  }
0xb5: {  	_ =	swait.ge @!p0 [sflag:s0], s1  }
0xb6: {  	s1 =	ssub.s32 @!p0 $0x0, s1;
	[sflag:s0] =	ssyncset.done @!p0 $0x0  }
0xb7: {  	[sflag:s0] =	ssyncadd.s32 @!p0 s1  }
0xb8: {  	[bflag:$0x3] =	sbarrier.arrive $0xFFFF  }
0xb9: {  	_ =	shalt  }

</sc_bundles>
